<compile_context>
chip_gen: v7x
topology: tpu7x:2x2x1
jax: 0.10.2.dev20260603
libtpu: 0.0.44.dev20260713+nightly
codegen_flags: <defaults>
</compile_context>

<pallas_src>
import functools

import jax
import jax.numpy as jnp
from jax import lax
from jax.experimental import pallas as pl
from jax.experimental.pallas import tpu as pltpu
from jax.experimental.pallas import tpu_sc as plsc

EMBED = 128
NTYPE = 128
N = 100000

NC = 2
NS = 16
NW = NC * NS
LANES = 16

CHUNK = 400
SUBS = (128, 128, 128, 16)
SUBOFF = (0, 128, 256, 384)
NCHUNKS = N // CHUNK
BASE = NCHUNKS // NW
EXTRA = NCHUNKS - BASE * NW
SLOTS = BASE + 1
STAGE = SLOTS * CHUNK
LAST_STAGE = N - ((NW - 1) * BASE + EXTRA) * CHUNK
PAIRS = -(-SLOTS // 2)
ROWS_PER_TILE = NTYPE // NS

_mesh = plsc.VectorSubcoreMesh(core_axis_name="c", subcore_axis_name="s")


@functools.partial(
    pl.kernel,
    out_type=jax.ShapeDtypeStruct((N, EMBED), jnp.float32),
    mesh=_mesh,
    scratch_types=[
        pltpu.VMEM((STAGE,), jnp.int32),
        pltpu.VMEM((CHUNK, EMBED), jnp.float32),
        pltpu.VMEM((CHUNK, EMBED), jnp.float32),
        pltpu.VMEM((ROWS_PER_TILE, EMBED), jnp.int32),
        pltpu.VMEM((ROWS_PER_TILE, EMBED), jnp.float32),
        pltpu.VMEM((EMBED,), jnp.float32),
        pltpu.VMEM_SHARED((NTYPE, EMBED), jnp.float32),
        pltpu.SemaphoreType.DMA,
        pltpu.SemaphoreType.DMA,
    ],
)
def _sc_embed(w_hbm, b_hbm, idx_hbm, out_hbm,
              idx_v, buf_a, buf_b, widx_v, trows_v, b_v, table_sp,
              sem_a, sem_b):
    sid = lax.axis_index("s")
    wid = sid * NC + lax.axis_index("c")
    start = wid * BASE + jnp.minimum(wid, EXTRA)
    nblk = jnp.where(wid < EXTRA, SLOTS, BASE)

    @pl.when(wid < NW - 1)
    def _():
        pltpu.sync_copy(idx_hbm.at[pl.ds(start * CHUNK, STAGE)], idx_v)

    @pl.when(wid == NW - 1)
    def _():
        pltpu.sync_copy(
            idx_hbm.at[pl.ds(start * CHUNK, LAST_STAGE)],
            idx_v.at[pl.ds(0, LAST_STAGE)],
        )

    pltpu.sync_copy(b_hbm, b_v)
    lane = lax.iota(jnp.int32, LANES)
    for r in range(ROWS_PER_TILE):
        t = sid * ROWS_PER_TILE + r
        for e0 in range(0, EMBED, LANES):
            widx_v[r, pl.ds(e0, LANES)] = (lane + e0) * NTYPE + t
    for r in range(ROWS_PER_TILE):
        pltpu.async_copy(w_hbm.at[widx_v.at[r]], trows_v.at[r], sem_a)
    for r in range(ROWS_PER_TILE):
        pltpu.make_async_copy(w_hbm.at[widx_v.at[r]], trows_v.at[r],
                              sem_a).wait()
    for r in range(ROWS_PER_TILE):
        for e0 in range(0, EMBED, LANES):
            trows_v[r, pl.ds(e0, LANES)] = (
                trows_v[r, pl.ds(e0, LANES)] + b_v[pl.ds(e0, LANES)]
            )
    pltpu.sync_copy(trows_v, table_sp.at[pl.ds(sid * ROWS_PER_TILE,
                                               ROWS_PER_TILE)])
    plsc.subcore_barrier()

    def fire(j, buf, sem):
        @pl.when(j < nblk)
        def _():
            for k in range(len(SUBS)):
                pltpu.async_copy(
                    table_sp.at[idx_v.at[pl.ds((j * CHUNK + SUBOFF[k]) * 1,
                                               SUBS[k])]],
                    buf.at[pl.ds(SUBOFF[k], SUBS[k])],
                    sem,
                )

    def drain_write(j, buf, sem):
        c = start + j

        @pl.when(j < nblk)
        def _():
            pltpu.make_async_copy(
                out_hbm.at[pl.ds(c * CHUNK, CHUNK)], buf, sem
            ).wait()

    fire(0, buf_a, sem_a)

    def body(jj, carry):
        j0 = 2 * jj
        fire(j0 + 1, buf_b, sem_b)
        drain_write(j0, buf_a, sem_a)
        fire(j0 + 2, buf_a, sem_a)
        drain_write(j0 + 1, buf_b, sem_b)
        return carry

    lax.fori_loop(0, PAIRS, body, 0)


def kernel(atom_type, W, b):
    return _sc_embed(W.reshape(-1), b, atom_type.astype(jnp.int32))

# --- scband reference (transcript-rebuilt; emitter-appended) ---
"""Pipeline reference for scband-embed-atom-71992241815595 (READ-ONLY COPY).

The authoritative reference and input builder live on the scoring server;
editing this copy changes nothing except your own understanding.
"""

import jax, jax.numpy as jnp
import numpy as np

EMBED_DIM = 128
MAX_ATOM_TYPE = 128
N_ATOMS = 100000

def setup_inputs(seed: int = 0) -> dict:
    key = jax.random.key(seed)
    k1, k2, k3 = jax.random.split(key, 3)
    atom_type = jax.random.randint(k1, (N_ATOMS,), 0, MAX_ATOM_TYPE, dtype=jnp.int64 if jax.config.jax_enable_x64 else jnp.int32)
    # nn.Linear(max_atom_type, embed_dim): weight [embed_dim, max_atom_type], bias [embed_dim]
    bound = 1.0 / np.sqrt(MAX_ATOM_TYPE)
    W = jax.random.uniform(k2, (EMBED_DIM, MAX_ATOM_TYPE), minval=-bound, maxval=bound, dtype=jnp.float32)
    b = jax.random.uniform(k3, (EMBED_DIM,), minval=-bound, maxval=bound, dtype=jnp.float32)
    return {"atom_type": atom_type, "W": W, "b": b}

def reference(atom_type, W, b):
    # one_hot -> float, then Linear: y = onehot @ W.T + b
    onehot = jax.nn.one_hot(atom_type, MAX_ATOM_TYPE, dtype=jnp.float32)
    embeded = onehot @ W.T + b
    return embeded

if __name__ == "__main__":
    import jax
    _d = setup_inputs()
    print(jax.jit(kernel)(*tuple(_d.values())))

</pallas_src>

<mosaic_0001>
#map = affine_map<(d0, d1) -> (0)>
#map1 = affine_map<(d0, d1) -> (0, 0)>
module attributes {stable_mosaic.version = 14 : i64} {
  func.func @_sc_embed(%arg0: i32, %arg1: i32, %arg2: memref<16384xf32, #tpu.memory_space<hbm>>, %arg3: memref<128xf32, #tpu.memory_space<hbm>>, %arg4: memref<100000xi32, #tpu.memory_space<hbm>>, %arg5: memref<100000x128xf32, #tpu.memory_space<hbm>>, %arg6: memref<3200xi32, #tpu.memory_space<vmem>>, %arg7: memref<400x128xf32, #tpu.memory_space<vmem>>, %arg8: memref<400x128xf32, #tpu.memory_space<vmem>>, %arg9: memref<8x128xi32, #tpu.memory_space<vmem>>, %arg10: memref<8x128xf32, #tpu.memory_space<vmem>>, %arg11: memref<128xf32, #tpu.memory_space<vmem>>, %arg12: memref<128x128xf32, #tpu.memory_space<vmem_shared>>, %arg13: memref<!tpu.dma_semaphore, #tpu.memory_space<semaphore_mem>>, %arg14: memref<!tpu.dma_semaphore, #tpu.memory_space<semaphore_mem>>) attributes {dimension_semantics = [#tpu.dimension_semantics<core_parallel>, #tpu.dimension_semantics<subcore_parallel>], iteration_bounds = array<i64: 2, 16>, scalar_prefetch = 0 : i64, scratch_operands = 9 : i64, tpu.core_type = #tpu.core_type<sc_vector_subcore>, window_params = [{transform_indices = #map}, {transform_indices = #map}, {transform_indices = #map}, {transform_indices = #map1}]} {
    %mul3A = arith.constant 2 : i32
    %mul3A_0 = arith.muli %arg1, %mul3A : i32
    %add3A = arith.addi %mul3A_0, %arg0 : i32
    %mul3A_1 = arith.constant 7 : i32
    %mul3A_2 = arith.muli %add3A, %mul3A_1 : i32
    %min3A = arith.constant 26 : i32
    %min3A_3 = arith.minsi %add3A, %min3A : i32
    %add3A_4 = arith.addi %mul3A_2, %min3A_3 : i32
    %lt3A = arith.constant 26 : i32
    %lt3A_5 = arith.cmpi slt, %add3A, %lt3A : i32
    %jit3A = arith.constant 8 : i32
    %jit3A_6 = arith.constant 7 : i32
    %select_n3A = arith.select %lt3A_5, %jit3A, %jit3A_6 : i32
    %lt3A_7 = arith.constant 31 : i32
    %lt3A_8 = arith.cmpi slt, %add3A, %lt3A_7 : i32
    %convert_element_type3A = arith.extui %lt3A_8 : i1 to i32
    %cond3A = arith.constant 0 : i32
    %cond3A_9 = arith.cmpi ne, %convert_element_type3A, %cond3A : i32
    scf.if %cond3A_9 {
      %mul3A_2069 = arith.constant 400 : i32
      %mul3A_2070 = arith.muli %add3A_4, %mul3A_2069 : i32
      "tpu.region"() ({
        %run_scoped3A = tpu.sem_alloc : memref<!tpu.dma_semaphore, #tpu.memory_space<semaphore_mem>>
        %dma_start3A_2071 = tpu.memref_slice %arg4[%mul3A_2070] : memref<100000xi32, #tpu.memory_space<hbm>> -> memref<3200xi32, #tpu.memory_space<hbm>>
        %dma_start3A_2072 = tpu.memref_slice %arg4[%mul3A_2070] : memref<100000xi32, #tpu.memory_space<hbm>> -> memref<3200xi32, #tpu.memory_space<hbm>>
        tpu.enqueue_dma source(%dma_start3A_2072 : memref<3200xi32, #tpu.memory_space<hbm>>) target(%arg6 : memref<3200xi32, #tpu.memory_space<vmem>>) target_semaphore(%run_scoped3A : memref<!tpu.dma_semaphore, #tpu.memory_space<semaphore_mem>>)
        %dma_wait3A_2073 = tpu.memref_slice %arg4[%mul3A_2070] : memref<100000xi32, #tpu.memory_space<hbm>> -> memref<3200xi32, #tpu.memory_space<hbm>>
        %dma_wait3A_2074 = tpu.memref_slice %arg4[%mul3A_2070] : memref<100000xi32, #tpu.memory_space<hbm>> -> memref<3200xi32, #tpu.memory_space<hbm>>
        tpu.wait_dma2 semaphore(%run_scoped3A : memref<!tpu.dma_semaphore, #tpu.memory_space<semaphore_mem>>) src(%dma_wait3A_2074 : memref<3200xi32, #tpu.memory_space<hbm>>) dst(%arg6 : memref<3200xi32, #tpu.memory_space<vmem>>)
        tpu.yield
      }) : () -> ()
    } else {
    }
    %eq3A = arith.constant 31 : i32
    %eq3A_10 = arith.cmpi eq, %add3A, %eq3A : i32
    %convert_element_type3A_11 = arith.extui %eq3A_10 : i1 to i32
    %cond3A_12 = arith.constant 0 : i32
    %cond3A_13 = arith.cmpi ne, %convert_element_type3A_11, %cond3A_12 : i32
    scf.if %cond3A_13 {
      %mul3A_2069 = arith.constant 400 : i32
      %mul3A_2070 = arith.muli %add3A_4, %mul3A_2069 : i32
      "tpu.region"() ({
        %run_scoped3A = tpu.sem_alloc : memref<!tpu.dma_semaphore, #tpu.memory_space<semaphore_mem>>
        %dma_start3A_2071 = arith.constant 0 : i32
        %dma_start3A_2072 = tpu.memref_slice %arg6[%dma_start3A_2071] : memref<3200xi32, #tpu.memory_space<vmem>> -> memref<2800xi32, #tpu.memory_space<vmem>>
        %dma_start3A_2073 = tpu.memref_slice %arg4[%mul3A_2070] : memref<100000xi32, #tpu.memory_space<hbm>> -> memref<2800xi32, #tpu.memory_space<hbm>>
        %dma_start3A_2074 = arith.constant 0 : i32
        %dma_start3A_2075 = tpu.memref_slice %arg6[%dma_start3A_2074] : memref<3200xi32, #tpu.memory_space<vmem>> -> memref<2800xi32, #tpu.memory_space<vmem>>
        %dma_start3A_2076 = tpu.memref_slice %arg4[%mul3A_2070] : memref<100000xi32, #tpu.memory_space<hbm>> -> memref<2800xi32, #tpu.memory_space<hbm>>
        tpu.enqueue_dma source(%dma_start3A_2076 : memref<2800xi32, #tpu.memory_space<hbm>>) target(%dma_start3A_2075 : memref<2800xi32, #tpu.memory_space<vmem>>) target_semaphore(%run_scoped3A : memref<!tpu.dma_semaphore, #tpu.memory_space<semaphore_mem>>)
        %dma_wait3A_2077 = arith.constant 0 : i32
        %dma_wait3A_2078 = tpu.memref_slice %arg6[%dma_wait3A_2077] : memref<3200xi32, #tpu.memory_space<vmem>> -> memref<2800xi32, #tpu.memory_space<vmem>>
        %dma_wait3A_2079 = tpu.memref_slice %arg4[%mul3A_2070] : memref<100000xi32, #tpu.memory_space<hbm>> -> memref<2800xi32, #tpu.memory_space<hbm>>
        %dma_wait3A_2080 = arith.constant 0 : i32
        %dma_wait3A_2081 = tpu.memref_slice %arg6[%dma_wait3A_2080] : memref<3200xi32, #tpu.memory_space<vmem>> -> memref<2800xi32, #tpu.memory_space<vmem>>
        %dma_wait3A_2082 = tpu.memref_slice %arg4[%mul3A_2070] : memref<100000xi32, #tpu.memory_space<hbm>> -> memref<2800xi32, #tpu.memory_space<hbm>>
        tpu.wait_dma2 semaphore(%run_scoped3A : memref<!tpu.dma_semaphore, #tpu.memory_space<semaphore_mem>>) src(%dma_wait3A_2082 : memref<2800xi32, #tpu.memory_space<hbm>>) dst(%dma_wait3A_2081 : memref<2800xi32, #tpu.memory_space<vmem>>)
        tpu.yield
      }) : () -> ()
    } else {
    }
    "tpu.region"() ({
      %run_scoped3A = tpu.sem_alloc : memref<!tpu.dma_semaphore, #tpu.memory_space<semaphore_mem>>
      tpu.enqueue_dma source(%arg3 : memref<128xf32, #tpu.memory_space<hbm>>) target(%arg11 : memref<128xf32, #tpu.memory_space<vmem>>) target_semaphore(%run_scoped3A : memref<!tpu.dma_semaphore, #tpu.memory_space<semaphore_mem>>)
      tpu.wait_dma2 semaphore(%run_scoped3A : memref<!tpu.dma_semaphore, #tpu.memory_space<semaphore_mem>>) src(%arg3 : memref<128xf32, #tpu.memory_space<hbm>>) dst(%arg11 : memref<128xf32, #tpu.memory_space<vmem>>)
      tpu.yield
    }) : () -> ()
    %iota3A = tpu.iota {dimensions = array<i32: 0>} : vector<16xi32>
    %mul3A_14 = arith.constant 8 : i32
    %mul3A_15 = arith.muli %arg1, %mul3A_14 : i32
    %add3A_16 = arith.constant 0 : i32
    %add3A_17 = arith.addi %mul3A_15, %add3A_16 : i32
    %add3A_18 = arith.constant 0 : i32
    %add3A_19 = vector.broadcast %add3A_18 : i32 to vector<16xi32>
    %add3A_20 = arith.addi %iota3A, %add3A_19 : vector<16xi32>
    %mul3A_21 = arith.constant 128 : i32
    %mul3A_22 = vector.broadcast %mul3A_21 : i32 to vector<16xi32>
    %mul3A_23 = arith.muli %add3A_20, %mul3A_22 : vector<16xi32>
    %add3A_24 = vector.broadcast %add3A_17 : i32 to vector<16xi32>
    %add3A_25 = arith.addi %mul3A_23, %add3A_24 : vector<16xi32>
    %swap3A = arith.constant 0 : i32
    %swap3A_26 = arith.index_cast %swap3A : i32 to index
    %swap3A_27 = arith.constant 0 : index
    %swap3A_28 = tpu.vector_load %arg9[%swap3A_26, %swap3A_27] {strides = array<i32>} : memref<8x128xi32, #tpu.memory_space<vmem>>, vector<1x16xi32>,
    %swap3A_29 = vector.shape_cast %swap3A_28 : vector<1x16xi32> to vector<16xi32>
    %swap3A_30 = vector.shape_cast %add3A_25 : vector<16xi32> to vector<1x16xi32>
    tpu.vector_store %arg9[%swap3A_26, %swap3A_27], %swap3A_30 {strides = array<i32>} : memref<8x128xi32, #tpu.memory_space<vmem>>, vector<1x16xi32>,
    %add3A_31 = arith.constant 16 : i32
    %add3A_32 = vector.broadcast %add3A_31 : i32 to vector<16xi32>
    %add3A_33 = arith.addi %iota3A, %add3A_32 : vector<16xi32>
    %mul3A_34 = arith.constant 128 : i32
    %mul3A_35 = vector.broadcast %mul3A_34 : i32 to vector<16xi32>
    %mul3A_36 = arith.muli %add3A_33, %mul3A_35 : vector<16xi32>
    %add3A_37 = vector.broadcast %add3A_17 : i32 to vector<16xi32>
    %add3A_38 = arith.addi %mul3A_36, %add3A_37 : vector<16xi32>
    %swap3A_39 = arith.constant 0 : i32
    %swap3A_40 = arith.index_cast %swap3A_39 : i32 to index
    %swap3A_41 = arith.constant 16 : index
    %swap3A_42 = tpu.vector_load %arg9[%swap3A_40, %swap3A_41] {strides = array<i32>} : memref<8x128xi32, #tpu.memory_space<vmem>>, vector<1x16xi32>,
    %swap3A_43 = vector.shape_cast %swap3A_42 : vector<1x16xi32> to vector<16xi32>
    %swap3A_44 = vector.shape_cast %add3A_38 : vector<16xi32> to vector<1x16xi32>
    tpu.vector_store %arg9[%swap3A_40, %swap3A_41], %swap3A_44 {strides = array<i32>} : memref<8x128xi32, #tpu.memory_space<vmem>>, vector<1x16xi32>,
    %add3A_45 = arith.constant 32 : i32
    %add3A_46 = vector.broadcast %add3A_45 : i32 to vector<16xi32>
    %add3A_47 = arith.addi %iota3A, %add3A_46 : vector<16xi32>
    %mul3A_48 = arith.constant 128 : i32
    %mul3A_49 = vector.broadcast %mul3A_48 : i32 to vector<16xi32>
    %mul3A_50 = arith.muli %add3A_47, %mul3A_49 : vector<16xi32>
    %add3A_51 = vector.broadcast %add3A_17 : i32 to vector<16xi32>
    %add3A_52 = arith.addi %mul3A_50, %add3A_51 : vector<16xi32>
    %swap3A_53 = arith.constant 0 : i32
    %swap3A_54 = arith.index_cast %swap3A_53 : i32 to index
    %swap3A_55 = arith.constant 32 : index
    %swap3A_56 = tpu.vector_load %arg9[%swap3A_54, %swap3A_55] {strides = array<i32>} : memref<8x128xi32, #tpu.memory_space<vmem>>, vector<1x16xi32>,
    %swap3A_57 = vector.shape_cast %swap3A_56 : vector<1x16xi32> to vector<16xi32>
    %swap3A_58 = vector.shape_cast %add3A_52 : vector<16xi32> to vector<1x16xi32>
    tpu.vector_store %arg9[%swap3A_54, %swap3A_55], %swap3A_58 {strides = array<i32>} : memref<8x128xi32, #tpu.memory_space<vmem>>, vector<1x16xi32>,
    %add3A_59 = arith.constant 48 : i32
    %add3A_60 = vector.broadcast %add3A_59 : i32 to vector<16xi32>
    %add3A_61 = arith.addi %iota3A, %add3A_60 : vector<16xi32>
    %mul3A_62 = arith.constant 128 : i32
    %mul3A_63 = vector.broadcast %mul3A_62 : i32 to vector<16xi32>
    %mul3A_64 = arith.muli %add3A_61, %mul3A_63 : vector<16xi32>
    %add3A_65 = vector.broadcast %add3A_17 : i32 to vector<16xi32>
    %add3A_66 = arith.addi %mul3A_64, %add3A_65 : vector<16xi32>
    %swap3A_67 = arith.constant 0 : i32
    %swap3A_68 = arith.index_cast %swap3A_67 : i32 to index
    %swap3A_69 = arith.constant 48 : index
    %swap3A_70 = tpu.vector_load %arg9[%swap3A_68, %swap3A_69] {strides = array<i32>} : memref<8x128xi32, #tpu.memory_space<vmem>>, vector<1x16xi32>,
    %swap3A_71 = vector.shape_cast %swap3A_70 : vector<1x16xi32> to vector<16xi32>
    %swap3A_72 = vector.shape_cast %add3A_66 : vector<16xi32> to vector<1x16xi32>
    tpu.vector_store %arg9[%swap3A_68, %swap3A_69], %swap3A_72 {strides = array<i32>} : memref<8x128xi32, #tpu.memory_space<vmem>>, vector<1x16xi32>,
    %add3A_73 = arith.constant 64 : i32
    %add3A_74 = vector.broadcast %add3A_73 : i32 to vector<16xi32>
    %add3A_75 = arith.addi %iota3A, %add3A_74 : vector<16xi32>
    %mul3A_76 = arith.constant 128 : i32
    %mul3A_77 = vector.broadcast %mul3A_76 : i32 to vector<16xi32>
    %mul3A_78 = arith.muli %add3A_75, %mul3A_77 : vector<16xi32>
    %add3A_79 = vector.broadcast %add3A_17 : i32 to vector<16xi32>
    %add3A_80 = arith.addi %mul3A_78, %add3A_79 : vector<16xi32>
    %swap3A_81 = arith.constant 0 : i32
    %swap3A_82 = arith.index_cast %swap3A_81 : i32 to index
    %swap3A_83 = arith.constant 64 : index
    %swap3A_84 = tpu.vector_load %arg9[%swap3A_82, %swap3A_83] {strides = array<i32>} : memref<8x128xi32, #tpu.memory_space<vmem>>, vector<1x16xi32>,
    %swap3A_85 = vector.shape_cast %swap3A_84 : vector<1x16xi32> to vector<16xi32>
    %swap3A_86 = vector.shape_cast %add3A_80 : vector<16xi32> to vector<1x16xi32>
    tpu.vector_store %arg9[%swap3A_82, %swap3A_83], %swap3A_86 {strides = array<i32>} : memref<8x128xi32, #tpu.memory_space<vmem>>, vector<1x16xi32>,
    %add3A_87 = arith.constant 80 : i32
    %add3A_88 = vector.broadcast %add3A_87 : i32 to vector<16xi32>
    %add3A_89 = arith.addi %iota3A, %add3A_88 : vector<16xi32>
    %mul3A_90 = arith.constant 128 : i32
    %mul3A_91 = vector.broadcast %mul3A_90 : i32 to vector<16xi32>
    %mul3A_92 = arith.muli %add3A_89, %mul3A_91 : vector<16xi32>
    %add3A_93 = vector.broadcast %add3A_17 : i32 to vector<16xi32>
    %add3A_94 = arith.addi %mul3A_92, %add3A_93 : vector<16xi32>
    %swap3A_95 = arith.constant 0 : i32
    %swap3A_96 = arith.index_cast %swap3A_95 : i32 to index
    %swap3A_97 = arith.constant 80 : index
    %swap3A_98 = tpu.vector_load %arg9[%swap3A_96, %swap3A_97] {strides = array<i32>} : memref<8x128xi32, #tpu.memory_space<vmem>>, vector<1x16xi32>,
    %swap3A_99 = vector.shape_cast %swap3A_98 : vector<1x16xi32> to vector<16xi32>
    %swap3A_100 = vector.shape_cast %add3A_94 : vector<16xi32> to vector<1x16xi32>
    tpu.vector_store %arg9[%swap3A_96, %swap3A_97], %swap3A_100 {strides = array<i32>} : memref<8x128xi32, #tpu.memory_space<vmem>>, vector<1x16xi32>,
    %add3A_101 = arith.constant 96 : i32
    %add3A_102 = vector.broadcast %add3A_101 : i32 to vector<16xi32>
    %add3A_103 = arith.addi %iota3A, %add3A_102 : vector<16xi32>
    %mul3A_104 = arith.constant 128 : i32
    %mul3A_105 = vector.broadcast %mul3A_104 : i32 to vector<16xi32>
    %mul3A_106 = arith.muli %add3A_103, %mul3A_105 : vector<16xi32>
    %add3A_107 = vector.broadcast %add3A_17 : i32 to vector<16xi32>
    %add3A_108 = arith.addi %mul3A_106, %add3A_107 : vector<16xi32>
    %swap3A_109 = arith.constant 0 : i32
    %swap3A_110 = arith.index_cast %swap3A_109 : i32 to index
    %swap3A_111 = arith.constant 96 : index
    %swap3A_112 = tpu.vector_load %arg9[%swap3A_110, %swap3A_111] {strides = array<i32>} : memref<8x128xi32, #tpu.memory_space<vmem>>, vector<1x16xi32>,
    %swap3A_113 = vector.shape_cast %swap3A_112 : vector<1x16xi32> to vector<16xi32>
    %swap3A_114 = vector.shape_cast %add3A_108 : vector<16xi32> to vector<1x16xi32>
    tpu.vector_store %arg9[%swap3A_110, %swap3A_111], %swap3A_114 {strides = array<i32>} : memref<8x128xi32, #tpu.memory_space<vmem>>, vector<1x16xi32>,
    %add3A_115 = arith.constant 112 : i32
    %add3A_116 = vector.broadcast %add3A_115 : i32 to vector<16xi32>
    %add3A_117 = arith.addi %iota3A, %add3A_116 : vector<16xi32>
    %mul3A_118 = arith.constant 128 : i32
    %mul3A_119 = vector.broadcast %mul3A_118 : i32 to vector<16xi32>
    %mul3A_120 = arith.muli %add3A_117, %mul3A_119 : vector<16xi32>
    %add3A_121 = vector.broadcast %add3A_17 : i32 to vector<16xi32>
    %add3A_122 = arith.addi %mul3A_120, %add3A_121 : vector<16xi32>
    %swap3A_123 = arith.constant 0 : i32
    %swap3A_124 = arith.index_cast %swap3A_123 : i32 to index
    %swap3A_125 = arith.constant 112 : index
    %swap3A_126 = tpu.vector_load %arg9[%swap3A_124, %swap3A_125] {strides = array<i32>} : memref<8x128xi32, #tpu.memory_space<vmem>>, vector<1x16xi32>,
    %swap3A_127 = vector.shape_cast %swap3A_126 : vector<1x16xi32> to vector<16xi32>
    %swap3A_128 = vector.shape_cast %add3A_122 : vector<16xi32> to vector<1x16xi32>
    tpu.vector_store %arg9[%swap3A_124, %swap3A_125], %swap3A_128 {strides = array<i32>} : memref<8x128xi32, #tpu.memory_space<vmem>>, vector<1x16xi32>,
    %mul3A_129 = arith.constant 8 : i32
    %mul3A_130 = arith.muli %arg1, %mul3A_129 : i32
    %add3A_131 = arith.constant 1 : i32
    %add3A_132 = arith.addi %mul3A_130, %add3A_131 : i32
    %add3A_133 = arith.constant 0 : i32
    %add3A_134 = vector.broadcast %add3A_133 : i32 to vector<16xi32>
    %add3A_135 = arith.addi %iota3A, %add3A_134 : vector<16xi32>
    %mul3A_136 = arith.constant 128 : i32
    %mul3A_137 = vector.broadcast %mul3A_136 : i32 to vector<16xi32>
    %mul3A_138 = arith.muli %add3A_135, %mul3A_137 : vector<16xi32>
    %add3A_139 = vector.broadcast %add3A_132 : i32 to vector<16xi32>
    %add3A_140 = arith.addi %mul3A_138, %add3A_139 : vector<16xi32>
    %swap3A_141 = arith.constant 1 : i32
    %swap3A_142 = arith.index_cast %swap3A_141 : i32 to index
    %swap3A_143 = arith.constant 0 : index
    %swap3A_144 = tpu.vector_load %arg9[%swap3A_142, %swap3A_143] {strides = array<i32>} : memref<8x128xi32, #tpu.memory_space<vmem>>, vector<1x16xi32>,
    %swap3A_145 = vector.shape_cast %swap3A_144 : vector<1x16xi32> to vector<16xi32>
    %swap3A_146 = vector.shape_cast %add3A_140 : vector<16xi32> to vector<1x16xi32>
    tpu.vector_store %arg9[%swap3A_142, %swap3A_143], %swap3A_146 {strides = array<i32>} : memref<8x128xi32, #tpu.memory_space<vmem>>, vector<1x16xi32>,
    %add3A_147 = arith.constant 16 : i32
    %add3A_148 = vector.broadcast %add3A_147 : i32 to vector<16xi32>
    %add3A_149 = arith.addi %iota3A, %add3A_148 : vector<16xi32>
    %mul3A_150 = arith.constant 128 : i32
    %mul3A_151 = vector.broadcast %mul3A_150 : i32 to vector<16xi32>
    %mul3A_152 = arith.muli %add3A_149, %mul3A_151 : vector<16xi32>
    %add3A_153 = vector.broadcast %add3A_132 : i32 to vector<16xi32>
    %add3A_154 = arith.addi %mul3A_152, %add3A_153 : vector<16xi32>
    %swap3A_155 = arith.constant 1 : i32
    %swap3A_156 = arith.index_cast %swap3A_155 : i32 to index
    %swap3A_157 = arith.constant 16 : index
    %swap3A_158 = tpu.vector_load %arg9[%swap3A_156, %swap3A_157] {strides = array<i32>} : memref<8x128xi32, #tpu.memory_space<vmem>>, vector<1x16xi32>,
    %swap3A_159 = vector.shape_cast %swap3A_158 : vector<1x16xi32> to vector<16xi32>
    %swap3A_160 = vector.shape_cast %add3A_154 : vector<16xi32> to vector<1x16xi32>
    tpu.vector_store %arg9[%swap3A_156, %swap3A_157], %swap3A_160 {strides = array<i32>} : memref<8x128xi32, #tpu.memory_space<vmem>>, vector<1x16xi32>,
    %add3A_161 = arith.constant 32 : i32
    %add3A_162 = vector.broadcast %add3A_161 : i32 to vector<16xi32>
    %add3A_163 = arith.addi %iota3A, %add3A_162 : vector<16xi32>
    %mul3A_164 = arith.constant 128 : i32
    %mul3A_165 = vector.broadcast %mul3A_164 : i32 to vector<16xi32>
    %mul3A_166 = arith.muli %add3A_163, %mul3A_165 : vector<16xi32>
    %add3A_167 = vector.broadcast %add3A_132 : i32 to vector<16xi32>
    %add3A_168 = arith.addi %mul3A_166, %add3A_167 : vector<16xi32>
    %swap3A_169 = arith.constant 1 : i32
    %swap3A_170 = arith.index_cast %swap3A_169 : i32 to index
    %swap3A_171 = arith.constant 32 : index
    %swap3A_172 = tpu.vector_load %arg9[%swap3A_170, %swap3A_171] {strides = array<i32>} : memref<8x128xi32, #tpu.memory_space<vmem>>, vector<1x16xi32>,
    %swap3A_173 = vector.shape_cast %swap3A_172 : vector<1x16xi32> to vector<16xi32>
    %swap3A_174 = vector.shape_cast %add3A_168 : vector<16xi32> to vector<1x16xi32>
    tpu.vector_store %arg9[%swap3A_170, %swap3A_171], %swap3A_174 {strides = array<i32>} : memref<8x128xi32, #tpu.memory_space<vmem>>, vector<1x16xi32>,
    %add3A_175 = arith.constant 48 : i32
    %add3A_176 = vector.broadcast %add3A_175 : i32 to vector<16xi32>
    %add3A_177 = arith.addi %iota3A, %add3A_176 : vector<16xi32>
    %mul3A_178 = arith.constant 128 : i32
    %mul3A_179 = vector.broadcast %mul3A_178 : i32 to vector<16xi32>
    %mul3A_180 = arith.muli %add3A_177, %mul3A_179 : vector<16xi32>
    %add3A_181 = vector.broadcast %add3A_132 : i32 to vector<16xi32>
    %add3A_182 = arith.addi %mul3A_180, %add3A_181 : vector<16xi32>
    %swap3A_183 = arith.constant 1 : i32
    %swap3A_184 = arith.index_cast %swap3A_183 : i32 to index
    %swap3A_185 = arith.constant 48 : index
    %swap3A_186 = tpu.vector_load %arg9[%swap3A_184, %swap3A_185] {strides = array<i32>} : memref<8x128xi32, #tpu.memory_space<vmem>>, vector<1x16xi32>,
    %swap3A_187 = vector.shape_cast %swap3A_186 : vector<1x16xi32> to vector<16xi32>
    %swap3A_188 = vector.shape_cast %add3A_182 : vector<16xi32> to vector<1x16xi32>
    tpu.vector_store %arg9[%swap3A_184, %swap3A_185], %swap3A_188 {strides = array<i32>} : memref<8x128xi32, #tpu.memory_space<vmem>>, vector<1x16xi32>,
    %add3A_189 = arith.constant 64 : i32
    %add3A_190 = vector.broadcast %add3A_189 : i32 to vector<16xi32>
    %add3A_191 = arith.addi %iota3A, %add3A_190 : vector<16xi32>
    %mul3A_192 = arith.constant 128 : i32
    %mul3A_193 = vector.broadcast %mul3A_192 : i32 to vector<16xi32>
    %mul3A_194 = arith.muli %add3A_191, %mul3A_193 : vector<16xi32>
    %add3A_195 = vector.broadcast %add3A_132 : i32 to vector<16xi32>
    %add3A_196 = arith.addi %mul3A_194, %add3A_195 : vector<16xi32>
    %swap3A_197 = arith.constant 1 : i32
    %swap3A_198 = arith.index_cast %swap3A_197 : i32 to index
    %swap3A_199 = arith.constant 64 : index
    %swap3A_200 = tpu.vector_load %arg9[%swap3A_198, %swap3A_199] {strides = array<i32>} : memref<8x128xi32, #tpu.memory_space<vmem>>, vector<1x16xi32>,
    %swap3A_201 = vector.shape_cast %swap3A_200 : vector<1x16xi32> to vector<16xi32>
    %swap3A_202 = vector.shape_cast %add3A_196 : vector<16xi32> to vector<1x16xi32>
    tpu.vector_store %arg9[%swap3A_198, %swap3A_199], %swap3A_202 {strides = array<i32>} : memref<8x128xi32, #tpu.memory_space<vmem>>, vector<1x16xi32>,
    %add3A_203 = arith.constant 80 : i32
    %add3A_204 = vector.broadcast %add3A_203 : i32 to vector<16xi32>
    %add3A_205 = arith.addi %iota3A, %add3A_204 : vector<16xi32>
    %mul3A_206 = arith.constant 128 : i32
    %mul3A_207 = vector.broadcast %mul3A_206 : i32 to vector<16xi32>
    %mul3A_208 = arith.muli %add3A_205, %mul3A_207 : vector<16xi32>
    %add3A_209 = vector.broadcast %add3A_132 : i32 to vector<16xi32>
    %add3A_210 = arith.addi %mul3A_208, %add3A_209 : vector<16xi32>
    %swap3A_211 = arith.constant 1 : i32
    %swap3A_212 = arith.index_cast %swap3A_211 : i32 to index
    %swap3A_213 = arith.constant 80 : index
    %swap3A_214 = tpu.vector_load %arg9[%swap3A_212, %swap3A_213] {strides = array<i32>} : memref<8x128xi32, #tpu.memory_space<vmem>>, vector<1x16xi32>,
    %swap3A_215 = vector.shape_cast %swap3A_214 : vector<1x16xi32> to vector<16xi32>
    %swap3A_216 = vector.shape_cast %add3A_210 : vector<16xi32> to vector<1x16xi32>
    tpu.vector_store %arg9[%swap3A_212, %swap3A_213], %swap3A_216 {strides = array<i32>} : memref<8x128xi32, #tpu.memory_space<vmem>>, vector<1x16xi32>,
    %add3A_217 = arith.constant 96 : i32
    %add3A_218 = vector.broadcast %add3A_217 : i32 to vector<16xi32>
    %add3A_219 = arith.addi %iota3A, %add3A_218 : vector<16xi32>
    %mul3A_220 = arith.constant 128 : i32
    %mul3A_221 = vector.broadcast %mul3A_220 : i32 to vector<16xi32>
    %mul3A_222 = arith.muli %add3A_219, %mul3A_221 : vector<16xi32>
    %add3A_223 = vector.broadcast %add3A_132 : i32 to vector<16xi32>
    %add3A_224 = arith.addi %mul3A_222, %add3A_223 : vector<16xi32>
    %swap3A_225 = arith.constant 1 : i32
    %swap3A_226 = arith.index_cast %swap3A_225 : i32 to index
    %swap3A_227 = arith.constant 96 : index
    %swap3A_228 = tpu.vector_load %arg9[%swap3A_226, %swap3A_227] {strides = array<i32>} : memref<8x128xi32, #tpu.memory_space<vmem>>, vector<1x16xi32>,
    %swap3A_229 = vector.shape_cast %swap3A_228 : vector<1x16xi32> to vector<16xi32>
    %swap3A_230 = vector.shape_cast %add3A_224 : vector<16xi32> to vector<1x16xi32>
    tpu.vector_store %arg9[%swap3A_226, %swap3A_227], %swap3A_230 {strides = array<i32>} : memref<8x128xi32, #tpu.memory_space<vmem>>, vector<1x16xi32>,
    %add3A_231 = arith.constant 112 : i32
    %add3A_232 = vector.broadcast %add3A_231 : i32 to vector<16xi32>
    %add3A_233 = arith.addi %iota3A, %add3A_232 : vector<16xi32>
    %mul3A_234 = arith.constant 128 : i32
    %mul3A_235 = vector.broadcast %mul3A_234 : i32 to vector<16xi32>
    %mul3A_236 = arith.muli %add3A_233, %mul3A_235 : vector<16xi32>
    %add3A_237 = vector.broadcast %add3A_132 : i32 to vector<16xi32>
    %add3A_238 = arith.addi %mul3A_236, %add3A_237 : vector<16xi32>
    %swap3A_239 = arith.constant 1 : i32
    %swap3A_240 = arith.index_cast %swap3A_239 : i32 to index
    %swap3A_241 = arith.constant 112 : index
    %swap3A_242 = tpu.vector_load %arg9[%swap3A_240, %swap3A_241] {strides = array<i32>} : memref<8x128xi32, #tpu.memory_space<vmem>>, vector<1x16xi32>,
    %swap3A_243 = vector.shape_cast %swap3A_242 : vector<1x16xi32> to vector<16xi32>
    %swap3A_244 = vector.shape_cast %add3A_238 : vector<16xi32> to vector<1x16xi32>
    tpu.vector_store %arg9[%swap3A_240, %swap3A_241], %swap3A_244 {strides = array<i32>} : memref<8x128xi32, #tpu.memory_space<vmem>>, vector<1x16xi32>,
    %mul3A_245 = arith.constant 8 : i32
    %mul3A_246 = arith.muli %arg1, %mul3A_245 : i32
    %add3A_247 = arith.constant 2 : i32
    %add3A_248 = arith.addi %mul3A_246, %add3A_247 : i32
    %add3A_249 = arith.constant 0 : i32
    %add3A_250 = vector.broadcast %add3A_249 : i32 to vector<16xi32>
    %add3A_251 = arith.addi %iota3A, %add3A_250 : vector<16xi32>
    %mul3A_252 = arith.constant 128 : i32
    %mul3A_253 = vector.broadcast %mul3A_252 : i32 to vector<16xi32>
    %mul3A_254 = arith.muli %add3A_251, %mul3A_253 : vector<16xi32>
    %add3A_255 = vector.broadcast %add3A_248 : i32 to vector<16xi32>
    %add3A_256 = arith.addi %mul3A_254, %add3A_255 : vector<16xi32>
    %swap3A_257 = arith.constant 2 : i32
    %swap3A_258 = arith.index_cast %swap3A_257 : i32 to index
    %swap3A_259 = arith.constant 0 : index
    %swap3A_260 = tpu.vector_load %arg9[%swap3A_258, %swap3A_259] {strides = array<i32>} : memref<8x128xi32, #tpu.memory_space<vmem>>, vector<1x16xi32>,
    %swap3A_261 = vector.shape_cast %swap3A_260 : vector<1x16xi32> to vector<16xi32>
    %swap3A_262 = vector.shape_cast %add3A_256 : vector<16xi32> to vector<1x16xi32>
    tpu.vector_store %arg9[%swap3A_258, %swap3A_259], %swap3A_262 {strides = array<i32>} : memref<8x128xi32, #tpu.memory_space<vmem>>, vector<1x16xi32>,
    %add3A_263 = arith.constant 16 : i32
    %add3A_264 = vector.broadcast %add3A_263 : i32 to vector<16xi32>
    %add3A_265 = arith.addi %iota3A, %add3A_264 : vector<16xi32>
    %mul3A_266 = arith.constant 128 : i32
    %mul3A_267 = vector.broadcast %mul3A_266 : i32 to vector<16xi32>
    %mul3A_268 = arith.muli %add3A_265, %mul3A_267 : vector<16xi32>
    %add3A_269 = vector.broadcast %add3A_248 : i32 to vector<16xi32>
    %add3A_270 = arith.addi %mul3A_268, %add3A_269 : vector<16xi32>
    %swap3A_271 = arith.constant 2 : i32
    %swap3A_272 = arith.index_cast %swap3A_271 : i32 to index
    %swap3A_273 = arith.constant 16 : index
    %swap3A_274 = tpu.vector_load %arg9[%swap3A_272, %swap3A_273] {strides = array<i32>} : memref<8x128xi32, #tpu.memory_space<vmem>>, vector<1x16xi32>,
    %swap3A_275 = vector.shape_cast %swap3A_274 : vector<1x16xi32> to vector<16xi32>
    %swap3A_276 = vector.shape_cast %add3A_270 : vector<16xi32> to vector<1x16xi32>
    tpu.vector_store %arg9[%swap3A_272, %swap3A_273], %swap3A_276 {strides = array<i32>} : memref<8x128xi32, #tpu.memory_space<vmem>>, vector<1x16xi32>,
    %add3A_277 = arith.constant 32 : i32
    %add3A_278 = vector.broadcast %add3A_277 : i32 to vector<16xi32>
    %add3A_279 = arith.addi %iota3A, %add3A_278 : vector<16xi32>
    %mul3A_280 = arith.constant 128 : i32
    %mul3A_281 = vector.broadcast %mul3A_280 : i32 to vector<16xi32>
    %mul3A_282 = arith.muli %add3A_279, %mul3A_281 : vector<16xi32>
    %add3A_283 = vector.broadcast %add3A_248 : i32 to vector<16xi32>
    %add3A_284 = arith.addi %mul3A_282, %add3A_283 : vector<16xi32>
    %swap3A_285 = arith.constant 2 : i32
    %swap3A_286 = arith.index_cast %swap3A_285 : i32 to index
    %swap3A_287 = arith.constant 32 : index
    %swap3A_288 = tpu.vector_load %arg9[%swap3A_286, %swap3A_287] {strides = array<i32>} : memref<8x128xi32, #tpu.memory_space<vmem>>, vector<1x16xi32>,
    %swap3A_289 = vector.shape_cast %swap3A_288 : vector<1x16xi32> to vector<16xi32>
    %swap3A_290 = vector.shape_cast %add3A_284 : vector<16xi32> to vector<1x16xi32>
    tpu.vector_store %arg9[%swap3A_286, %swap3A_287], %swap3A_290 {strides = array<i32>} : memref<8x128xi32, #tpu.memory_space<vmem>>, vector<1x16xi32>,
    %add3A_291 = arith.constant 48 : i32
    %add3A_292 = vector.broadcast %add3A_291 : i32 to vector<16xi32>
    %add3A_293 = arith.addi %iota3A, %add3A_292 : vector<16xi32>
    %mul3A_294 = arith.constant 128 : i32
    %mul3A_295 = vector.broadcast %mul3A_294 : i32 to vector<16xi32>
    %mul3A_296 = arith.muli %add3A_293, %mul3A_295 : vector<16xi32>
    %add3A_297 = vector.broadcast %add3A_248 : i32 to vector<16xi32>
    %add3A_298 = arith.addi %mul3A_296, %add3A_297 : vector<16xi32>
    %swap3A_299 = arith.constant 2 : i32
    %swap3A_300 = arith.index_cast %swap3A_299 : i32 to index
    %swap3A_301 = arith.constant 48 : index
    %swap3A_302 = tpu.vector_load %arg9[%swap3A_300, %swap3A_301] {strides = array<i32>} : memref<8x128xi32, #tpu.memory_space<vmem>>, vector<1x16xi32>,
    %swap3A_303 = vector.shape_cast %swap3A_302 : vector<1x16xi32> to vector<16xi32>
    %swap3A_304 = vector.shape_cast %add3A_298 : vector<16xi32> to vector<1x16xi32>
    tpu.vector_store %arg9[%swap3A_300, %swap3A_301], %swap3A_304 {strides = array<i32>} : memref<8x128xi32, #tpu.memory_space<vmem>>, vector<1x16xi32>,
    %add3A_305 = arith.constant 64 : i32
    %add3A_306 = vector.broadcast %add3A_305 : i32 to vector<16xi32>
    %add3A_307 = arith.addi %iota3A, %add3A_306 : vector<16xi32>
    %mul3A_308 = arith.constant 128 : i32
    %mul3A_309 = vector.broadcast %mul3A_308 : i32 to vector<16xi32>
    %mul3A_310 = arith.muli %add3A_307, %mul3A_309 : vector<16xi32>
    %add3A_311 = vector.broadcast %add3A_248 : i32 to vector<16xi32>
    %add3A_312 = arith.addi %mul3A_310, %add3A_311 : vector<16xi32>
    %swap3A_313 = arith.constant 2 : i32
    %swap3A_314 = arith.index_cast %swap3A_313 : i32 to index
    %swap3A_315 = arith.constant 64 : index
    %swap3A_316 = tpu.vector_load %arg9[%swap3A_314, %swap3A_315] {strides = array<i32>} : memref<8x128xi32, #tpu.memory_space<vmem>>, vector<1x16xi32>,
    %swap3A_317 = vector.shape_cast %swap3A_316 : vector<1x16xi32> to vector<16xi32>
    %swap3A_318 = vector.shape_cast %add3A_312 : vector<16xi32> to vector<1x16xi32>
    tpu.vector_store %arg9[%swap3A_314, %swap3A_315], %swap3A_318 {strides = array<i32>} : memref<8x128xi32, #tpu.memory_space<vmem>>, vector<1x16xi32>,
    %add3A_319 = arith.constant 80 : i32
    %add3A_320 = vector.broadcast %add3A_319 : i32 to vector<16xi32>
    %add3A_321 = arith.addi %iota3A, %add3A_320 : vector<16xi32>
    %mul3A_322 = arith.constant 128 : i32
    %mul3A_323 = vector.broadcast %mul3A_322 : i32 to vector<16xi32>
    %mul3A_324 = arith.muli %add3A_321, %mul3A_323 : vector<16xi32>
    %add3A_325 = vector.broadcast %add3A_248 : i32 to vector<16xi32>
    %add3A_326 = arith.addi %mul3A_324, %add3A_325 : vector<16xi32>
    %swap3A_327 = arith.constant 2 : i32
    %swap3A_328 = arith.index_cast %swap3A_327 : i32 to index
    %swap3A_329 = arith.constant 80 : index
    %swap3A_330 = tpu.vector_load %arg9[%swap3A_328, %swap3A_329] {strides = array<i32>} : memref<8x128xi32, #tpu.memory_space<vmem>>, vector<1x16xi32>,
    %swap3A_331 = vector.shape_cast %swap3A_330 : vector<1x16xi32> to vector<16xi32>
    %swap3A_332 = vector.shape_cast %add3A_326 : vector<16xi32> to vector<1x16xi32>
    tpu.vector_store %arg9[%swap3A_328, %swap3A_329], %swap3A_332 {strides = array<i32>} : memref<8x128xi32, #tpu.memory_space<vmem>>, vector<1x16xi32>,
    %add3A_333 = arith.constant 96 : i32
    %add3A_334 = vector.broadcast %add3A_333 : i32 to vector<16xi32>
    %add3A_335 = arith.addi %iota3A, %add3A_334 : vector<16xi32>
    %mul3A_336 = arith.constant 128 : i32
    %mul3A_337 = vector.broadcast %mul3A_336 : i32 to vector<16xi32>
    %mul3A_338 = arith.muli %add3A_335, %mul3A_337 : vector<16xi32>
    %add3A_339 = vector.broadcast %add3A_248 : i32 to vector<16xi32>
    %add3A_340 = arith.addi %mul3A_338, %add3A_339 : vector<16xi32>
    %swap3A_341 = arith.constant 2 : i32
    %swap3A_342 = arith.index_cast %swap3A_341 : i32 to index
    %swap3A_343 = arith.constant 96 : index
    %swap3A_344 = tpu.vector_load %arg9[%swap3A_342, %swap3A_343] {strides = array<i32>} : memref<8x128xi32, #tpu.memory_space<vmem>>, vector<1x16xi32>,
    %swap3A_345 = vector.shape_cast %swap3A_344 : vector<1x16xi32> to vector<16xi32>
    %swap3A_346 = vector.shape_cast %add3A_340 : vector<16xi32> to vector<1x16xi32>
    tpu.vector_store %arg9[%swap3A_342, %swap3A_343], %swap3A_346 {strides = array<i32>} : memref<8x128xi32, #tpu.memory_space<vmem>>, vector<1x16xi32>,
    %add3A_347 = arith.constant 112 : i32
    %add3A_348 = vector.broadcast %add3A_347 : i32 to vector<16xi32>
    %add3A_349 = arith.addi %iota3A, %add3A_348 : vector<16xi32>
    %mul3A_350 = arith.constant 128 : i32
    %mul3A_351 = vector.broadcast %mul3A_350 : i32 to vector<16xi32>
    %mul3A_352 = arith.muli %add3A_349, %mul3A_351 : vector<16xi32>
    %add3A_353 = vector.broadcast %add3A_248 : i32 to vector<16xi32>
    %add3A_354 = arith.addi %mul3A_352, %add3A_353 : vector<16xi32>
    %swap3A_355 = arith.constant 2 : i32
    %swap3A_356 = arith.index_cast %swap3A_355 : i32 to index
    %swap3A_357 = arith.constant 112 : index
    %swap3A_358 = tpu.vector_load %arg9[%swap3A_356, %swap3A_357] {strides = array<i32>} : memref<8x128xi32, #tpu.memory_space<vmem>>, vector<1x16xi32>,
    %swap3A_359 = vector.shape_cast %swap3A_358 : vector<1x16xi32> to vector<16xi32>
    %swap3A_360 = vector.shape_cast %add3A_354 : vector<16xi32> to vector<1x16xi32>
    tpu.vector_store %arg9[%swap3A_356, %swap3A_357], %swap3A_360 {strides = array<i32>} : memref<8x128xi32, #tpu.memory_space<vmem>>, vector<1x16xi32>,
    %mul3A_361 = arith.constant 8 : i32
    %mul3A_362 = arith.muli %arg1, %mul3A_361 : i32
    %add3A_363 = arith.constant 3 : i32
    %add3A_364 = arith.addi %mul3A_362, %add3A_363 : i32
    %add3A_365 = arith.constant 0 : i32
    %add3A_366 = vector.broadcast %add3A_365 : i32 to vector<16xi32>
    %add3A_367 = arith.addi %iota3A, %add3A_366 : vector<16xi32>
    %mul3A_368 = arith.constant 128 : i32
    %mul3A_369 = vector.broadcast %mul3A_368 : i32 to vector<16xi32>
    %mul3A_370 = arith.muli %add3A_367, %mul3A_369 : vector<16xi32>
    %add3A_371 = vector.broadcast %add3A_364 : i32 to vector<16xi32>
    %add3A_372 = arith.addi %mul3A_370, %add3A_371 : vector<16xi32>
    %swap3A_373 = arith.constant 3 : i32
    %swap3A_374 = arith.index_cast %swap3A_373 : i32 to index
    %swap3A_375 = arith.constant 0 : index
    %swap3A_376 = tpu.vector_load %arg9[%swap3A_374, %swap3A_375] {strides = array<i32>} : memref<8x128xi32, #tpu.memory_space<vmem>>, vector<1x16xi32>,
    %swap3A_377 = vector.shape_cast %swap3A_376 : vector<1x16xi32> to vector<16xi32>
    %swap3A_378 = vector.shape_cast %add3A_372 : vector<16xi32> to vector<1x16xi32>
    tpu.vector_store %arg9[%swap3A_374, %swap3A_375], %swap3A_378 {strides = array<i32>} : memref<8x128xi32, #tpu.memory_space<vmem>>, vector<1x16xi32>,
    %add3A_379 = arith.constant 16 : i32
    %add3A_380 = vector.broadcast %add3A_379 : i32 to vector<16xi32>
    %add3A_381 = arith.addi %iota3A, %add3A_380 : vector<16xi32>
    %mul3A_382 = arith.constant 128 : i32
    %mul3A_383 = vector.broadcast %mul3A_382 : i32 to vector<16xi32>
    %mul3A_384 = arith.muli %add3A_381, %mul3A_383 : vector<16xi32>
    %add3A_385 = vector.broadcast %add3A_364 : i32 to vector<16xi32>
    %add3A_386 = arith.addi %mul3A_384, %add3A_385 : vector<16xi32>
    %swap3A_387 = arith.constant 3 : i32
    %swap3A_388 = arith.index_cast %swap3A_387 : i32 to index
    %swap3A_389 = arith.constant 16 : index
    %swap3A_390 = tpu.vector_load %arg9[%swap3A_388, %swap3A_389] {strides = array<i32>} : memref<8x128xi32, #tpu.memory_space<vmem>>, vector<1x16xi32>,
    %swap3A_391 = vector.shape_cast %swap3A_390 : vector<1x16xi32> to vector<16xi32>
    %swap3A_392 = vector.shape_cast %add3A_386 : vector<16xi32> to vector<1x16xi32>
    tpu.vector_store %arg9[%swap3A_388, %swap3A_389], %swap3A_392 {strides = array<i32>} : memref<8x128xi32, #tpu.memory_space<vmem>>, vector<1x16xi32>,
    %add3A_393 = arith.constant 32 : i32
    %add3A_394 = vector.broadcast %add3A_393 : i32 to vector<16xi32>
    %add3A_395 = arith.addi %iota3A, %add3A_394 : vector<16xi32>
    %mul3A_396 = arith.constant 128 : i32
    %mul3A_397 = vector.broadcast %mul3A_396 : i32 to vector<16xi32>
    %mul3A_398 = arith.muli %add3A_395, %mul3A_397 : vector<16xi32>
    %add3A_399 = vector.broadcast %add3A_364 : i32 to vector<16xi32>
    %add3A_400 = arith.addi %mul3A_398, %add3A_399 : vector<16xi32>
    %swap3A_401 = arith.constant 3 : i32
    %swap3A_402 = arith.index_cast %swap3A_401 : i32 to index
    %swap3A_403 = arith.constant 32 : index
    %swap3A_404 = tpu.vector_load %arg9[%swap3A_402, %swap3A_403] {strides = array<i32>} : memref<8x128xi32, #tpu.memory_space<vmem>>, vector<1x16xi32>,
    %swap3A_405 = vector.shape_cast %swap3A_404 : vector<1x16xi32> to vector<16xi32>
    %swap3A_406 = vector.shape_cast %add3A_400 : vector<16xi32> to vector<1x16xi32>
    tpu.vector_store %arg9[%swap3A_402, %swap3A_403], %swap3A_406 {strides = array<i32>} : memref<8x128xi32, #tpu.memory_space<vmem>>, vector<1x16xi32>,
    %add3A_407 = arith.constant 48 : i32
    %add3A_408 = vector.broadcast %add3A_407 : i32 to vector<16xi32>
    %add3A_409 = arith.addi %iota3A, %add3A_408 : vector<16xi32>
    %mul3A_410 = arith.constant 128 : i32
    %mul3A_411 = vector.broadcast %mul3A_410 : i32 to vector<16xi32>
    %mul3A_412 = arith.muli %add3A_409, %mul3A_411 : vector<16xi32>
    %add3A_413 = vector.broadcast %add3A_364 : i32 to vector<16xi32>
    %add3A_414 = arith.addi %mul3A_412, %add3A_413 : vector<16xi32>
    %swap3A_415 = arith.constant 3 : i32
    %swap3A_416 = arith.index_cast %swap3A_415 : i32 to index
    %swap3A_417 = arith.constant 48 : index
    %swap3A_418 = tpu.vector_load %arg9[%swap3A_416, %swap3A_417] {strides = array<i32>} : memref<8x128xi32, #tpu.memory_space<vmem>>, vector<1x16xi32>,
    %swap3A_419 = vector.shape_cast %swap3A_418 : vector<1x16xi32> to vector<16xi32>
    %swap3A_420 = vector.shape_cast %add3A_414 : vector<16xi32> to vector<1x16xi32>
    tpu.vector_store %arg9[%swap3A_416, %swap3A_417], %swap3A_420 {strides = array<i32>} : memref<8x128xi32, #tpu.memory_space<vmem>>, vector<1x16xi32>,
    %add3A_421 = arith.constant 64 : i32
    %add3A_422 = vector.broadcast %add3A_421 : i32 to vector<16xi32>
    %add3A_423 = arith.addi %iota3A, %add3A_422 : vector<16xi32>
    %mul3A_424 = arith.constant 128 : i32
    %mul3A_425 = vector.broadcast %mul3A_424 : i32 to vector<16xi32>
    %mul3A_426 = arith.muli %add3A_423, %mul3A_425 : vector<16xi32>
    %add3A_427 = vector.broadcast %add3A_364 : i32 to vector<16xi32>
    %add3A_428 = arith.addi %mul3A_426, %add3A_427 : vector<16xi32>
    %swap3A_429 = arith.constant 3 : i32
    %swap3A_430 = arith.index_cast %swap3A_429 : i32 to index
    %swap3A_431 = arith.constant 64 : index
    %swap3A_432 = tpu.vector_load %arg9[%swap3A_430, %swap3A_431] {strides = array<i32>} : memref<8x128xi32, #tpu.memory_space<vmem>>, vector<1x16xi32>,
    %swap3A_433 = vector.shape_cast %swap3A_432 : vector<1x16xi32> to vector<16xi32>
    %swap3A_434 = vector.shape_cast %add3A_428 : vector<16xi32> to vector<1x16xi32>
    tpu.vector_store %arg9[%swap3A_430, %swap3A_431], %swap3A_434 {strides = array<i32>} : memref<8x128xi32, #tpu.memory_space<vmem>>, vector<1x16xi32>,
    %add3A_435 = arith.constant 80 : i32
    %add3A_436 = vector.broadcast %add3A_435 : i32 to vector<16xi32>
    %add3A_437 = arith.addi %iota3A, %add3A_436 : vector<16xi32>
    %mul3A_438 = arith.constant 128 : i32
    %mul3A_439 = vector.broadcast %mul3A_438 : i32 to vector<16xi32>
    %mul3A_440 = arith.muli %add3A_437, %mul3A_439 : vector<16xi32>
    %add3A_441 = vector.broadcast %add3A_364 : i32 to vector<16xi32>
    %add3A_442 = arith.addi %mul3A_440, %add3A_441 : vector<16xi32>
    %swap3A_443 = arith.constant 3 : i32
    %swap3A_444 = arith.index_cast %swap3A_443 : i32 to index
    %swap3A_445 = arith.constant 80 : index
    %swap3A_446 = tpu.vector_load %arg9[%swap3A_444, %swap3A_445] {strides = array<i32>} : memref<8x128xi32, #tpu.memory_space<vmem>>, vector<1x16xi32>,
    %swap3A_447 = vector.shape_cast %swap3A_446 : vector<1x16xi32> to vector<16xi32>
    %swap3A_448 = vector.shape_cast %add3A_442 : vector<16xi32> to vector<1x16xi32>
    tpu.vector_store %arg9[%swap3A_444, %swap3A_445], %swap3A_448 {strides = array<i32>} : memref<8x128xi32, #tpu.memory_space<vmem>>, vector<1x16xi32>,
    %add3A_449 = arith.constant 96 : i32
    %add3A_450 = vector.broadcast %add3A_449 : i32 to vector<16xi32>
    %add3A_451 = arith.addi %iota3A, %add3A_450 : vector<16xi32>
    %mul3A_452 = arith.constant 128 : i32
    %mul3A_453 = vector.broadcast %mul3A_452 : i32 to vector<16xi32>
    %mul3A_454 = arith.muli %add3A_451, %mul3A_453 : vector<16xi32>
    %add3A_455 = vector.broadcast %add3A_364 : i32 to vector<16xi32>
    %add3A_456 = arith.addi %mul3A_454, %add3A_455 : vector<16xi32>
    %swap3A_457 = arith.constant 3 : i32
    %swap3A_458 = arith.index_cast %swap3A_457 : i32 to index
    %swap3A_459 = arith.constant 96 : index
    %swap3A_460 = tpu.vector_load %arg9[%swap3A_458, %swap3A_459] {strides = array<i32>} : memref<8x128xi32, #tpu.memory_space<vmem>>, vector<1x16xi32>,
    %swap3A_461 = vector.shape_cast %swap3A_460 : vector<1x16xi32> to vector<16xi32>
    %swap3A_462 = vector.shape_cast %add3A_456 : vector<16xi32> to vector<1x16xi32>
    tpu.vector_store %arg9[%swap3A_458, %swap3A_459], %swap3A_462 {strides = array<i32>} : memref<8x128xi32, #tpu.memory_space<vmem>>, vector<1x16xi32>,
    %add3A_463 = arith.constant 112 : i32
    %add3A_464 = vector.broadcast %add3A_463 : i32 to vector<16xi32>
    %add3A_465 = arith.addi %iota3A, %add3A_464 : vector<16xi32>
    %mul3A_466 = arith.constant 128 : i32
    %mul3A_467 = vector.broadcast %mul3A_466 : i32 to vector<16xi32>
    %mul3A_468 = arith.muli %add3A_465, %mul3A_467 : vector<16xi32>
    %add3A_469 = vector.broadcast %add3A_364 : i32 to vector<16xi32>
    %add3A_470 = arith.addi %mul3A_468, %add3A_469 : vector<16xi32>
    %swap3A_471 = arith.constant 3 : i32
    %swap3A_472 = arith.index_cast %swap3A_471 : i32 to index
    %swap3A_473 = arith.constant 112 : index
    %swap3A_474 = tpu.vector_load %arg9[%swap3A_472, %swap3A_473] {strides = array<i32>} : memref<8x128xi32, #tpu.memory_space<vmem>>, vector<1x16xi32>,
    %swap3A_475 = vector.shape_cast %swap3A_474 : vector<1x16xi32> to vector<16xi32>
    %swap3A_476 = vector.shape_cast %add3A_470 : vector<16xi32> to vector<1x16xi32>
    tpu.vector_store %arg9[%swap3A_472, %swap3A_473], %swap3A_476 {strides = array<i32>} : memref<8x128xi32, #tpu.memory_space<vmem>>, vector<1x16xi32>,
    %mul3A_477 = arith.constant 8 : i32
    %mul3A_478 = arith.muli %arg1, %mul3A_477 : i32
    %add3A_479 = arith.constant 4 : i32
    %add3A_480 = arith.addi %mul3A_478, %add3A_479 : i32
    %add3A_481 = arith.constant 0 : i32
    %add3A_482 = vector.broadcast %add3A_481 : i32 to vector<16xi32>
    %add3A_483 = arith.addi %iota3A, %add3A_482 : vector<16xi32>
    %mul3A_484 = arith.constant 128 : i32
    %mul3A_485 = vector.broadcast %mul3A_484 : i32 to vector<16xi32>
    %mul3A_486 = arith.muli %add3A_483, %mul3A_485 : vector<16xi32>
    %add3A_487 = vector.broadcast %add3A_480 : i32 to vector<16xi32>
    %add3A_488 = arith.addi %mul3A_486, %add3A_487 : vector<16xi32>
    %swap3A_489 = arith.constant 4 : i32
    %swap3A_490 = arith.index_cast %swap3A_489 : i32 to index
    %swap3A_491 = arith.constant 0 : index
    %swap3A_492 = tpu.vector_load %arg9[%swap3A_490, %swap3A_491] {strides = array<i32>} : memref<8x128xi32, #tpu.memory_space<vmem>>, vector<1x16xi32>,
    %swap3A_493 = vector.shape_cast %swap3A_492 : vector<1x16xi32> to vector<16xi32>
    %swap3A_494 = vector.shape_cast %add3A_488 : vector<16xi32> to vector<1x16xi32>
    tpu.vector_store %arg9[%swap3A_490, %swap3A_491], %swap3A_494 {strides = array<i32>} : memref<8x128xi32, #tpu.memory_space<vmem>>, vector<1x16xi32>,
    %add3A_495 = arith.constant 16 : i32
    %add3A_496 = vector.broadcast %add3A_495 : i32 to vector<16xi32>
    %add3A_497 = arith.addi %iota3A, %add3A_496 : vector<16xi32>
    %mul3A_498 = arith.constant 128 : i32
    %mul3A_499 = vector.broadcast %mul3A_498 : i32 to vector<16xi32>
    %mul3A_500 = arith.muli %add3A_497, %mul3A_499 : vector<16xi32>
    %add3A_501 = vector.broadcast %add3A_480 : i32 to vector<16xi32>
    %add3A_502 = arith.addi %mul3A_500, %add3A_501 : vector<16xi32>
    %swap3A_503 = arith.constant 4 : i32
    %swap3A_504 = arith.index_cast %swap3A_503 : i32 to index
    %swap3A_505 = arith.constant 16 : index
    %swap3A_506 = tpu.vector_load %arg9[%swap3A_504, %swap3A_505] {strides = array<i32>} : memref<8x128xi32, #tpu.memory_space<vmem>>, vector<1x16xi32>,
    %swap3A_507 = vector.shape_cast %swap3A_506 : vector<1x16xi32> to vector<16xi32>
    %swap3A_508 = vector.shape_cast %add3A_502 : vector<16xi32> to vector<1x16xi32>
    tpu.vector_store %arg9[%swap3A_504, %swap3A_505], %swap3A_508 {strides = array<i32>} : memref<8x128xi32, #tpu.memory_space<vmem>>, vector<1x16xi32>,
    %add3A_509 = arith.constant 32 : i32
    %add3A_510 = vector.broadcast %add3A_509 : i32 to vector<16xi32>
    %add3A_511 = arith.addi %iota3A, %add3A_510 : vector<16xi32>
    %mul3A_512 = arith.constant 128 : i32
    %mul3A_513 = vector.broadcast %mul3A_512 : i32 to vector<16xi32>
    %mul3A_514 = arith.muli %add3A_511, %mul3A_513 : vector<16xi32>
    %add3A_515 = vector.broadcast %add3A_480 : i32 to vector<16xi32>
    %add3A_516 = arith.addi %mul3A_514, %add3A_515 : vector<16xi32>
    %swap3A_517 = arith.constant 4 : i32
    %swap3A_518 = arith.index_cast %swap3A_517 : i32 to index
    %swap3A_519 = arith.constant 32 : index
    %swap3A_520 = tpu.vector_load %arg9[%swap3A_518, %swap3A_519] {strides = array<i32>} : memref<8x128xi32, #tpu.memory_space<vmem>>, vector<1x16xi32>,
    %swap3A_521 = vector.shape_cast %swap3A_520 : vector<1x16xi32> to vector<16xi32>
    %swap3A_522 = vector.shape_cast %add3A_516 : vector<16xi32> to vector<1x16xi32>
    tpu.vector_store %arg9[%swap3A_518, %swap3A_519], %swap3A_522 {strides = array<i32>} : memref<8x128xi32, #tpu.memory_space<vmem>>, vector<1x16xi32>,
    %add3A_523 = arith.constant 48 : i32
    %add3A_524 = vector.broadcast %add3A_523 : i32 to vector<16xi32>
    %add3A_525 = arith.addi %iota3A, %add3A_524 : vector<16xi32>
    %mul3A_526 = arith.constant 128 : i32
    %mul3A_527 = vector.broadcast %mul3A_526 : i32 to vector<16xi32>
    %mul3A_528 = arith.muli %add3A_525, %mul3A_527 : vector<16xi32>
    %add3A_529 = vector.broadcast %add3A_480 : i32 to vector<16xi32>
    %add3A_530 = arith.addi %mul3A_528, %add3A_529 : vector<16xi32>
    %swap3A_531 = arith.constant 4 : i32
    %swap3A_532 = arith.index_cast %swap3A_531 : i32 to index
    %swap3A_533 = arith.constant 48 : index
    %swap3A_534 = tpu.vector_load %arg9[%swap3A_532, %swap3A_533] {strides = array<i32>} : memref<8x128xi32, #tpu.memory_space<vmem>>, vector<1x16xi32>,
    %swap3A_535 = vector.shape_cast %swap3A_534 : vector<1x16xi32> to vector<16xi32>
    %swap3A_536 = vector.shape_cast %add3A_530 : vector<16xi32> to vector<1x16xi32>
    tpu.vector_store %arg9[%swap3A_532, %swap3A_533], %swap3A_536 {strides = array<i32>} : memref<8x128xi32, #tpu.memory_space<vmem>>, vector<1x16xi32>,
    %add3A_537 = arith.constant 64 : i32
    %add3A_538 = vector.broadcast %add3A_537 : i32 to vector<16xi32>
    %add3A_539 = arith.addi %iota3A, %add3A_538 : vector<16xi32>
    %mul3A_540 = arith.constant 128 : i32
    %mul3A_541 = vector.broadcast %mul3A_540 : i32 to vector<16xi32>
    %mul3A_542 = arith.muli %add3A_539, %mul3A_541 : vector<16xi32>
    %add3A_543 = vector.broadcast %add3A_480 : i32 to vector<16xi32>
    %add3A_544 = arith.addi %mul3A_542, %add3A_543 : vector<16xi32>
    %swap3A_545 = arith.constant 4 : i32
    %swap3A_546 = arith.index_cast %swap3A_545 : i32 to index
    %swap3A_547 = arith.constant 64 : index
    %swap3A_548 = tpu.vector_load %arg9[%swap3A_546, %swap3A_547] {strides = array<i32>} : memref<8x128xi32, #tpu.memory_space<vmem>>, vector<1x16xi32>,
    %swap3A_549 = vector.shape_cast %swap3A_548 : vector<1x16xi32> to vector<16xi32>
    %swap3A_550 = vector.shape_cast %add3A_544 : vector<16xi32> to vector<1x16xi32>
    tpu.vector_store %arg9[%swap3A_546, %swap3A_547], %swap3A_550 {strides = array<i32>} : memref<8x128xi32, #tpu.memory_space<vmem>>, vector<1x16xi32>,
    %add3A_551 = arith.constant 80 : i32
    %add3A_552 = vector.broadcast %add3A_551 : i32 to vector<16xi32>
    %add3A_553 = arith.addi %iota3A, %add3A_552 : vector<16xi32>
    %mul3A_554 = arith.constant 128 : i32
    %mul3A_555 = vector.broadcast %mul3A_554 : i32 to vector<16xi32>
    %mul3A_556 = arith.muli %add3A_553, %mul3A_555 : vector<16xi32>
    %add3A_557 = vector.broadcast %add3A_480 : i32 to vector<16xi32>
    %add3A_558 = arith.addi %mul3A_556, %add3A_557 : vector<16xi32>
    %swap3A_559 = arith.constant 4 : i32
    %swap3A_560 = arith.index_cast %swap3A_559 : i32 to index
    %swap3A_561 = arith.constant 80 : index
    %swap3A_562 = tpu.vector_load %arg9[%swap3A_560, %swap3A_561] {strides = array<i32>} : memref<8x128xi32, #tpu.memory_space<vmem>>, vector<1x16xi32>,
    %swap3A_563 = vector.shape_cast %swap3A_562 : vector<1x16xi32> to vector<16xi32>
    %swap3A_564 = vector.shape_cast %add3A_558 : vector<16xi32> to vector<1x16xi32>
    tpu.vector_store %arg9[%swap3A_560, %swap3A_561], %swap3A_564 {strides = array<i32>} : memref<8x128xi32, #tpu.memory_space<vmem>>, vector<1x16xi32>,
    %add3A_565 = arith.constant 96 : i32
    %add3A_566 = vector.broadcast %add3A_565 : i32 to vector<16xi32>
    %add3A_567 = arith.addi %iota3A, %add3A_566 : vector<16xi32>
    %mul3A_568 = arith.constant 128 : i32
    %mul3A_569 = vector.broadcast %mul3A_568 : i32 to vector<16xi32>
    %mul3A_570 = arith.muli %add3A_567, %mul3A_569 : vector<16xi32>
    %add3A_571 = vector.broadcast %add3A_480 : i32 to vector<16xi32>
    %add3A_572 = arith.addi %mul3A_570, %add3A_571 : vector<16xi32>
    %swap3A_573 = arith.constant 4 : i32
    %swap3A_574 = arith.index_cast %swap3A_573 : i32 to index
    %swap3A_575 = arith.constant 96 : index
    %swap3A_576 = tpu.vector_load %arg9[%swap3A_574, %swap3A_575] {strides = array<i32>} : memref<8x128xi32, #tpu.memory_space<vmem>>, vector<1x16xi32>,
    %swap3A_577 = vector.shape_cast %swap3A_576 : vector<1x16xi32> to vector<16xi32>
    %swap3A_578 = vector.shape_cast %add3A_572 : vector<16xi32> to vector<1x16xi32>
    tpu.vector_store %arg9[%swap3A_574, %swap3A_575], %swap3A_578 {strides = array<i32>} : memref<8x128xi32, #tpu.memory_space<vmem>>, vector<1x16xi32>,
    %add3A_579 = arith.constant 112 : i32
    %add3A_580 = vector.broadcast %add3A_579 : i32 to vector<16xi32>
    %add3A_581 = arith.addi %iota3A, %add3A_580 : vector<16xi32>
    %mul3A_582 = arith.constant 128 : i32
    %mul3A_583 = vector.broadcast %mul3A_582 : i32 to vector<16xi32>
    %mul3A_584 = arith.muli %add3A_581, %mul3A_583 : vector<16xi32>
    %add3A_585 = vector.broadcast %add3A_480 : i32 to vector<16xi32>
    %add3A_586 = arith.addi %mul3A_584, %add3A_585 : vector<16xi32>
    %swap3A_587 = arith.constant 4 : i32
    %swap3A_588 = arith.index_cast %swap3A_587 : i32 to index
    %swap3A_589 = arith.constant 112 : index
    %swap3A_590 = tpu.vector_load %arg9[%swap3A_588, %swap3A_589] {strides = array<i32>} : memref<8x128xi32, #tpu.memory_space<vmem>>, vector<1x16xi32>,
    %swap3A_591 = vector.shape_cast %swap3A_590 : vector<1x16xi32> to vector<16xi32>
    %swap3A_592 = vector.shape_cast %add3A_586 : vector<16xi32> to vector<1x16xi32>
    tpu.vector_store %arg9[%swap3A_588, %swap3A_589], %swap3A_592 {strides = array<i32>} : memref<8x128xi32, #tpu.memory_space<vmem>>, vector<1x16xi32>,
    %mul3A_593 = arith.constant 8 : i32
    %mul3A_594 = arith.muli %arg1, %mul3A_593 : i32
    %add3A_595 = arith.constant 5 : i32
    %add3A_596 = arith.addi %mul3A_594, %add3A_595 : i32
    %add3A_597 = arith.constant 0 : i32
    %add3A_598 = vector.broadcast %add3A_597 : i32 to vector<16xi32>
    %add3A_599 = arith.addi %iota3A, %add3A_598 : vector<16xi32>
    %mul3A_600 = arith.constant 128 : i32
    %mul3A_601 = vector.broadcast %mul3A_600 : i32 to vector<16xi32>
    %mul3A_602 = arith.muli %add3A_599, %mul3A_601 : vector<16xi32>
    %add3A_603 = vector.broadcast %add3A_596 : i32 to vector<16xi32>
    %add3A_604 = arith.addi %mul3A_602, %add3A_603 : vector<16xi32>
    %swap3A_605 = arith.constant 5 : i32
    %swap3A_606 = arith.index_cast %swap3A_605 : i32 to index
    %swap3A_607 = arith.constant 0 : index
    %swap3A_608 = tpu.vector_load %arg9[%swap3A_606, %swap3A_607] {strides = array<i32>} : memref<8x128xi32, #tpu.memory_space<vmem>>, vector<1x16xi32>,
    %swap3A_609 = vector.shape_cast %swap3A_608 : vector<1x16xi32> to vector<16xi32>
    %swap3A_610 = vector.shape_cast %add3A_604 : vector<16xi32> to vector<1x16xi32>
    tpu.vector_store %arg9[%swap3A_606, %swap3A_607], %swap3A_610 {strides = array<i32>} : memref<8x128xi32, #tpu.memory_space<vmem>>, vector<1x16xi32>,
    %add3A_611 = arith.constant 16 : i32
    %add3A_612 = vector.broadcast %add3A_611 : i32 to vector<16xi32>
    %add3A_613 = arith.addi %iota3A, %add3A_612 : vector<16xi32>
    %mul3A_614 = arith.constant 128 : i32
    %mul3A_615 = vector.broadcast %mul3A_614 : i32 to vector<16xi32>
    %mul3A_616 = arith.muli %add3A_613, %mul3A_615 : vector<16xi32>
    %add3A_617 = vector.broadcast %add3A_596 : i32 to vector<16xi32>
    %add3A_618 = arith.addi %mul3A_616, %add3A_617 : vector<16xi32>
    %swap3A_619 = arith.constant 5 : i32
    %swap3A_620 = arith.index_cast %swap3A_619 : i32 to index
    %swap3A_621 = arith.constant 16 : index
    %swap3A_622 = tpu.vector_load %arg9[%swap3A_620, %swap3A_621] {strides = array<i32>} : memref<8x128xi32, #tpu.memory_space<vmem>>, vector<1x16xi32>,
    %swap3A_623 = vector.shape_cast %swap3A_622 : vector<1x16xi32> to vector<16xi32>
    %swap3A_624 = vector.shape_cast %add3A_618 : vector<16xi32> to vector<1x16xi32>
    tpu.vector_store %arg9[%swap3A_620, %swap3A_621], %swap3A_624 {strides = array<i32>} : memref<8x128xi32, #tpu.memory_space<vmem>>, vector<1x16xi32>,
    %add3A_625 = arith.constant 32 : i32
    %add3A_626 = vector.broadcast %add3A_625 : i32 to vector<16xi32>
    %add3A_627 = arith.addi %iota3A, %add3A_626 : vector<16xi32>
    %mul3A_628 = arith.constant 128 : i32
    %mul3A_629 = vector.broadcast %mul3A_628 : i32 to vector<16xi32>
    %mul3A_630 = arith.muli %add3A_627, %mul3A_629 : vector<16xi32>
    %add3A_631 = vector.broadcast %add3A_596 : i32 to vector<16xi32>
    %add3A_632 = arith.addi %mul3A_630, %add3A_631 : vector<16xi32>
    %swap3A_633 = arith.constant 5 : i32
    %swap3A_634 = arith.index_cast %swap3A_633 : i32 to index
    %swap3A_635 = arith.constant 32 : index
    %swap3A_636 = tpu.vector_load %arg9[%swap3A_634, %swap3A_635] {strides = array<i32>} : memref<8x128xi32, #tpu.memory_space<vmem>>, vector<1x16xi32>,
    %swap3A_637 = vector.shape_cast %swap3A_636 : vector<1x16xi32> to vector<16xi32>
    %swap3A_638 = vector.shape_cast %add3A_632 : vector<16xi32> to vector<1x16xi32>
    tpu.vector_store %arg9[%swap3A_634, %swap3A_635], %swap3A_638 {strides = array<i32>} : memref<8x128xi32, #tpu.memory_space<vmem>>, vector<1x16xi32>,
    %add3A_639 = arith.constant 48 : i32
    %add3A_640 = vector.broadcast %add3A_639 : i32 to vector<16xi32>
    %add3A_641 = arith.addi %iota3A, %add3A_640 : vector<16xi32>
    %mul3A_642 = arith.constant 128 : i32
    %mul3A_643 = vector.broadcast %mul3A_642 : i32 to vector<16xi32>
    %mul3A_644 = arith.muli %add3A_641, %mul3A_643 : vector<16xi32>
    %add3A_645 = vector.broadcast %add3A_596 : i32 to vector<16xi32>
    %add3A_646 = arith.addi %mul3A_644, %add3A_645 : vector<16xi32>
    %swap3A_647 = arith.constant 5 : i32
    %swap3A_648 = arith.index_cast %swap3A_647 : i32 to index
    %swap3A_649 = arith.constant 48 : index
    %swap3A_650 = tpu.vector_load %arg9[%swap3A_648, %swap3A_649] {strides = array<i32>} : memref<8x128xi32, #tpu.memory_space<vmem>>, vector<1x16xi32>,
    %swap3A_651 = vector.shape_cast %swap3A_650 : vector<1x16xi32> to vector<16xi32>
    %swap3A_652 = vector.shape_cast %add3A_646 : vector<16xi32> to vector<1x16xi32>
    tpu.vector_store %arg9[%swap3A_648, %swap3A_649], %swap3A_652 {strides = array<i32>} : memref<8x128xi32, #tpu.memory_space<vmem>>, vector<1x16xi32>,
    %add3A_653 = arith.constant 64 : i32
    %add3A_654 = vector.broadcast %add3A_653 : i32 to vector<16xi32>
    %add3A_655 = arith.addi %iota3A, %add3A_654 : vector<16xi32>
    %mul3A_656 = arith.constant 128 : i32
    %mul3A_657 = vector.broadcast %mul3A_656 : i32 to vector<16xi32>
    %mul3A_658 = arith.muli %add3A_655, %mul3A_657 : vector<16xi32>
    %add3A_659 = vector.broadcast %add3A_596 : i32 to vector<16xi32>
    %add3A_660 = arith.addi %mul3A_658, %add3A_659 : vector<16xi32>
    %swap3A_661 = arith.constant 5 : i32
    %swap3A_662 = arith.index_cast %swap3A_661 : i32 to index
    %swap3A_663 = arith.constant 64 : index
    %swap3A_664 = tpu.vector_load %arg9[%swap3A_662, %swap3A_663] {strides = array<i32>} : memref<8x128xi32, #tpu.memory_space<vmem>>, vector<1x16xi32>,
    %swap3A_665 = vector.shape_cast %swap3A_664 : vector<1x16xi32> to vector<16xi32>
    %swap3A_666 = vector.shape_cast %add3A_660 : vector<16xi32> to vector<1x16xi32>
    tpu.vector_store %arg9[%swap3A_662, %swap3A_663], %swap3A_666 {strides = array<i32>} : memref<8x128xi32, #tpu.memory_space<vmem>>, vector<1x16xi32>,
    %add3A_667 = arith.constant 80 : i32
    %add3A_668 = vector.broadcast %add3A_667 : i32 to vector<16xi32>
    %add3A_669 = arith.addi %iota3A, %add3A_668 : vector<16xi32>
    %mul3A_670 = arith.constant 128 : i32
    %mul3A_671 = vector.broadcast %mul3A_670 : i32 to vector<16xi32>
    %mul3A_672 = arith.muli %add3A_669, %mul3A_671 : vector<16xi32>
    %add3A_673 = vector.broadcast %add3A_596 : i32 to vector<16xi32>
    %add3A_674 = arith.addi %mul3A_672, %add3A_673 : vector<16xi32>
    %swap3A_675 = arith.constant 5 : i32
    %swap3A_676 = arith.index_cast %swap3A_675 : i32 to index
    %swap3A_677 = arith.constant 80 : index
    %swap3A_678 = tpu.vector_load %arg9[%swap3A_676, %swap3A_677] {strides = array<i32>} : memref<8x128xi32, #tpu.memory_space<vmem>>, vector<1x16xi32>,
    %swap3A_679 = vector.shape_cast %swap3A_678 : vector<1x16xi32> to vector<16xi32>
    %swap3A_680 = vector.shape_cast %add3A_674 : vector<16xi32> to vector<1x16xi32>
    tpu.vector_store %arg9[%swap3A_676, %swap3A_677], %swap3A_680 {strides = array<i32>} : memref<8x128xi32, #tpu.memory_space<vmem>>, vector<1x16xi32>,
    %add3A_681 = arith.constant 96 : i32
    %add3A_682 = vector.broadcast %add3A_681 : i32 to vector<16xi32>
    %add3A_683 = arith.addi %iota3A, %add3A_682 : vector<16xi32>
    %mul3A_684 = arith.constant 128 : i32
    %mul3A_685 = vector.broadcast %mul3A_684 : i32 to vector<16xi32>
    %mul3A_686 = arith.muli %add3A_683, %mul3A_685 : vector<16xi32>
    %add3A_687 = vector.broadcast %add3A_596 : i32 to vector<16xi32>
    %add3A_688 = arith.addi %mul3A_686, %add3A_687 : vector<16xi32>
    %swap3A_689 = arith.constant 5 : i32
    %swap3A_690 = arith.index_cast %swap3A_689 : i32 to index
    %swap3A_691 = arith.constant 96 : index
    %swap3A_692 = tpu.vector_load %arg9[%swap3A_690, %swap3A_691] {strides = array<i32>} : memref<8x128xi32, #tpu.memory_space<vmem>>, vector<1x16xi32>,
    %swap3A_693 = vector.shape_cast %swap3A_692 : vector<1x16xi32> to vector<16xi32>
    %swap3A_694 = vector.shape_cast %add3A_688 : vector<16xi32> to vector<1x16xi32>
    tpu.vector_store %arg9[%swap3A_690, %swap3A_691], %swap3A_694 {strides = array<i32>} : memref<8x128xi32, #tpu.memory_space<vmem>>, vector<1x16xi32>,
    %add3A_695 = arith.constant 112 : i32
    %add3A_696 = vector.broadcast %add3A_695 : i32 to vector<16xi32>
    %add3A_697 = arith.addi %iota3A, %add3A_696 : vector<16xi32>
    %mul3A_698 = arith.constant 128 : i32
    %mul3A_699 = vector.broadcast %mul3A_698 : i32 to vector<16xi32>
    %mul3A_700 = arith.muli %add3A_697, %mul3A_699 : vector<16xi32>
    %add3A_701 = vector.broadcast %add3A_596 : i32 to vector<16xi32>
    %add3A_702 = arith.addi %mul3A_700, %add3A_701 : vector<16xi32>
    %swap3A_703 = arith.constant 5 : i32
    %swap3A_704 = arith.index_cast %swap3A_703 : i32 to index
    %swap3A_705 = arith.constant 112 : index
    %swap3A_706 = tpu.vector_load %arg9[%swap3A_704, %swap3A_705] {strides = array<i32>} : memref<8x128xi32, #tpu.memory_space<vmem>>, vector<1x16xi32>,
    %swap3A_707 = vector.shape_cast %swap3A_706 : vector<1x16xi32> to vector<16xi32>
    %swap3A_708 = vector.shape_cast %add3A_702 : vector<16xi32> to vector<1x16xi32>
    tpu.vector_store %arg9[%swap3A_704, %swap3A_705], %swap3A_708 {strides = array<i32>} : memref<8x128xi32, #tpu.memory_space<vmem>>, vector<1x16xi32>,
    %mul3A_709 = arith.constant 8 : i32
    %mul3A_710 = arith.muli %arg1, %mul3A_709 : i32
    %add3A_711 = arith.constant 6 : i32
    %add3A_712 = arith.addi %mul3A_710, %add3A_711 : i32
    %add3A_713 = arith.constant 0 : i32
    %add3A_714 = vector.broadcast %add3A_713 : i32 to vector<16xi32>
    %add3A_715 = arith.addi %iota3A, %add3A_714 : vector<16xi32>
    %mul3A_716 = arith.constant 128 : i32
    %mul3A_717 = vector.broadcast %mul3A_716 : i32 to vector<16xi32>
    %mul3A_718 = arith.muli %add3A_715, %mul3A_717 : vector<16xi32>
    %add3A_719 = vector.broadcast %add3A_712 : i32 to vector<16xi32>
    %add3A_720 = arith.addi %mul3A_718, %add3A_719 : vector<16xi32>
    %swap3A_721 = arith.constant 6 : i32
    %swap3A_722 = arith.index_cast %swap3A_721 : i32 to index
    %swap3A_723 = arith.constant 0 : index
    %swap3A_724 = tpu.vector_load %arg9[%swap3A_722, %swap3A_723] {strides = array<i32>} : memref<8x128xi32, #tpu.memory_space<vmem>>, vector<1x16xi32>,
    %swap3A_725 = vector.shape_cast %swap3A_724 : vector<1x16xi32> to vector<16xi32>
    %swap3A_726 = vector.shape_cast %add3A_720 : vector<16xi32> to vector<1x16xi32>
    tpu.vector_store %arg9[%swap3A_722, %swap3A_723], %swap3A_726 {strides = array<i32>} : memref<8x128xi32, #tpu.memory_space<vmem>>, vector<1x16xi32>,
    %add3A_727 = arith.constant 16 : i32
    %add3A_728 = vector.broadcast %add3A_727 : i32 to vector<16xi32>
    %add3A_729 = arith.addi %iota3A, %add3A_728 : vector<16xi32>
    %mul3A_730 = arith.constant 128 : i32
    %mul3A_731 = vector.broadcast %mul3A_730 : i32 to vector<16xi32>
    %mul3A_732 = arith.muli %add3A_729, %mul3A_731 : vector<16xi32>
    %add3A_733 = vector.broadcast %add3A_712 : i32 to vector<16xi32>
    %add3A_734 = arith.addi %mul3A_732, %add3A_733 : vector<16xi32>
    %swap3A_735 = arith.constant 6 : i32
    %swap3A_736 = arith.index_cast %swap3A_735 : i32 to index
    %swap3A_737 = arith.constant 16 : index
    %swap3A_738 = tpu.vector_load %arg9[%swap3A_736, %swap3A_737] {strides = array<i32>} : memref<8x128xi32, #tpu.memory_space<vmem>>, vector<1x16xi32>,
    %swap3A_739 = vector.shape_cast %swap3A_738 : vector<1x16xi32> to vector<16xi32>
    %swap3A_740 = vector.shape_cast %add3A_734 : vector<16xi32> to vector<1x16xi32>
    tpu.vector_store %arg9[%swap3A_736, %swap3A_737], %swap3A_740 {strides = array<i32>} : memref<8x128xi32, #tpu.memory_space<vmem>>, vector<1x16xi32>,
    %add3A_741 = arith.constant 32 : i32
    %add3A_742 = vector.broadcast %add3A_741 : i32 to vector<16xi32>
    %add3A_743 = arith.addi %iota3A, %add3A_742 : vector<16xi32>
    %mul3A_744 = arith.constant 128 : i32
    %mul3A_745 = vector.broadcast %mul3A_744 : i32 to vector<16xi32>
    %mul3A_746 = arith.muli %add3A_743, %mul3A_745 : vector<16xi32>
    %add3A_747 = vector.broadcast %add3A_712 : i32 to vector<16xi32>
    %add3A_748 = arith.addi %mul3A_746, %add3A_747 : vector<16xi32>
    %swap3A_749 = arith.constant 6 : i32
    %swap3A_750 = arith.index_cast %swap3A_749 : i32 to index
    %swap3A_751 = arith.constant 32 : index
    %swap3A_752 = tpu.vector_load %arg9[%swap3A_750, %swap3A_751] {strides = array<i32>} : memref<8x128xi32, #tpu.memory_space<vmem>>, vector<1x16xi32>,
    %swap3A_753 = vector.shape_cast %swap3A_752 : vector<1x16xi32> to vector<16xi32>
    %swap3A_754 = vector.shape_cast %add3A_748 : vector<16xi32> to vector<1x16xi32>
    tpu.vector_store %arg9[%swap3A_750, %swap3A_751], %swap3A_754 {strides = array<i32>} : memref<8x128xi32, #tpu.memory_space<vmem>>, vector<1x16xi32>,
    %add3A_755 = arith.constant 48 : i32
    %add3A_756 = vector.broadcast %add3A_755 : i32 to vector<16xi32>
    %add3A_757 = arith.addi %iota3A, %add3A_756 : vector<16xi32>
    %mul3A_758 = arith.constant 128 : i32
    %mul3A_759 = vector.broadcast %mul3A_758 : i32 to vector<16xi32>
    %mul3A_760 = arith.muli %add3A_757, %mul3A_759 : vector<16xi32>
    %add3A_761 = vector.broadcast %add3A_712 : i32 to vector<16xi32>
    %add3A_762 = arith.addi %mul3A_760, %add3A_761 : vector<16xi32>
    %swap3A_763 = arith.constant 6 : i32
    %swap3A_764 = arith.index_cast %swap3A_763 : i32 to index
    %swap3A_765 = arith.constant 48 : index
    %swap3A_766 = tpu.vector_load %arg9[%swap3A_764, %swap3A_765] {strides = array<i32>} : memref<8x128xi32, #tpu.memory_space<vmem>>, vector<1x16xi32>,
    %swap3A_767 = vector.shape_cast %swap3A_766 : vector<1x16xi32> to vector<16xi32>
    %swap3A_768 = vector.shape_cast %add3A_762 : vector<16xi32> to vector<1x16xi32>
    tpu.vector_store %arg9[%swap3A_764, %swap3A_765], %swap3A_768 {strides = array<i32>} : memref<8x128xi32, #tpu.memory_space<vmem>>, vector<1x16xi32>,
    %add3A_769 = arith.constant 64 : i32
    %add3A_770 = vector.broadcast %add3A_769 : i32 to vector<16xi32>
    %add3A_771 = arith.addi %iota3A, %add3A_770 : vector<16xi32>
    %mul3A_772 = arith.constant 128 : i32
    %mul3A_773 = vector.broadcast %mul3A_772 : i32 to vector<16xi32>
    %mul3A_774 = arith.muli %add3A_771, %mul3A_773 : vector<16xi32>
    %add3A_775 = vector.broadcast %add3A_712 : i32 to vector<16xi32>
    %add3A_776 = arith.addi %mul3A_774, %add3A_775 : vector<16xi32>
    %swap3A_777 = arith.constant 6 : i32
    %swap3A_778 = arith.index_cast %swap3A_777 : i32 to index
    %swap3A_779 = arith.constant 64 : index
    %swap3A_780 = tpu.vector_load %arg9[%swap3A_778, %swap3A_779] {strides = array<i32>} : memref<8x128xi32, #tpu.memory_space<vmem>>, vector<1x16xi32>,
    %swap3A_781 = vector.shape_cast %swap3A_780 : vector<1x16xi32> to vector<16xi32>
    %swap3A_782 = vector.shape_cast %add3A_776 : vector<16xi32> to vector<1x16xi32>
    tpu.vector_store %arg9[%swap3A_778, %swap3A_779], %swap3A_782 {strides = array<i32>} : memref<8x128xi32, #tpu.memory_space<vmem>>, vector<1x16xi32>,
    %add3A_783 = arith.constant 80 : i32
    %add3A_784 = vector.broadcast %add3A_783 : i32 to vector<16xi32>
    %add3A_785 = arith.addi %iota3A, %add3A_784 : vector<16xi32>
    %mul3A_786 = arith.constant 128 : i32
    %mul3A_787 = vector.broadcast %mul3A_786 : i32 to vector<16xi32>
    %mul3A_788 = arith.muli %add3A_785, %mul3A_787 : vector<16xi32>
    %add3A_789 = vector.broadcast %add3A_712 : i32 to vector<16xi32>
    %add3A_790 = arith.addi %mul3A_788, %add3A_789 : vector<16xi32>
    %swap3A_791 = arith.constant 6 : i32
    %swap3A_792 = arith.index_cast %swap3A_791 : i32 to index
    %swap3A_793 = arith.constant 80 : index
    %swap3A_794 = tpu.vector_load %arg9[%swap3A_792, %swap3A_793] {strides = array<i32>} : memref<8x128xi32, #tpu.memory_space<vmem>>, vector<1x16xi32>,
    %swap3A_795 = vector.shape_cast %swap3A_794 : vector<1x16xi32> to vector<16xi32>
    %swap3A_796 = vector.shape_cast %add3A_790 : vector<16xi32> to vector<1x16xi32>
    tpu.vector_store %arg9[%swap3A_792, %swap3A_793], %swap3A_796 {strides = array<i32>} : memref<8x128xi32, #tpu.memory_space<vmem>>, vector<1x16xi32>,
    %add3A_797 = arith.constant 96 : i32
    %add3A_798 = vector.broadcast %add3A_797 : i32 to vector<16xi32>
    %add3A_799 = arith.addi %iota3A, %add3A_798 : vector<16xi32>
    %mul3A_800 = arith.constant 128 : i32
    %mul3A_801 = vector.broadcast %mul3A_800 : i32 to vector<16xi32>
    %mul3A_802 = arith.muli %add3A_799, %mul3A_801 : vector<16xi32>
    %add3A_803 = vector.broadcast %add3A_712 : i32 to vector<16xi32>
    %add3A_804 = arith.addi %mul3A_802, %add3A_803 : vector<16xi32>
    %swap3A_805 = arith.constant 6 : i32
    %swap3A_806 = arith.index_cast %swap3A_805 : i32 to index
    %swap3A_807 = arith.constant 96 : index
    %swap3A_808 = tpu.vector_load %arg9[%swap3A_806, %swap3A_807] {strides = array<i32>} : memref<8x128xi32, #tpu.memory_space<vmem>>, vector<1x16xi32>,
    %swap3A_809 = vector.shape_cast %swap3A_808 : vector<1x16xi32> to vector<16xi32>
    %swap3A_810 = vector.shape_cast %add3A_804 : vector<16xi32> to vector<1x16xi32>
    tpu.vector_store %arg9[%swap3A_806, %swap3A_807], %swap3A_810 {strides = array<i32>} : memref<8x128xi32, #tpu.memory_space<vmem>>, vector<1x16xi32>,
    %add3A_811 = arith.constant 112 : i32
    %add3A_812 = vector.broadcast %add3A_811 : i32 to vector<16xi32>
    %add3A_813 = arith.addi %iota3A, %add3A_812 : vector<16xi32>
    %mul3A_814 = arith.constant 128 : i32
    %mul3A_815 = vector.broadcast %mul3A_814 : i32 to vector<16xi32>
    %mul3A_816 = arith.muli %add3A_813, %mul3A_815 : vector<16xi32>
    %add3A_817 = vector.broadcast %add3A_712 : i32 to vector<16xi32>
    %add3A_818 = arith.addi %mul3A_816, %add3A_817 : vector<16xi32>
    %swap3A_819 = arith.constant 6 : i32
    %swap3A_820 = arith.index_cast %swap3A_819 : i32 to index
    %swap3A_821 = arith.constant 112 : index
    %swap3A_822 = tpu.vector_load %arg9[%swap3A_820, %swap3A_821] {strides = array<i32>} : memref<8x128xi32, #tpu.memory_space<vmem>>, vector<1x16xi32>,
    %swap3A_823 = vector.shape_cast %swap3A_822 : vector<1x16xi32> to vector<16xi32>
    %swap3A_824 = vector.shape_cast %add3A_818 : vector<16xi32> to vector<1x16xi32>
    tpu.vector_store %arg9[%swap3A_820, %swap3A_821], %swap3A_824 {strides = array<i32>} : memref<8x128xi32, #tpu.memory_space<vmem>>, vector<1x16xi32>,
    %mul3A_825 = arith.constant 8 : i32
    %mul3A_826 = arith.muli %arg1, %mul3A_825 : i32
    %add3A_827 = arith.constant 7 : i32
    %add3A_828 = arith.addi %mul3A_826, %add3A_827 : i32
    %add3A_829 = arith.constant 0 : i32
    %add3A_830 = vector.broadcast %add3A_829 : i32 to vector<16xi32>
    %add3A_831 = arith.addi %iota3A, %add3A_830 : vector<16xi32>
    %mul3A_832 = arith.constant 128 : i32
    %mul3A_833 = vector.broadcast %mul3A_832 : i32 to vector<16xi32>
    %mul3A_834 = arith.muli %add3A_831, %mul3A_833 : vector<16xi32>
    %add3A_835 = vector.broadcast %add3A_828 : i32 to vector<16xi32>
    %add3A_836 = arith.addi %mul3A_834, %add3A_835 : vector<16xi32>
    %swap3A_837 = arith.constant 7 : i32
    %swap3A_838 = arith.index_cast %swap3A_837 : i32 to index
    %swap3A_839 = arith.constant 0 : index
    %swap3A_840 = tpu.vector_load %arg9[%swap3A_838, %swap3A_839] {strides = array<i32>} : memref<8x128xi32, #tpu.memory_space<vmem>>, vector<1x16xi32>,
    %swap3A_841 = vector.shape_cast %swap3A_840 : vector<1x16xi32> to vector<16xi32>
    %swap3A_842 = vector.shape_cast %add3A_836 : vector<16xi32> to vector<1x16xi32>
    tpu.vector_store %arg9[%swap3A_838, %swap3A_839], %swap3A_842 {strides = array<i32>} : memref<8x128xi32, #tpu.memory_space<vmem>>, vector<1x16xi32>,
    %add3A_843 = arith.constant 16 : i32
    %add3A_844 = vector.broadcast %add3A_843 : i32 to vector<16xi32>
    %add3A_845 = arith.addi %iota3A, %add3A_844 : vector<16xi32>
    %mul3A_846 = arith.constant 128 : i32
    %mul3A_847 = vector.broadcast %mul3A_846 : i32 to vector<16xi32>
    %mul3A_848 = arith.muli %add3A_845, %mul3A_847 : vector<16xi32>
    %add3A_849 = vector.broadcast %add3A_828 : i32 to vector<16xi32>
    %add3A_850 = arith.addi %mul3A_848, %add3A_849 : vector<16xi32>
    %swap3A_851 = arith.constant 7 : i32
    %swap3A_852 = arith.index_cast %swap3A_851 : i32 to index
    %swap3A_853 = arith.constant 16 : index
    %swap3A_854 = tpu.vector_load %arg9[%swap3A_852, %swap3A_853] {strides = array<i32>} : memref<8x128xi32, #tpu.memory_space<vmem>>, vector<1x16xi32>,
    %swap3A_855 = vector.shape_cast %swap3A_854 : vector<1x16xi32> to vector<16xi32>
    %swap3A_856 = vector.shape_cast %add3A_850 : vector<16xi32> to vector<1x16xi32>
    tpu.vector_store %arg9[%swap3A_852, %swap3A_853], %swap3A_856 {strides = array<i32>} : memref<8x128xi32, #tpu.memory_space<vmem>>, vector<1x16xi32>,
    %add3A_857 = arith.constant 32 : i32
    %add3A_858 = vector.broadcast %add3A_857 : i32 to vector<16xi32>
    %add3A_859 = arith.addi %iota3A, %add3A_858 : vector<16xi32>
    %mul3A_860 = arith.constant 128 : i32
    %mul3A_861 = vector.broadcast %mul3A_860 : i32 to vector<16xi32>
    %mul3A_862 = arith.muli %add3A_859, %mul3A_861 : vector<16xi32>
    %add3A_863 = vector.broadcast %add3A_828 : i32 to vector<16xi32>
    %add3A_864 = arith.addi %mul3A_862, %add3A_863 : vector<16xi32>
    %swap3A_865 = arith.constant 7 : i32
    %swap3A_866 = arith.index_cast %swap3A_865 : i32 to index
    %swap3A_867 = arith.constant 32 : index
    %swap3A_868 = tpu.vector_load %arg9[%swap3A_866, %swap3A_867] {strides = array<i32>} : memref<8x128xi32, #tpu.memory_space<vmem>>, vector<1x16xi32>,
    %swap3A_869 = vector.shape_cast %swap3A_868 : vector<1x16xi32> to vector<16xi32>
    %swap3A_870 = vector.shape_cast %add3A_864 : vector<16xi32> to vector<1x16xi32>
    tpu.vector_store %arg9[%swap3A_866, %swap3A_867], %swap3A_870 {strides = array<i32>} : memref<8x128xi32, #tpu.memory_space<vmem>>, vector<1x16xi32>,
    %add3A_871 = arith.constant 48 : i32
    %add3A_872 = vector.broadcast %add3A_871 : i32 to vector<16xi32>
    %add3A_873 = arith.addi %iota3A, %add3A_872 : vector<16xi32>
    %mul3A_874 = arith.constant 128 : i32
    %mul3A_875 = vector.broadcast %mul3A_874 : i32 to vector<16xi32>
    %mul3A_876 = arith.muli %add3A_873, %mul3A_875 : vector<16xi32>
    %add3A_877 = vector.broadcast %add3A_828 : i32 to vector<16xi32>
    %add3A_878 = arith.addi %mul3A_876, %add3A_877 : vector<16xi32>
    %swap3A_879 = arith.constant 7 : i32
    %swap3A_880 = arith.index_cast %swap3A_879 : i32 to index
    %swap3A_881 = arith.constant 48 : index
    %swap3A_882 = tpu.vector_load %arg9[%swap3A_880, %swap3A_881] {strides = array<i32>} : memref<8x128xi32, #tpu.memory_space<vmem>>, vector<1x16xi32>,
    %swap3A_883 = vector.shape_cast %swap3A_882 : vector<1x16xi32> to vector<16xi32>
    %swap3A_884 = vector.shape_cast %add3A_878 : vector<16xi32> to vector<1x16xi32>
    tpu.vector_store %arg9[%swap3A_880, %swap3A_881], %swap3A_884 {strides = array<i32>} : memref<8x128xi32, #tpu.memory_space<vmem>>, vector<1x16xi32>,
    %add3A_885 = arith.constant 64 : i32
    %add3A_886 = vector.broadcast %add3A_885 : i32 to vector<16xi32>
    %add3A_887 = arith.addi %iota3A, %add3A_886 : vector<16xi32>
    %mul3A_888 = arith.constant 128 : i32
    %mul3A_889 = vector.broadcast %mul3A_888 : i32 to vector<16xi32>
    %mul3A_890 = arith.muli %add3A_887, %mul3A_889 : vector<16xi32>
    %add3A_891 = vector.broadcast %add3A_828 : i32 to vector<16xi32>
    %add3A_892 = arith.addi %mul3A_890, %add3A_891 : vector<16xi32>
    %swap3A_893 = arith.constant 7 : i32
    %swap3A_894 = arith.index_cast %swap3A_893 : i32 to index
    %swap3A_895 = arith.constant 64 : index
    %swap3A_896 = tpu.vector_load %arg9[%swap3A_894, %swap3A_895] {strides = array<i32>} : memref<8x128xi32, #tpu.memory_space<vmem>>, vector<1x16xi32>,
    %swap3A_897 = vector.shape_cast %swap3A_896 : vector<1x16xi32> to vector<16xi32>
    %swap3A_898 = vector.shape_cast %add3A_892 : vector<16xi32> to vector<1x16xi32>
    tpu.vector_store %arg9[%swap3A_894, %swap3A_895], %swap3A_898 {strides = array<i32>} : memref<8x128xi32, #tpu.memory_space<vmem>>, vector<1x16xi32>,
    %add3A_899 = arith.constant 80 : i32
    %add3A_900 = vector.broadcast %add3A_899 : i32 to vector<16xi32>
    %add3A_901 = arith.addi %iota3A, %add3A_900 : vector<16xi32>
    %mul3A_902 = arith.constant 128 : i32
    %mul3A_903 = vector.broadcast %mul3A_902 : i32 to vector<16xi32>
    %mul3A_904 = arith.muli %add3A_901, %mul3A_903 : vector<16xi32>
    %add3A_905 = vector.broadcast %add3A_828 : i32 to vector<16xi32>
    %add3A_906 = arith.addi %mul3A_904, %add3A_905 : vector<16xi32>
    %swap3A_907 = arith.constant 7 : i32
    %swap3A_908 = arith.index_cast %swap3A_907 : i32 to index
    %swap3A_909 = arith.constant 80 : index
    %swap3A_910 = tpu.vector_load %arg9[%swap3A_908, %swap3A_909] {strides = array<i32>} : memref<8x128xi32, #tpu.memory_space<vmem>>, vector<1x16xi32>,
    %swap3A_911 = vector.shape_cast %swap3A_910 : vector<1x16xi32> to vector<16xi32>
    %swap3A_912 = vector.shape_cast %add3A_906 : vector<16xi32> to vector<1x16xi32>
    tpu.vector_store %arg9[%swap3A_908, %swap3A_909], %swap3A_912 {strides = array<i32>} : memref<8x128xi32, #tpu.memory_space<vmem>>, vector<1x16xi32>,
    %add3A_913 = arith.constant 96 : i32
    %add3A_914 = vector.broadcast %add3A_913 : i32 to vector<16xi32>
    %add3A_915 = arith.addi %iota3A, %add3A_914 : vector<16xi32>
    %mul3A_916 = arith.constant 128 : i32
    %mul3A_917 = vector.broadcast %mul3A_916 : i32 to vector<16xi32>
    %mul3A_918 = arith.muli %add3A_915, %mul3A_917 : vector<16xi32>
    %add3A_919 = vector.broadcast %add3A_828 : i32 to vector<16xi32>
    %add3A_920 = arith.addi %mul3A_918, %add3A_919 : vector<16xi32>
    %swap3A_921 = arith.constant 7 : i32
    %swap3A_922 = arith.index_cast %swap3A_921 : i32 to index
    %swap3A_923 = arith.constant 96 : index
    %swap3A_924 = tpu.vector_load %arg9[%swap3A_922, %swap3A_923] {strides = array<i32>} : memref<8x128xi32, #tpu.memory_space<vmem>>, vector<1x16xi32>,
    %swap3A_925 = vector.shape_cast %swap3A_924 : vector<1x16xi32> to vector<16xi32>
    %swap3A_926 = vector.shape_cast %add3A_920 : vector<16xi32> to vector<1x16xi32>
    tpu.vector_store %arg9[%swap3A_922, %swap3A_923], %swap3A_926 {strides = array<i32>} : memref<8x128xi32, #tpu.memory_space<vmem>>, vector<1x16xi32>,
    %add3A_927 = arith.constant 112 : i32
    %add3A_928 = vector.broadcast %add3A_927 : i32 to vector<16xi32>
    %add3A_929 = arith.addi %iota3A, %add3A_928 : vector<16xi32>
    %mul3A_930 = arith.constant 128 : i32
    %mul3A_931 = vector.broadcast %mul3A_930 : i32 to vector<16xi32>
    %mul3A_932 = arith.muli %add3A_929, %mul3A_931 : vector<16xi32>
    %add3A_933 = vector.broadcast %add3A_828 : i32 to vector<16xi32>
    %add3A_934 = arith.addi %mul3A_932, %add3A_933 : vector<16xi32>
    %swap3A_935 = arith.constant 7 : i32
    %swap3A_936 = arith.index_cast %swap3A_935 : i32 to index
    %swap3A_937 = arith.constant 112 : index
    %swap3A_938 = tpu.vector_load %arg9[%swap3A_936, %swap3A_937] {strides = array<i32>} : memref<8x128xi32, #tpu.memory_space<vmem>>, vector<1x16xi32>,
    %swap3A_939 = vector.shape_cast %swap3A_938 : vector<1x16xi32> to vector<16xi32>
    %swap3A_940 = vector.shape_cast %add3A_934 : vector<16xi32> to vector<1x16xi32>
    tpu.vector_store %arg9[%swap3A_936, %swap3A_937], %swap3A_940 {strides = array<i32>} : memref<8x128xi32, #tpu.memory_space<vmem>>, vector<1x16xi32>,
    %dma_start3A = arith.constant 0 : i32
    %dma_start3A_941 = arith.constant 0 : i32
    %dma_start3A_942 = arith.constant 0 : i32
    %dma_start3A_943 = tpu.memref_slice %arg10[%dma_start3A_941, %dma_start3A_942] : memref<8x128xf32, #tpu.memory_space<vmem>> -> memref<1x128xf32, #tpu.memory_space<vmem>>
    %dma_start3A_944 = tpu.memref_squeeze %dma_start3A_943 : memref<1x128xf32, #tpu.memory_space<vmem>> -> memref<128xf32, #tpu.memory_space<vmem>>
    %dma_start3A_945 = arith.constant 0 : i32
    %dma_start3A_946 = tpu.memref_slice %arg9[%dma_start3A, %dma_start3A_945] : memref<8x128xi32, #tpu.memory_space<vmem>> -> memref<1x128xi32, #tpu.memory_space<vmem>>
    %dma_start3A_947 = tpu.memref_squeeze %dma_start3A_946 : memref<1x128xi32, #tpu.memory_space<vmem>> -> memref<128xi32, #tpu.memory_space<vmem>>
    %dma_start3A_948 = arith.constant 0 : i32
    %dma_start3A_949 = tpu.memref_slice %arg2[%dma_start3A_948] : memref<16384xf32, #tpu.memory_space<hbm>> -> memref<16384xf32, #tpu.memory_space<hbm>>
    tpu.enqueue_indirect_dma source(%dma_start3A_949 : memref<16384xf32, #tpu.memory_space<hbm>>) target(%dma_start3A_944 : memref<128xf32, #tpu.memory_space<vmem>>) offsets(%dma_start3A_947 : memref<128xi32, #tpu.memory_space<vmem>>) semaphore(%arg13 : memref<!tpu.dma_semaphore, #tpu.memory_space<semaphore_mem>>)
    %dma_start3A_950 = arith.constant 1 : i32
    %dma_start3A_951 = arith.constant 1 : i32
    %dma_start3A_952 = arith.constant 0 : i32
    %dma_start3A_953 = tpu.memref_slice %arg10[%dma_start3A_951, %dma_start3A_952] : memref<8x128xf32, #tpu.memory_space<vmem>> -> memref<1x128xf32, #tpu.memory_space<vmem>>
    %dma_start3A_954 = tpu.memref_squeeze %dma_start3A_953 : memref<1x128xf32, #tpu.memory_space<vmem>> -> memref<128xf32, #tpu.memory_space<vmem>>
    %dma_start3A_955 = arith.constant 0 : i32
    %dma_start3A_956 = tpu.memref_slice %arg9[%dma_start3A_950, %dma_start3A_955] : memref<8x128xi32, #tpu.memory_space<vmem>> -> memref<1x128xi32, #tpu.memory_space<vmem>>
    %dma_start3A_957 = tpu.memref_squeeze %dma_start3A_956 : memref<1x128xi32, #tpu.memory_space<vmem>> -> memref<128xi32, #tpu.memory_space<vmem>>
    %dma_start3A_958 = arith.constant 0 : i32
    %dma_start3A_959 = tpu.memref_slice %arg2[%dma_start3A_958] : memref<16384xf32, #tpu.memory_space<hbm>> -> memref<16384xf32, #tpu.memory_space<hbm>>
    tpu.enqueue_indirect_dma source(%dma_start3A_959 : memref<16384xf32, #tpu.memory_space<hbm>>) target(%dma_start3A_954 : memref<128xf32, #tpu.memory_space<vmem>>) offsets(%dma_start3A_957 : memref<128xi32, #tpu.memory_space<vmem>>) semaphore(%arg13 : memref<!tpu.dma_semaphore, #tpu.memory_space<semaphore_mem>>)
    %dma_start3A_960 = arith.constant 2 : i32
    %dma_start3A_961 = arith.constant 2 : i32
    %dma_start3A_962 = arith.constant 0 : i32
    %dma_start3A_963 = tpu.memref_slice %arg10[%dma_start3A_961, %dma_start3A_962] : memref<8x128xf32, #tpu.memory_space<vmem>> -> memref<1x128xf32, #tpu.memory_space<vmem>>
    %dma_start3A_964 = tpu.memref_squeeze %dma_start3A_963 : memref<1x128xf32, #tpu.memory_space<vmem>> -> memref<128xf32, #tpu.memory_space<vmem>>
    %dma_start3A_965 = arith.constant 0 : i32
    %dma_start3A_966 = tpu.memref_slice %arg9[%dma_start3A_960, %dma_start3A_965] : memref<8x128xi32, #tpu.memory_space<vmem>> -> memref<1x128xi32, #tpu.memory_space<vmem>>
    %dma_start3A_967 = tpu.memref_squeeze %dma_start3A_966 : memref<1x128xi32, #tpu.memory_space<vmem>> -> memref<128xi32, #tpu.memory_space<vmem>>
    %dma_start3A_968 = arith.constant 0 : i32
    %dma_start3A_969 = tpu.memref_slice %arg2[%dma_start3A_968] : memref<16384xf32, #tpu.memory_space<hbm>> -> memref<16384xf32, #tpu.memory_space<hbm>>
    tpu.enqueue_indirect_dma source(%dma_start3A_969 : memref<16384xf32, #tpu.memory_space<hbm>>) target(%dma_start3A_964 : memref<128xf32, #tpu.memory_space<vmem>>) offsets(%dma_start3A_967 : memref<128xi32, #tpu.memory_space<vmem>>) semaphore(%arg13 : memref<!tpu.dma_semaphore, #tpu.memory_space<semaphore_mem>>)
    %dma_start3A_970 = arith.constant 3 : i32
    %dma_start3A_971 = arith.constant 3 : i32
    %dma_start3A_972 = arith.constant 0 : i32
    %dma_start3A_973 = tpu.memref_slice %arg10[%dma_start3A_971, %dma_start3A_972] : memref<8x128xf32, #tpu.memory_space<vmem>> -> memref<1x128xf32, #tpu.memory_space<vmem>>
    %dma_start3A_974 = tpu.memref_squeeze %dma_start3A_973 : memref<1x128xf32, #tpu.memory_space<vmem>> -> memref<128xf32, #tpu.memory_space<vmem>>
    %dma_start3A_975 = arith.constant 0 : i32
    %dma_start3A_976 = tpu.memref_slice %arg9[%dma_start3A_970, %dma_start3A_975] : memref<8x128xi32, #tpu.memory_space<vmem>> -> memref<1x128xi32, #tpu.memory_space<vmem>>
    %dma_start3A_977 = tpu.memref_squeeze %dma_start3A_976 : memref<1x128xi32, #tpu.memory_space<vmem>> -> memref<128xi32, #tpu.memory_space<vmem>>
    %dma_start3A_978 = arith.constant 0 : i32
    %dma_start3A_979 = tpu.memref_slice %arg2[%dma_start3A_978] : memref<16384xf32, #tpu.memory_space<hbm>> -> memref<16384xf32, #tpu.memory_space<hbm>>
    tpu.enqueue_indirect_dma source(%dma_start3A_979 : memref<16384xf32, #tpu.memory_space<hbm>>) target(%dma_start3A_974 : memref<128xf32, #tpu.memory_space<vmem>>) offsets(%dma_start3A_977 : memref<128xi32, #tpu.memory_space<vmem>>) semaphore(%arg13 : memref<!tpu.dma_semaphore, #tpu.memory_space<semaphore_mem>>)
    %dma_start3A_980 = arith.constant 4 : i32
    %dma_start3A_981 = arith.constant 4 : i32
    %dma_start3A_982 = arith.constant 0 : i32
    %dma_start3A_983 = tpu.memref_slice %arg10[%dma_start3A_981, %dma_start3A_982] : memref<8x128xf32, #tpu.memory_space<vmem>> -> memref<1x128xf32, #tpu.memory_space<vmem>>
    %dma_start3A_984 = tpu.memref_squeeze %dma_start3A_983 : memref<1x128xf32, #tpu.memory_space<vmem>> -> memref<128xf32, #tpu.memory_space<vmem>>
    %dma_start3A_985 = arith.constant 0 : i32
    %dma_start3A_986 = tpu.memref_slice %arg9[%dma_start3A_980, %dma_start3A_985] : memref<8x128xi32, #tpu.memory_space<vmem>> -> memref<1x128xi32, #tpu.memory_space<vmem>>
    %dma_start3A_987 = tpu.memref_squeeze %dma_start3A_986 : memref<1x128xi32, #tpu.memory_space<vmem>> -> memref<128xi32, #tpu.memory_space<vmem>>
    %dma_start3A_988 = arith.constant 0 : i32
    %dma_start3A_989 = tpu.memref_slice %arg2[%dma_start3A_988] : memref<16384xf32, #tpu.memory_space<hbm>> -> memref<16384xf32, #tpu.memory_space<hbm>>
    tpu.enqueue_indirect_dma source(%dma_start3A_989 : memref<16384xf32, #tpu.memory_space<hbm>>) target(%dma_start3A_984 : memref<128xf32, #tpu.memory_space<vmem>>) offsets(%dma_start3A_987 : memref<128xi32, #tpu.memory_space<vmem>>) semaphore(%arg13 : memref<!tpu.dma_semaphore, #tpu.memory_space<semaphore_mem>>)
    %dma_start3A_990 = arith.constant 5 : i32
    %dma_start3A_991 = arith.constant 5 : i32
    %dma_start3A_992 = arith.constant 0 : i32
    %dma_start3A_993 = tpu.memref_slice %arg10[%dma_start3A_991, %dma_start3A_992] : memref<8x128xf32, #tpu.memory_space<vmem>> -> memref<1x128xf32, #tpu.memory_space<vmem>>
    %dma_start3A_994 = tpu.memref_squeeze %dma_start3A_993 : memref<1x128xf32, #tpu.memory_space<vmem>> -> memref<128xf32, #tpu.memory_space<vmem>>
    %dma_start3A_995 = arith.constant 0 : i32
    %dma_start3A_996 = tpu.memref_slice %arg9[%dma_start3A_990, %dma_start3A_995] : memref<8x128xi32, #tpu.memory_space<vmem>> -> memref<1x128xi32, #tpu.memory_space<vmem>>
    %dma_start3A_997 = tpu.memref_squeeze %dma_start3A_996 : memref<1x128xi32, #tpu.memory_space<vmem>> -> memref<128xi32, #tpu.memory_space<vmem>>
    %dma_start3A_998 = arith.constant 0 : i32
    %dma_start3A_999 = tpu.memref_slice %arg2[%dma_start3A_998] : memref<16384xf32, #tpu.memory_space<hbm>> -> memref<16384xf32, #tpu.memory_space<hbm>>
    tpu.enqueue_indirect_dma source(%dma_start3A_999 : memref<16384xf32, #tpu.memory_space<hbm>>) target(%dma_start3A_994 : memref<128xf32, #tpu.memory_space<vmem>>) offsets(%dma_start3A_997 : memref<128xi32, #tpu.memory_space<vmem>>) semaphore(%arg13 : memref<!tpu.dma_semaphore, #tpu.memory_space<semaphore_mem>>)
    %dma_start3A_1000 = arith.constant 6 : i32
    %dma_start3A_1001 = arith.constant 6 : i32
    %dma_start3A_1002 = arith.constant 0 : i32
    %dma_start3A_1003 = tpu.memref_slice %arg10[%dma_start3A_1001, %dma_start3A_1002] : memref<8x128xf32, #tpu.memory_space<vmem>> -> memref<1x128xf32, #tpu.memory_space<vmem>>
    %dma_start3A_1004 = tpu.memref_squeeze %dma_start3A_1003 : memref<1x128xf32, #tpu.memory_space<vmem>> -> memref<128xf32, #tpu.memory_space<vmem>>
    %dma_start3A_1005 = arith.constant 0 : i32
    %dma_start3A_1006 = tpu.memref_slice %arg9[%dma_start3A_1000, %dma_start3A_1005] : memref<8x128xi32, #tpu.memory_space<vmem>> -> memref<1x128xi32, #tpu.memory_space<vmem>>
    %dma_start3A_1007 = tpu.memref_squeeze %dma_start3A_1006 : memref<1x128xi32, #tpu.memory_space<vmem>> -> memref<128xi32, #tpu.memory_space<vmem>>
    %dma_start3A_1008 = arith.constant 0 : i32
    %dma_start3A_1009 = tpu.memref_slice %arg2[%dma_start3A_1008] : memref<16384xf32, #tpu.memory_space<hbm>> -> memref<16384xf32, #tpu.memory_space<hbm>>
    tpu.enqueue_indirect_dma source(%dma_start3A_1009 : memref<16384xf32, #tpu.memory_space<hbm>>) target(%dma_start3A_1004 : memref<128xf32, #tpu.memory_space<vmem>>) offsets(%dma_start3A_1007 : memref<128xi32, #tpu.memory_space<vmem>>) semaphore(%arg13 : memref<!tpu.dma_semaphore, #tpu.memory_space<semaphore_mem>>)
    %dma_start3A_1010 = arith.constant 7 : i32
    %dma_start3A_1011 = arith.constant 7 : i32
    %dma_start3A_1012 = arith.constant 0 : i32
    %dma_start3A_1013 = tpu.memref_slice %arg10[%dma_start3A_1011, %dma_start3A_1012] : memref<8x128xf32, #tpu.memory_space<vmem>> -> memref<1x128xf32, #tpu.memory_space<vmem>>
    %dma_start3A_1014 = tpu.memref_squeeze %dma_start3A_1013 : memref<1x128xf32, #tpu.memory_space<vmem>> -> memref<128xf32, #tpu.memory_space<vmem>>
    %dma_start3A_1015 = arith.constant 0 : i32
    %dma_start3A_1016 = tpu.memref_slice %arg9[%dma_start3A_1010, %dma_start3A_1015] : memref<8x128xi32, #tpu.memory_space<vmem>> -> memref<1x128xi32, #tpu.memory_space<vmem>>
    %dma_start3A_1017 = tpu.memref_squeeze %dma_start3A_1016 : memref<1x128xi32, #tpu.memory_space<vmem>> -> memref<128xi32, #tpu.memory_space<vmem>>
    %dma_start3A_1018 = arith.constant 0 : i32
    %dma_start3A_1019 = tpu.memref_slice %arg2[%dma_start3A_1018] : memref<16384xf32, #tpu.memory_space<hbm>> -> memref<16384xf32, #tpu.memory_space<hbm>>
    tpu.enqueue_indirect_dma source(%dma_start3A_1019 : memref<16384xf32, #tpu.memory_space<hbm>>) target(%dma_start3A_1014 : memref<128xf32, #tpu.memory_space<vmem>>) offsets(%dma_start3A_1017 : memref<128xi32, #tpu.memory_space<vmem>>) semaphore(%arg13 : memref<!tpu.dma_semaphore, #tpu.memory_space<semaphore_mem>>)
    %dma_wait3A = arith.constant 0 : i32
    %dma_wait3A_1020 = arith.constant 0 : i32
    %dma_wait3A_1021 = arith.constant 0 : i32
    %dma_wait3A_1022 = tpu.memref_slice %arg10[%dma_wait3A_1020, %dma_wait3A_1021] : memref<8x128xf32, #tpu.memory_space<vmem>> -> memref<1x128xf32, #tpu.memory_space<vmem>>
    %dma_wait3A_1023 = tpu.memref_squeeze %dma_wait3A_1022 : memref<1x128xf32, #tpu.memory_space<vmem>> -> memref<128xf32, #tpu.memory_space<vmem>>
    %dma_wait3A_1024 = arith.constant 0 : i32
    %dma_wait3A_1025 = tpu.memref_slice %arg9[%dma_wait3A, %dma_wait3A_1024] : memref<8x128xi32, #tpu.memory_space<vmem>> -> memref<1x128xi32, #tpu.memory_space<vmem>>
    %dma_wait3A_1026 = tpu.memref_squeeze %dma_wait3A_1025 : memref<1x128xi32, #tpu.memory_space<vmem>> -> memref<128xi32, #tpu.memory_space<vmem>>
    %dma_wait3A_1027 = arith.constant 0 : i32
    %dma_wait3A_1028 = tpu.memref_slice %arg2[%dma_wait3A_1027] : memref<16384xf32, #tpu.memory_space<hbm>> -> memref<16384xf32, #tpu.memory_space<hbm>>
    tpu.wait_indirect_dma semaphore(%arg13 : memref<!tpu.dma_semaphore, #tpu.memory_space<semaphore_mem>>) src(%dma_wait3A_1028 : memref<16384xf32, #tpu.memory_space<hbm>>) dst(%dma_wait3A_1023 : memref<128xf32, #tpu.memory_space<vmem>>)
    %dma_wait3A_1029 = arith.constant 1 : i32
    %dma_wait3A_1030 = arith.constant 1 : i32
    %dma_wait3A_1031 = arith.constant 0 : i32
    %dma_wait3A_1032 = tpu.memref_slice %arg10[%dma_wait3A_1030, %dma_wait3A_1031] : memref<8x128xf32, #tpu.memory_space<vmem>> -> memref<1x128xf32, #tpu.memory_space<vmem>>
    %dma_wait3A_1033 = tpu.memref_squeeze %dma_wait3A_1032 : memref<1x128xf32, #tpu.memory_space<vmem>> -> memref<128xf32, #tpu.memory_space<vmem>>
    %dma_wait3A_1034 = arith.constant 0 : i32
    %dma_wait3A_1035 = tpu.memref_slice %arg9[%dma_wait3A_1029, %dma_wait3A_1034] : memref<8x128xi32, #tpu.memory_space<vmem>> -> memref<1x128xi32, #tpu.memory_space<vmem>>
    %dma_wait3A_1036 = tpu.memref_squeeze %dma_wait3A_1035 : memref<1x128xi32, #tpu.memory_space<vmem>> -> memref<128xi32, #tpu.memory_space<vmem>>
    %dma_wait3A_1037 = arith.constant 0 : i32
    %dma_wait3A_1038 = tpu.memref_slice %arg2[%dma_wait3A_1037] : memref<16384xf32, #tpu.memory_space<hbm>> -> memref<16384xf32, #tpu.memory_space<hbm>>
    tpu.wait_indirect_dma semaphore(%arg13 : memref<!tpu.dma_semaphore, #tpu.memory_space<semaphore_mem>>) src(%dma_wait3A_1038 : memref<16384xf32, #tpu.memory_space<hbm>>) dst(%dma_wait3A_1033 : memref<128xf32, #tpu.memory_space<vmem>>)
    %dma_wait3A_1039 = arith.constant 2 : i32
    %dma_wait3A_1040 = arith.constant 2 : i32
    %dma_wait3A_1041 = arith.constant 0 : i32
    %dma_wait3A_1042 = tpu.memref_slice %arg10[%dma_wait3A_1040, %dma_wait3A_1041] : memref<8x128xf32, #tpu.memory_space<vmem>> -> memref<1x128xf32, #tpu.memory_space<vmem>>
    %dma_wait3A_1043 = tpu.memref_squeeze %dma_wait3A_1042 : memref<1x128xf32, #tpu.memory_space<vmem>> -> memref<128xf32, #tpu.memory_space<vmem>>
    %dma_wait3A_1044 = arith.constant 0 : i32
    %dma_wait3A_1045 = tpu.memref_slice %arg9[%dma_wait3A_1039, %dma_wait3A_1044] : memref<8x128xi32, #tpu.memory_space<vmem>> -> memref<1x128xi32, #tpu.memory_space<vmem>>
    %dma_wait3A_1046 = tpu.memref_squeeze %dma_wait3A_1045 : memref<1x128xi32, #tpu.memory_space<vmem>> -> memref<128xi32, #tpu.memory_space<vmem>>
    %dma_wait3A_1047 = arith.constant 0 : i32
    %dma_wait3A_1048 = tpu.memref_slice %arg2[%dma_wait3A_1047] : memref<16384xf32, #tpu.memory_space<hbm>> -> memref<16384xf32, #tpu.memory_space<hbm>>
    tpu.wait_indirect_dma semaphore(%arg13 : memref<!tpu.dma_semaphore, #tpu.memory_space<semaphore_mem>>) src(%dma_wait3A_1048 : memref<16384xf32, #tpu.memory_space<hbm>>) dst(%dma_wait3A_1043 : memref<128xf32, #tpu.memory_space<vmem>>)
    %dma_wait3A_1049 = arith.constant 3 : i32
    %dma_wait3A_1050 = arith.constant 3 : i32
    %dma_wait3A_1051 = arith.constant 0 : i32
    %dma_wait3A_1052 = tpu.memref_slice %arg10[%dma_wait3A_1050, %dma_wait3A_1051] : memref<8x128xf32, #tpu.memory_space<vmem>> -> memref<1x128xf32, #tpu.memory_space<vmem>>
    %dma_wait3A_1053 = tpu.memref_squeeze %dma_wait3A_1052 : memref<1x128xf32, #tpu.memory_space<vmem>> -> memref<128xf32, #tpu.memory_space<vmem>>
    %dma_wait3A_1054 = arith.constant 0 : i32
    %dma_wait3A_1055 = tpu.memref_slice %arg9[%dma_wait3A_1049, %dma_wait3A_1054] : memref<8x128xi32, #tpu.memory_space<vmem>> -> memref<1x128xi32, #tpu.memory_space<vmem>>
    %dma_wait3A_1056 = tpu.memref_squeeze %dma_wait3A_1055 : memref<1x128xi32, #tpu.memory_space<vmem>> -> memref<128xi32, #tpu.memory_space<vmem>>
    %dma_wait3A_1057 = arith.constant 0 : i32
    %dma_wait3A_1058 = tpu.memref_slice %arg2[%dma_wait3A_1057] : memref<16384xf32, #tpu.memory_space<hbm>> -> memref<16384xf32, #tpu.memory_space<hbm>>
    tpu.wait_indirect_dma semaphore(%arg13 : memref<!tpu.dma_semaphore, #tpu.memory_space<semaphore_mem>>) src(%dma_wait3A_1058 : memref<16384xf32, #tpu.memory_space<hbm>>) dst(%dma_wait3A_1053 : memref<128xf32, #tpu.memory_space<vmem>>)
    %dma_wait3A_1059 = arith.constant 4 : i32
    %dma_wait3A_1060 = arith.constant 4 : i32
    %dma_wait3A_1061 = arith.constant 0 : i32
    %dma_wait3A_1062 = tpu.memref_slice %arg10[%dma_wait3A_1060, %dma_wait3A_1061] : memref<8x128xf32, #tpu.memory_space<vmem>> -> memref<1x128xf32, #tpu.memory_space<vmem>>
    %dma_wait3A_1063 = tpu.memref_squeeze %dma_wait3A_1062 : memref<1x128xf32, #tpu.memory_space<vmem>> -> memref<128xf32, #tpu.memory_space<vmem>>
    %dma_wait3A_1064 = arith.constant 0 : i32
    %dma_wait3A_1065 = tpu.memref_slice %arg9[%dma_wait3A_1059, %dma_wait3A_1064] : memref<8x128xi32, #tpu.memory_space<vmem>> -> memref<1x128xi32, #tpu.memory_space<vmem>>
    %dma_wait3A_1066 = tpu.memref_squeeze %dma_wait3A_1065 : memref<1x128xi32, #tpu.memory_space<vmem>> -> memref<128xi32, #tpu.memory_space<vmem>>
    %dma_wait3A_1067 = arith.constant 0 : i32
    %dma_wait3A_1068 = tpu.memref_slice %arg2[%dma_wait3A_1067] : memref<16384xf32, #tpu.memory_space<hbm>> -> memref<16384xf32, #tpu.memory_space<hbm>>
    tpu.wait_indirect_dma semaphore(%arg13 : memref<!tpu.dma_semaphore, #tpu.memory_space<semaphore_mem>>) src(%dma_wait3A_1068 : memref<16384xf32, #tpu.memory_space<hbm>>) dst(%dma_wait3A_1063 : memref<128xf32, #tpu.memory_space<vmem>>)
    %dma_wait3A_1069 = arith.constant 5 : i32
    %dma_wait3A_1070 = arith.constant 5 : i32
    %dma_wait3A_1071 = arith.constant 0 : i32
    %dma_wait3A_1072 = tpu.memref_slice %arg10[%dma_wait3A_1070, %dma_wait3A_1071] : memref<8x128xf32, #tpu.memory_space<vmem>> -> memref<1x128xf32, #tpu.memory_space<vmem>>
    %dma_wait3A_1073 = tpu.memref_squeeze %dma_wait3A_1072 : memref<1x128xf32, #tpu.memory_space<vmem>> -> memref<128xf32, #tpu.memory_space<vmem>>
    %dma_wait3A_1074 = arith.constant 0 : i32
    %dma_wait3A_1075 = tpu.memref_slice %arg9[%dma_wait3A_1069, %dma_wait3A_1074] : memref<8x128xi32, #tpu.memory_space<vmem>> -> memref<1x128xi32, #tpu.memory_space<vmem>>
    %dma_wait3A_1076 = tpu.memref_squeeze %dma_wait3A_1075 : memref<1x128xi32, #tpu.memory_space<vmem>> -> memref<128xi32, #tpu.memory_space<vmem>>
    %dma_wait3A_1077 = arith.constant 0 : i32
    %dma_wait3A_1078 = tpu.memref_slice %arg2[%dma_wait3A_1077] : memref<16384xf32, #tpu.memory_space<hbm>> -> memref<16384xf32, #tpu.memory_space<hbm>>
    tpu.wait_indirect_dma semaphore(%arg13 : memref<!tpu.dma_semaphore, #tpu.memory_space<semaphore_mem>>) src(%dma_wait3A_1078 : memref<16384xf32, #tpu.memory_space<hbm>>) dst(%dma_wait3A_1073 : memref<128xf32, #tpu.memory_space<vmem>>)
    %dma_wait3A_1079 = arith.constant 6 : i32
    %dma_wait3A_1080 = arith.constant 6 : i32
    %dma_wait3A_1081 = arith.constant 0 : i32
    %dma_wait3A_1082 = tpu.memref_slice %arg10[%dma_wait3A_1080, %dma_wait3A_1081] : memref<8x128xf32, #tpu.memory_space<vmem>> -> memref<1x128xf32, #tpu.memory_space<vmem>>
    %dma_wait3A_1083 = tpu.memref_squeeze %dma_wait3A_1082 : memref<1x128xf32, #tpu.memory_space<vmem>> -> memref<128xf32, #tpu.memory_space<vmem>>
    %dma_wait3A_1084 = arith.constant 0 : i32
    %dma_wait3A_1085 = tpu.memref_slice %arg9[%dma_wait3A_1079, %dma_wait3A_1084] : memref<8x128xi32, #tpu.memory_space<vmem>> -> memref<1x128xi32, #tpu.memory_space<vmem>>
    %dma_wait3A_1086 = tpu.memref_squeeze %dma_wait3A_1085 : memref<1x128xi32, #tpu.memory_space<vmem>> -> memref<128xi32, #tpu.memory_space<vmem>>
    %dma_wait3A_1087 = arith.constant 0 : i32
    %dma_wait3A_1088 = tpu.memref_slice %arg2[%dma_wait3A_1087] : memref<16384xf32, #tpu.memory_space<hbm>> -> memref<16384xf32, #tpu.memory_space<hbm>>
    tpu.wait_indirect_dma semaphore(%arg13 : memref<!tpu.dma_semaphore, #tpu.memory_space<semaphore_mem>>) src(%dma_wait3A_1088 : memref<16384xf32, #tpu.memory_space<hbm>>) dst(%dma_wait3A_1083 : memref<128xf32, #tpu.memory_space<vmem>>)
    %dma_wait3A_1089 = arith.constant 7 : i32
    %dma_wait3A_1090 = arith.constant 7 : i32
    %dma_wait3A_1091 = arith.constant 0 : i32
    %dma_wait3A_1092 = tpu.memref_slice %arg10[%dma_wait3A_1090, %dma_wait3A_1091] : memref<8x128xf32, #tpu.memory_space<vmem>> -> memref<1x128xf32, #tpu.memory_space<vmem>>
    %dma_wait3A_1093 = tpu.memref_squeeze %dma_wait3A_1092 : memref<1x128xf32, #tpu.memory_space<vmem>> -> memref<128xf32, #tpu.memory_space<vmem>>
    %dma_wait3A_1094 = arith.constant 0 : i32
    %dma_wait3A_1095 = tpu.memref_slice %arg9[%dma_wait3A_1089, %dma_wait3A_1094] : memref<8x128xi32, #tpu.memory_space<vmem>> -> memref<1x128xi32, #tpu.memory_space<vmem>>
    %dma_wait3A_1096 = tpu.memref_squeeze %dma_wait3A_1095 : memref<1x128xi32, #tpu.memory_space<vmem>> -> memref<128xi32, #tpu.memory_space<vmem>>
    %dma_wait3A_1097 = arith.constant 0 : i32
    %dma_wait3A_1098 = tpu.memref_slice %arg2[%dma_wait3A_1097] : memref<16384xf32, #tpu.memory_space<hbm>> -> memref<16384xf32, #tpu.memory_space<hbm>>
    tpu.wait_indirect_dma semaphore(%arg13 : memref<!tpu.dma_semaphore, #tpu.memory_space<semaphore_mem>>) src(%dma_wait3A_1098 : memref<16384xf32, #tpu.memory_space<hbm>>) dst(%dma_wait3A_1093 : memref<128xf32, #tpu.memory_space<vmem>>)
    %get3A = arith.constant 0 : i32
    %get3A_1099 = arith.index_cast %get3A : i32 to index
    %get3A_1100 = arith.constant 0 : index
    %get3A_1101 = tpu.vector_load %arg10[%get3A_1099, %get3A_1100] {strides = array<i32>} : memref<8x128xf32, #tpu.memory_space<vmem>>, vector<1x16xf32>,
    %get3A_1102 = vector.shape_cast %get3A_1101 : vector<1x16xf32> to vector<16xf32>
    %get3A_1103 = arith.constant 0 : index
    %get3A_1104 = tpu.vector_load %arg11[%get3A_1103] {strides = array<i32>} : memref<128xf32, #tpu.memory_space<vmem>>, vector<16xf32>,
    %get3A_1105 = vector.shape_cast %get3A_1104 : vector<16xf32> to vector<16xf32>
    %add3A_1106 = arith.addf %get3A_1102, %get3A_1105 : vector<16xf32>
    %swap3A_1107 = arith.constant 0 : i32
    %swap3A_1108 = arith.index_cast %swap3A_1107 : i32 to index
    %swap3A_1109 = arith.constant 0 : index
    %swap3A_1110 = tpu.vector_load %arg10[%swap3A_1108, %swap3A_1109] {strides = array<i32>} : memref<8x128xf32, #tpu.memory_space<vmem>>, vector<1x16xf32>,
    %swap3A_1111 = vector.shape_cast %swap3A_1110 : vector<1x16xf32> to vector<16xf32>
    %swap3A_1112 = vector.shape_cast %add3A_1106 : vector<16xf32> to vector<1x16xf32>
    tpu.vector_store %arg10[%swap3A_1108, %swap3A_1109], %swap3A_1112 {strides = array<i32>} : memref<8x128xf32, #tpu.memory_space<vmem>>, vector<1x16xf32>,
    %get3A_1113 = arith.constant 0 : i32
    %get3A_1114 = arith.index_cast %get3A_1113 : i32 to index
    %get3A_1115 = arith.constant 16 : index
    %get3A_1116 = tpu.vector_load %arg10[%get3A_1114, %get3A_1115] {strides = array<i32>} : memref<8x128xf32, #tpu.memory_space<vmem>>, vector<1x16xf32>,
    %get3A_1117 = vector.shape_cast %get3A_1116 : vector<1x16xf32> to vector<16xf32>
    %get3A_1118 = arith.constant 16 : index
    %get3A_1119 = tpu.vector_load %arg11[%get3A_1118] {strides = array<i32>} : memref<128xf32, #tpu.memory_space<vmem>>, vector<16xf32>,
    %get3A_1120 = vector.shape_cast %get3A_1119 : vector<16xf32> to vector<16xf32>
    %add3A_1121 = arith.addf %get3A_1117, %get3A_1120 : vector<16xf32>
    %swap3A_1122 = arith.constant 0 : i32
    %swap3A_1123 = arith.index_cast %swap3A_1122 : i32 to index
    %swap3A_1124 = arith.constant 16 : index
    %swap3A_1125 = tpu.vector_load %arg10[%swap3A_1123, %swap3A_1124] {strides = array<i32>} : memref<8x128xf32, #tpu.memory_space<vmem>>, vector<1x16xf32>,
    %swap3A_1126 = vector.shape_cast %swap3A_1125 : vector<1x16xf32> to vector<16xf32>
    %swap3A_1127 = vector.shape_cast %add3A_1121 : vector<16xf32> to vector<1x16xf32>
    tpu.vector_store %arg10[%swap3A_1123, %swap3A_1124], %swap3A_1127 {strides = array<i32>} : memref<8x128xf32, #tpu.memory_space<vmem>>, vector<1x16xf32>,
    %get3A_1128 = arith.constant 0 : i32
    %get3A_1129 = arith.index_cast %get3A_1128 : i32 to index
    %get3A_1130 = arith.constant 32 : index
    %get3A_1131 = tpu.vector_load %arg10[%get3A_1129, %get3A_1130] {strides = array<i32>} : memref<8x128xf32, #tpu.memory_space<vmem>>, vector<1x16xf32>,
    %get3A_1132 = vector.shape_cast %get3A_1131 : vector<1x16xf32> to vector<16xf32>
    %get3A_1133 = arith.constant 32 : index
    %get3A_1134 = tpu.vector_load %arg11[%get3A_1133] {strides = array<i32>} : memref<128xf32, #tpu.memory_space<vmem>>, vector<16xf32>,
    %get3A_1135 = vector.shape_cast %get3A_1134 : vector<16xf32> to vector<16xf32>
    %add3A_1136 = arith.addf %get3A_1132, %get3A_1135 : vector<16xf32>
    %swap3A_1137 = arith.constant 0 : i32
    %swap3A_1138 = arith.index_cast %swap3A_1137 : i32 to index
    %swap3A_1139 = arith.constant 32 : index
    %swap3A_1140 = tpu.vector_load %arg10[%swap3A_1138, %swap3A_1139] {strides = array<i32>} : memref<8x128xf32, #tpu.memory_space<vmem>>, vector<1x16xf32>,
    %swap3A_1141 = vector.shape_cast %swap3A_1140 : vector<1x16xf32> to vector<16xf32>
    %swap3A_1142 = vector.shape_cast %add3A_1136 : vector<16xf32> to vector<1x16xf32>
    tpu.vector_store %arg10[%swap3A_1138, %swap3A_1139], %swap3A_1142 {strides = array<i32>} : memref<8x128xf32, #tpu.memory_space<vmem>>, vector<1x16xf32>,
    %get3A_1143 = arith.constant 0 : i32
    %get3A_1144 = arith.index_cast %get3A_1143 : i32 to index
    %get3A_1145 = arith.constant 48 : index
    %get3A_1146 = tpu.vector_load %arg10[%get3A_1144, %get3A_1145] {strides = array<i32>} : memref<8x128xf32, #tpu.memory_space<vmem>>, vector<1x16xf32>,
    %get3A_1147 = vector.shape_cast %get3A_1146 : vector<1x16xf32> to vector<16xf32>
    %get3A_1148 = arith.constant 48 : index
    %get3A_1149 = tpu.vector_load %arg11[%get3A_1148] {strides = array<i32>} : memref<128xf32, #tpu.memory_space<vmem>>, vector<16xf32>,
    %get3A_1150 = vector.shape_cast %get3A_1149 : vector<16xf32> to vector<16xf32>
    %add3A_1151 = arith.addf %get3A_1147, %get3A_1150 : vector<16xf32>
    %swap3A_1152 = arith.constant 0 : i32
    %swap3A_1153 = arith.index_cast %swap3A_1152 : i32 to index
    %swap3A_1154 = arith.constant 48 : index
    %swap3A_1155 = tpu.vector_load %arg10[%swap3A_1153, %swap3A_1154] {strides = array<i32>} : memref<8x128xf32, #tpu.memory_space<vmem>>, vector<1x16xf32>,
    %swap3A_1156 = vector.shape_cast %swap3A_1155 : vector<1x16xf32> to vector<16xf32>
    %swap3A_1157 = vector.shape_cast %add3A_1151 : vector<16xf32> to vector<1x16xf32>
    tpu.vector_store %arg10[%swap3A_1153, %swap3A_1154], %swap3A_1157 {strides = array<i32>} : memref<8x128xf32, #tpu.memory_space<vmem>>, vector<1x16xf32>,
    %get3A_1158 = arith.constant 0 : i32
    %get3A_1159 = arith.index_cast %get3A_1158 : i32 to index
    %get3A_1160 = arith.constant 64 : index
    %get3A_1161 = tpu.vector_load %arg10[%get3A_1159, %get3A_1160] {strides = array<i32>} : memref<8x128xf32, #tpu.memory_space<vmem>>, vector<1x16xf32>,
    %get3A_1162 = vector.shape_cast %get3A_1161 : vector<1x16xf32> to vector<16xf32>
    %get3A_1163 = arith.constant 64 : index
    %get3A_1164 = tpu.vector_load %arg11[%get3A_1163] {strides = array<i32>} : memref<128xf32, #tpu.memory_space<vmem>>, vector<16xf32>,
    %get3A_1165 = vector.shape_cast %get3A_1164 : vector<16xf32> to vector<16xf32>
    %add3A_1166 = arith.addf %get3A_1162, %get3A_1165 : vector<16xf32>
    %swap3A_1167 = arith.constant 0 : i32
    %swap3A_1168 = arith.index_cast %swap3A_1167 : i32 to index
    %swap3A_1169 = arith.constant 64 : index
    %swap3A_1170 = tpu.vector_load %arg10[%swap3A_1168, %swap3A_1169] {strides = array<i32>} : memref<8x128xf32, #tpu.memory_space<vmem>>, vector<1x16xf32>,
    %swap3A_1171 = vector.shape_cast %swap3A_1170 : vector<1x16xf32> to vector<16xf32>
    %swap3A_1172 = vector.shape_cast %add3A_1166 : vector<16xf32> to vector<1x16xf32>
    tpu.vector_store %arg10[%swap3A_1168, %swap3A_1169], %swap3A_1172 {strides = array<i32>} : memref<8x128xf32, #tpu.memory_space<vmem>>, vector<1x16xf32>,
    %get3A_1173 = arith.constant 0 : i32
    %get3A_1174 = arith.index_cast %get3A_1173 : i32 to index
    %get3A_1175 = arith.constant 80 : index
    %get3A_1176 = tpu.vector_load %arg10[%get3A_1174, %get3A_1175] {strides = array<i32>} : memref<8x128xf32, #tpu.memory_space<vmem>>, vector<1x16xf32>,
    %get3A_1177 = vector.shape_cast %get3A_1176 : vector<1x16xf32> to vector<16xf32>
    %get3A_1178 = arith.constant 80 : index
    %get3A_1179 = tpu.vector_load %arg11[%get3A_1178] {strides = array<i32>} : memref<128xf32, #tpu.memory_space<vmem>>, vector<16xf32>,
    %get3A_1180 = vector.shape_cast %get3A_1179 : vector<16xf32> to vector<16xf32>
    %add3A_1181 = arith.addf %get3A_1177, %get3A_1180 : vector<16xf32>
    %swap3A_1182 = arith.constant 0 : i32
    %swap3A_1183 = arith.index_cast %swap3A_1182 : i32 to index
    %swap3A_1184 = arith.constant 80 : index
    %swap3A_1185 = tpu.vector_load %arg10[%swap3A_1183, %swap3A_1184] {strides = array<i32>} : memref<8x128xf32, #tpu.memory_space<vmem>>, vector<1x16xf32>,
    %swap3A_1186 = vector.shape_cast %swap3A_1185 : vector<1x16xf32> to vector<16xf32>
    %swap3A_1187 = vector.shape_cast %add3A_1181 : vector<16xf32> to vector<1x16xf32>
    tpu.vector_store %arg10[%swap3A_1183, %swap3A_1184], %swap3A_1187 {strides = array<i32>} : memref<8x128xf32, #tpu.memory_space<vmem>>, vector<1x16xf32>,
    %get3A_1188 = arith.constant 0 : i32
    %get3A_1189 = arith.index_cast %get3A_1188 : i32 to index
    %get3A_1190 = arith.constant 96 : index
    %get3A_1191 = tpu.vector_load %arg10[%get3A_1189, %get3A_1190] {strides = array<i32>} : memref<8x128xf32, #tpu.memory_space<vmem>>, vector<1x16xf32>,
    %get3A_1192 = vector.shape_cast %get3A_1191 : vector<1x16xf32> to vector<16xf32>
    %get3A_1193 = arith.constant 96 : index
    %get3A_1194 = tpu.vector_load %arg11[%get3A_1193] {strides = array<i32>} : memref<128xf32, #tpu.memory_space<vmem>>, vector<16xf32>,
    %get3A_1195 = vector.shape_cast %get3A_1194 : vector<16xf32> to vector<16xf32>
    %add3A_1196 = arith.addf %get3A_1192, %get3A_1195 : vector<16xf32>
    %swap3A_1197 = arith.constant 0 : i32
    %swap3A_1198 = arith.index_cast %swap3A_1197 : i32 to index
    %swap3A_1199 = arith.constant 96 : index
    %swap3A_1200 = tpu.vector_load %arg10[%swap3A_1198, %swap3A_1199] {strides = array<i32>} : memref<8x128xf32, #tpu.memory_space<vmem>>, vector<1x16xf32>,
    %swap3A_1201 = vector.shape_cast %swap3A_1200 : vector<1x16xf32> to vector<16xf32>
    %swap3A_1202 = vector.shape_cast %add3A_1196 : vector<16xf32> to vector<1x16xf32>
    tpu.vector_store %arg10[%swap3A_1198, %swap3A_1199], %swap3A_1202 {strides = array<i32>} : memref<8x128xf32, #tpu.memory_space<vmem>>, vector<1x16xf32>,
    %get3A_1203 = arith.constant 0 : i32
    %get3A_1204 = arith.index_cast %get3A_1203 : i32 to index
    %get3A_1205 = arith.constant 112 : index
    %get3A_1206 = tpu.vector_load %arg10[%get3A_1204, %get3A_1205] {strides = array<i32>} : memref<8x128xf32, #tpu.memory_space<vmem>>, vector<1x16xf32>,
    %get3A_1207 = vector.shape_cast %get3A_1206 : vector<1x16xf32> to vector<16xf32>
    %get3A_1208 = arith.constant 112 : index
    %get3A_1209 = tpu.vector_load %arg11[%get3A_1208] {strides = array<i32>} : memref<128xf32, #tpu.memory_space<vmem>>, vector<16xf32>,
    %get3A_1210 = vector.shape_cast %get3A_1209 : vector<16xf32> to vector<16xf32>
    %add3A_1211 = arith.addf %get3A_1207, %get3A_1210 : vector<16xf32>
    %swap3A_1212 = arith.constant 0 : i32
    %swap3A_1213 = arith.index_cast %swap3A_1212 : i32 to index
    %swap3A_1214 = arith.constant 112 : index
    %swap3A_1215 = tpu.vector_load %arg10[%swap3A_1213, %swap3A_1214] {strides = array<i32>} : memref<8x128xf32, #tpu.memory_space<vmem>>, vector<1x16xf32>,
    %swap3A_1216 = vector.shape_cast %swap3A_1215 : vector<1x16xf32> to vector<16xf32>
    %swap3A_1217 = vector.shape_cast %add3A_1211 : vector<16xf32> to vector<1x16xf32>
    tpu.vector_store %arg10[%swap3A_1213, %swap3A_1214], %swap3A_1217 {strides = array<i32>} : memref<8x128xf32, #tpu.memory_space<vmem>>, vector<1x16xf32>,
    %get3A_1218 = arith.constant 1 : i32
    %get3A_1219 = arith.index_cast %get3A_1218 : i32 to index
    %get3A_1220 = arith.constant 0 : index
    %get3A_1221 = tpu.vector_load %arg10[%get3A_1219, %get3A_1220] {strides = array<i32>} : memref<8x128xf32, #tpu.memory_space<vmem>>, vector<1x16xf32>,
    %get3A_1222 = vector.shape_cast %get3A_1221 : vector<1x16xf32> to vector<16xf32>
    %get3A_1223 = arith.constant 0 : index
    %get3A_1224 = tpu.vector_load %arg11[%get3A_1223] {strides = array<i32>} : memref<128xf32, #tpu.memory_space<vmem>>, vector<16xf32>,
    %get3A_1225 = vector.shape_cast %get3A_1224 : vector<16xf32> to vector<16xf32>
    %add3A_1226 = arith.addf %get3A_1222, %get3A_1225 : vector<16xf32>
    %swap3A_1227 = arith.constant 1 : i32
    %swap3A_1228 = arith.index_cast %swap3A_1227 : i32 to index
    %swap3A_1229 = arith.constant 0 : index
    %swap3A_1230 = tpu.vector_load %arg10[%swap3A_1228, %swap3A_1229] {strides = array<i32>} : memref<8x128xf32, #tpu.memory_space<vmem>>, vector<1x16xf32>,
    %swap3A_1231 = vector.shape_cast %swap3A_1230 : vector<1x16xf32> to vector<16xf32>
    %swap3A_1232 = vector.shape_cast %add3A_1226 : vector<16xf32> to vector<1x16xf32>
    tpu.vector_store %arg10[%swap3A_1228, %swap3A_1229], %swap3A_1232 {strides = array<i32>} : memref<8x128xf32, #tpu.memory_space<vmem>>, vector<1x16xf32>,
    %get3A_1233 = arith.constant 1 : i32
    %get3A_1234 = arith.index_cast %get3A_1233 : i32 to index
    %get3A_1235 = arith.constant 16 : index
    %get3A_1236 = tpu.vector_load %arg10[%get3A_1234, %get3A_1235] {strides = array<i32>} : memref<8x128xf32, #tpu.memory_space<vmem>>, vector<1x16xf32>,
    %get3A_1237 = vector.shape_cast %get3A_1236 : vector<1x16xf32> to vector<16xf32>
    %get3A_1238 = arith.constant 16 : index
    %get3A_1239 = tpu.vector_load %arg11[%get3A_1238] {strides = array<i32>} : memref<128xf32, #tpu.memory_space<vmem>>, vector<16xf32>,
    %get3A_1240 = vector.shape_cast %get3A_1239 : vector<16xf32> to vector<16xf32>
    %add3A_1241 = arith.addf %get3A_1237, %get3A_1240 : vector<16xf32>
    %swap3A_1242 = arith.constant 1 : i32
    %swap3A_1243 = arith.index_cast %swap3A_1242 : i32 to index
    %swap3A_1244 = arith.constant 16 : index
    %swap3A_1245 = tpu.vector_load %arg10[%swap3A_1243, %swap3A_1244] {strides = array<i32>} : memref<8x128xf32, #tpu.memory_space<vmem>>, vector<1x16xf32>,
    %swap3A_1246 = vector.shape_cast %swap3A_1245 : vector<1x16xf32> to vector<16xf32>
    %swap3A_1247 = vector.shape_cast %add3A_1241 : vector<16xf32> to vector<1x16xf32>
    tpu.vector_store %arg10[%swap3A_1243, %swap3A_1244], %swap3A_1247 {strides = array<i32>} : memref<8x128xf32, #tpu.memory_space<vmem>>, vector<1x16xf32>,
    %get3A_1248 = arith.constant 1 : i32
    %get3A_1249 = arith.index_cast %get3A_1248 : i32 to index
    %get3A_1250 = arith.constant 32 : index
    %get3A_1251 = tpu.vector_load %arg10[%get3A_1249, %get3A_1250] {strides = array<i32>} : memref<8x128xf32, #tpu.memory_space<vmem>>, vector<1x16xf32>,
    %get3A_1252 = vector.shape_cast %get3A_1251 : vector<1x16xf32> to vector<16xf32>
    %get3A_1253 = arith.constant 32 : index
    %get3A_1254 = tpu.vector_load %arg11[%get3A_1253] {strides = array<i32>} : memref<128xf32, #tpu.memory_space<vmem>>, vector<16xf32>,
    %get3A_1255 = vector.shape_cast %get3A_1254 : vector<16xf32> to vector<16xf32>
    %add3A_1256 = arith.addf %get3A_1252, %get3A_1255 : vector<16xf32>
    %swap3A_1257 = arith.constant 1 : i32
    %swap3A_1258 = arith.index_cast %swap3A_1257 : i32 to index
    %swap3A_1259 = arith.constant 32 : index
    %swap3A_1260 = tpu.vector_load %arg10[%swap3A_1258, %swap3A_1259] {strides = array<i32>} : memref<8x128xf32, #tpu.memory_space<vmem>>, vector<1x16xf32>,
    %swap3A_1261 = vector.shape_cast %swap3A_1260 : vector<1x16xf32> to vector<16xf32>
    %swap3A_1262 = vector.shape_cast %add3A_1256 : vector<16xf32> to vector<1x16xf32>
    tpu.vector_store %arg10[%swap3A_1258, %swap3A_1259], %swap3A_1262 {strides = array<i32>} : memref<8x128xf32, #tpu.memory_space<vmem>>, vector<1x16xf32>,
    %get3A_1263 = arith.constant 1 : i32
    %get3A_1264 = arith.index_cast %get3A_1263 : i32 to index
    %get3A_1265 = arith.constant 48 : index
    %get3A_1266 = tpu.vector_load %arg10[%get3A_1264, %get3A_1265] {strides = array<i32>} : memref<8x128xf32, #tpu.memory_space<vmem>>, vector<1x16xf32>,
    %get3A_1267 = vector.shape_cast %get3A_1266 : vector<1x16xf32> to vector<16xf32>
    %get3A_1268 = arith.constant 48 : index
    %get3A_1269 = tpu.vector_load %arg11[%get3A_1268] {strides = array<i32>} : memref<128xf32, #tpu.memory_space<vmem>>, vector<16xf32>,
    %get3A_1270 = vector.shape_cast %get3A_1269 : vector<16xf32> to vector<16xf32>
    %add3A_1271 = arith.addf %get3A_1267, %get3A_1270 : vector<16xf32>
    %swap3A_1272 = arith.constant 1 : i32
    %swap3A_1273 = arith.index_cast %swap3A_1272 : i32 to index
    %swap3A_1274 = arith.constant 48 : index
    %swap3A_1275 = tpu.vector_load %arg10[%swap3A_1273, %swap3A_1274] {strides = array<i32>} : memref<8x128xf32, #tpu.memory_space<vmem>>, vector<1x16xf32>,
    %swap3A_1276 = vector.shape_cast %swap3A_1275 : vector<1x16xf32> to vector<16xf32>
    %swap3A_1277 = vector.shape_cast %add3A_1271 : vector<16xf32> to vector<1x16xf32>
    tpu.vector_store %arg10[%swap3A_1273, %swap3A_1274], %swap3A_1277 {strides = array<i32>} : memref<8x128xf32, #tpu.memory_space<vmem>>, vector<1x16xf32>,
    %get3A_1278 = arith.constant 1 : i32
    %get3A_1279 = arith.index_cast %get3A_1278 : i32 to index
    %get3A_1280 = arith.constant 64 : index
    %get3A_1281 = tpu.vector_load %arg10[%get3A_1279, %get3A_1280] {strides = array<i32>} : memref<8x128xf32, #tpu.memory_space<vmem>>, vector<1x16xf32>,
    %get3A_1282 = vector.shape_cast %get3A_1281 : vector<1x16xf32> to vector<16xf32>
    %get3A_1283 = arith.constant 64 : index
    %get3A_1284 = tpu.vector_load %arg11[%get3A_1283] {strides = array<i32>} : memref<128xf32, #tpu.memory_space<vmem>>, vector<16xf32>,
    %get3A_1285 = vector.shape_cast %get3A_1284 : vector<16xf32> to vector<16xf32>
    %add3A_1286 = arith.addf %get3A_1282, %get3A_1285 : vector<16xf32>
    %swap3A_1287 = arith.constant 1 : i32
    %swap3A_1288 = arith.index_cast %swap3A_1287 : i32 to index
    %swap3A_1289 = arith.constant 64 : index
    %swap3A_1290 = tpu.vector_load %arg10[%swap3A_1288, %swap3A_1289] {strides = array<i32>} : memref<8x128xf32, #tpu.memory_space<vmem>>, vector<1x16xf32>,
    %swap3A_1291 = vector.shape_cast %swap3A_1290 : vector<1x16xf32> to vector<16xf32>
    %swap3A_1292 = vector.shape_cast %add3A_1286 : vector<16xf32> to vector<1x16xf32>
    tpu.vector_store %arg10[%swap3A_1288, %swap3A_1289], %swap3A_1292 {strides = array<i32>} : memref<8x128xf32, #tpu.memory_space<vmem>>, vector<1x16xf32>,
    %get3A_1293 = arith.constant 1 : i32
    %get3A_1294 = arith.index_cast %get3A_1293 : i32 to index
    %get3A_1295 = arith.constant 80 : index
    %get3A_1296 = tpu.vector_load %arg10[%get3A_1294, %get3A_1295] {strides = array<i32>} : memref<8x128xf32, #tpu.memory_space<vmem>>, vector<1x16xf32>,
    %get3A_1297 = vector.shape_cast %get3A_1296 : vector<1x16xf32> to vector<16xf32>
    %get3A_1298 = arith.constant 80 : index
    %get3A_1299 = tpu.vector_load %arg11[%get3A_1298] {strides = array<i32>} : memref<128xf32, #tpu.memory_space<vmem>>, vector<16xf32>,
    %get3A_1300 = vector.shape_cast %get3A_1299 : vector<16xf32> to vector<16xf32>
    %add3A_1301 = arith.addf %get3A_1297, %get3A_1300 : vector<16xf32>
    %swap3A_1302 = arith.constant 1 : i32
    %swap3A_1303 = arith.index_cast %swap3A_1302 : i32 to index
    %swap3A_1304 = arith.constant 80 : index
    %swap3A_1305 = tpu.vector_load %arg10[%swap3A_1303, %swap3A_1304] {strides = array<i32>} : memref<8x128xf32, #tpu.memory_space<vmem>>, vector<1x16xf32>,
    %swap3A_1306 = vector.shape_cast %swap3A_1305 : vector<1x16xf32> to vector<16xf32>
    %swap3A_1307 = vector.shape_cast %add3A_1301 : vector<16xf32> to vector<1x16xf32>
    tpu.vector_store %arg10[%swap3A_1303, %swap3A_1304], %swap3A_1307 {strides = array<i32>} : memref<8x128xf32, #tpu.memory_space<vmem>>, vector<1x16xf32>,
    %get3A_1308 = arith.constant 1 : i32
    %get3A_1309 = arith.index_cast %get3A_1308 : i32 to index
    %get3A_1310 = arith.constant 96 : index
    %get3A_1311 = tpu.vector_load %arg10[%get3A_1309, %get3A_1310] {strides = array<i32>} : memref<8x128xf32, #tpu.memory_space<vmem>>, vector<1x16xf32>,
    %get3A_1312 = vector.shape_cast %get3A_1311 : vector<1x16xf32> to vector<16xf32>
    %get3A_1313 = arith.constant 96 : index
    %get3A_1314 = tpu.vector_load %arg11[%get3A_1313] {strides = array<i32>} : memref<128xf32, #tpu.memory_space<vmem>>, vector<16xf32>,
    %get3A_1315 = vector.shape_cast %get3A_1314 : vector<16xf32> to vector<16xf32>
    %add3A_1316 = arith.addf %get3A_1312, %get3A_1315 : vector<16xf32>
    %swap3A_1317 = arith.constant 1 : i32
    %swap3A_1318 = arith.index_cast %swap3A_1317 : i32 to index
    %swap3A_1319 = arith.constant 96 : index
    %swap3A_1320 = tpu.vector_load %arg10[%swap3A_1318, %swap3A_1319] {strides = array<i32>} : memref<8x128xf32, #tpu.memory_space<vmem>>, vector<1x16xf32>,
    %swap3A_1321 = vector.shape_cast %swap3A_1320 : vector<1x16xf32> to vector<16xf32>
    %swap3A_1322 = vector.shape_cast %add3A_1316 : vector<16xf32> to vector<1x16xf32>
    tpu.vector_store %arg10[%swap3A_1318, %swap3A_1319], %swap3A_1322 {strides = array<i32>} : memref<8x128xf32, #tpu.memory_space<vmem>>, vector<1x16xf32>,
    %get3A_1323 = arith.constant 1 : i32
    %get3A_1324 = arith.index_cast %get3A_1323 : i32 to index
    %get3A_1325 = arith.constant 112 : index
    %get3A_1326 = tpu.vector_load %arg10[%get3A_1324, %get3A_1325] {strides = array<i32>} : memref<8x128xf32, #tpu.memory_space<vmem>>, vector<1x16xf32>,
    %get3A_1327 = vector.shape_cast %get3A_1326 : vector<1x16xf32> to vector<16xf32>
    %get3A_1328 = arith.constant 112 : index
    %get3A_1329 = tpu.vector_load %arg11[%get3A_1328] {strides = array<i32>} : memref<128xf32, #tpu.memory_space<vmem>>, vector<16xf32>,
    %get3A_1330 = vector.shape_cast %get3A_1329 : vector<16xf32> to vector<16xf32>
    %add3A_1331 = arith.addf %get3A_1327, %get3A_1330 : vector<16xf32>
    %swap3A_1332 = arith.constant 1 : i32
    %swap3A_1333 = arith.index_cast %swap3A_1332 : i32 to index
    %swap3A_1334 = arith.constant 112 : index
    %swap3A_1335 = tpu.vector_load %arg10[%swap3A_1333, %swap3A_1334] {strides = array<i32>} : memref<8x128xf32, #tpu.memory_space<vmem>>, vector<1x16xf32>,
    %swap3A_1336 = vector.shape_cast %swap3A_1335 : vector<1x16xf32> to vector<16xf32>
    %swap3A_1337 = vector.shape_cast %add3A_1331 : vector<16xf32> to vector<1x16xf32>
    tpu.vector_store %arg10[%swap3A_1333, %swap3A_1334], %swap3A_1337 {strides = array<i32>} : memref<8x128xf32, #tpu.memory_space<vmem>>, vector<1x16xf32>,
    %get3A_1338 = arith.constant 2 : i32
    %get3A_1339 = arith.index_cast %get3A_1338 : i32 to index
    %get3A_1340 = arith.constant 0 : index
    %get3A_1341 = tpu.vector_load %arg10[%get3A_1339, %get3A_1340] {strides = array<i32>} : memref<8x128xf32, #tpu.memory_space<vmem>>, vector<1x16xf32>,
    %get3A_1342 = vector.shape_cast %get3A_1341 : vector<1x16xf32> to vector<16xf32>
    %get3A_1343 = arith.constant 0 : index
    %get3A_1344 = tpu.vector_load %arg11[%get3A_1343] {strides = array<i32>} : memref<128xf32, #tpu.memory_space<vmem>>, vector<16xf32>,
    %get3A_1345 = vector.shape_cast %get3A_1344 : vector<16xf32> to vector<16xf32>
    %add3A_1346 = arith.addf %get3A_1342, %get3A_1345 : vector<16xf32>
    %swap3A_1347 = arith.constant 2 : i32
    %swap3A_1348 = arith.index_cast %swap3A_1347 : i32 to index
    %swap3A_1349 = arith.constant 0 : index
    %swap3A_1350 = tpu.vector_load %arg10[%swap3A_1348, %swap3A_1349] {strides = array<i32>} : memref<8x128xf32, #tpu.memory_space<vmem>>, vector<1x16xf32>,
    %swap3A_1351 = vector.shape_cast %swap3A_1350 : vector<1x16xf32> to vector<16xf32>
    %swap3A_1352 = vector.shape_cast %add3A_1346 : vector<16xf32> to vector<1x16xf32>
    tpu.vector_store %arg10[%swap3A_1348, %swap3A_1349], %swap3A_1352 {strides = array<i32>} : memref<8x128xf32, #tpu.memory_space<vmem>>, vector<1x16xf32>,
    %get3A_1353 = arith.constant 2 : i32
    %get3A_1354 = arith.index_cast %get3A_1353 : i32 to index
    %get3A_1355 = arith.constant 16 : index
    %get3A_1356 = tpu.vector_load %arg10[%get3A_1354, %get3A_1355] {strides = array<i32>} : memref<8x128xf32, #tpu.memory_space<vmem>>, vector<1x16xf32>,
    %get3A_1357 = vector.shape_cast %get3A_1356 : vector<1x16xf32> to vector<16xf32>
    %get3A_1358 = arith.constant 16 : index
    %get3A_1359 = tpu.vector_load %arg11[%get3A_1358] {strides = array<i32>} : memref<128xf32, #tpu.memory_space<vmem>>, vector<16xf32>,
    %get3A_1360 = vector.shape_cast %get3A_1359 : vector<16xf32> to vector<16xf32>
    %add3A_1361 = arith.addf %get3A_1357, %get3A_1360 : vector<16xf32>
    %swap3A_1362 = arith.constant 2 : i32
    %swap3A_1363 = arith.index_cast %swap3A_1362 : i32 to index
    %swap3A_1364 = arith.constant 16 : index
    %swap3A_1365 = tpu.vector_load %arg10[%swap3A_1363, %swap3A_1364] {strides = array<i32>} : memref<8x128xf32, #tpu.memory_space<vmem>>, vector<1x16xf32>,
    %swap3A_1366 = vector.shape_cast %swap3A_1365 : vector<1x16xf32> to vector<16xf32>
    %swap3A_1367 = vector.shape_cast %add3A_1361 : vector<16xf32> to vector<1x16xf32>
    tpu.vector_store %arg10[%swap3A_1363, %swap3A_1364], %swap3A_1367 {strides = array<i32>} : memref<8x128xf32, #tpu.memory_space<vmem>>, vector<1x16xf32>,
    %get3A_1368 = arith.constant 2 : i32
    %get3A_1369 = arith.index_cast %get3A_1368 : i32 to index
    %get3A_1370 = arith.constant 32 : index
    %get3A_1371 = tpu.vector_load %arg10[%get3A_1369, %get3A_1370] {strides = array<i32>} : memref<8x128xf32, #tpu.memory_space<vmem>>, vector<1x16xf32>,
    %get3A_1372 = vector.shape_cast %get3A_1371 : vector<1x16xf32> to vector<16xf32>
    %get3A_1373 = arith.constant 32 : index
    %get3A_1374 = tpu.vector_load %arg11[%get3A_1373] {strides = array<i32>} : memref<128xf32, #tpu.memory_space<vmem>>, vector<16xf32>,
    %get3A_1375 = vector.shape_cast %get3A_1374 : vector<16xf32> to vector<16xf32>
    %add3A_1376 = arith.addf %get3A_1372, %get3A_1375 : vector<16xf32>
    %swap3A_1377 = arith.constant 2 : i32
    %swap3A_1378 = arith.index_cast %swap3A_1377 : i32 to index
    %swap3A_1379 = arith.constant 32 : index
    %swap3A_1380 = tpu.vector_load %arg10[%swap3A_1378, %swap3A_1379] {strides = array<i32>} : memref<8x128xf32, #tpu.memory_space<vmem>>, vector<1x16xf32>,
    %swap3A_1381 = vector.shape_cast %swap3A_1380 : vector<1x16xf32> to vector<16xf32>
    %swap3A_1382 = vector.shape_cast %add3A_1376 : vector<16xf32> to vector<1x16xf32>
    tpu.vector_store %arg10[%swap3A_1378, %swap3A_1379], %swap3A_1382 {strides = array<i32>} : memref<8x128xf32, #tpu.memory_space<vmem>>, vector<1x16xf32>,
    %get3A_1383 = arith.constant 2 : i32
    %get3A_1384 = arith.index_cast %get3A_1383 : i32 to index
    %get3A_1385 = arith.constant 48 : index
    %get3A_1386 = tpu.vector_load %arg10[%get3A_1384, %get3A_1385] {strides = array<i32>} : memref<8x128xf32, #tpu.memory_space<vmem>>, vector<1x16xf32>,
    %get3A_1387 = vector.shape_cast %get3A_1386 : vector<1x16xf32> to vector<16xf32>
    %get3A_1388 = arith.constant 48 : index
    %get3A_1389 = tpu.vector_load %arg11[%get3A_1388] {strides = array<i32>} : memref<128xf32, #tpu.memory_space<vmem>>, vector<16xf32>,
    %get3A_1390 = vector.shape_cast %get3A_1389 : vector<16xf32> to vector<16xf32>
    %add3A_1391 = arith.addf %get3A_1387, %get3A_1390 : vector<16xf32>
    %swap3A_1392 = arith.constant 2 : i32
    %swap3A_1393 = arith.index_cast %swap3A_1392 : i32 to index
    %swap3A_1394 = arith.constant 48 : index
    %swap3A_1395 = tpu.vector_load %arg10[%swap3A_1393, %swap3A_1394] {strides = array<i32>} : memref<8x128xf32, #tpu.memory_space<vmem>>, vector<1x16xf32>,
    %swap3A_1396 = vector.shape_cast %swap3A_1395 : vector<1x16xf32> to vector<16xf32>
    %swap3A_1397 = vector.shape_cast %add3A_1391 : vector<16xf32> to vector<1x16xf32>
    tpu.vector_store %arg10[%swap3A_1393, %swap3A_1394], %swap3A_1397 {strides = array<i32>} : memref<8x128xf32, #tpu.memory_space<vmem>>, vector<1x16xf32>,
    %get3A_1398 = arith.constant 2 : i32
    %get3A_1399 = arith.index_cast %get3A_1398 : i32 to index
    %get3A_1400 = arith.constant 64 : index
    %get3A_1401 = tpu.vector_load %arg10[%get3A_1399, %get3A_1400] {strides = array<i32>} : memref<8x128xf32, #tpu.memory_space<vmem>>, vector<1x16xf32>,
    %get3A_1402 = vector.shape_cast %get3A_1401 : vector<1x16xf32> to vector<16xf32>
    %get3A_1403 = arith.constant 64 : index
    %get3A_1404 = tpu.vector_load %arg11[%get3A_1403] {strides = array<i32>} : memref<128xf32, #tpu.memory_space<vmem>>, vector<16xf32>,
    %get3A_1405 = vector.shape_cast %get3A_1404 : vector<16xf32> to vector<16xf32>
    %add3A_1406 = arith.addf %get3A_1402, %get3A_1405 : vector<16xf32>
    %swap3A_1407 = arith.constant 2 : i32
    %swap3A_1408 = arith.index_cast %swap3A_1407 : i32 to index
    %swap3A_1409 = arith.constant 64 : index
    %swap3A_1410 = tpu.vector_load %arg10[%swap3A_1408, %swap3A_1409] {strides = array<i32>} : memref<8x128xf32, #tpu.memory_space<vmem>>, vector<1x16xf32>,
    %swap3A_1411 = vector.shape_cast %swap3A_1410 : vector<1x16xf32> to vector<16xf32>
    %swap3A_1412 = vector.shape_cast %add3A_1406 : vector<16xf32> to vector<1x16xf32>
    tpu.vector_store %arg10[%swap3A_1408, %swap3A_1409], %swap3A_1412 {strides = array<i32>} : memref<8x128xf32, #tpu.memory_space<vmem>>, vector<1x16xf32>,
    %get3A_1413 = arith.constant 2 : i32
    %get3A_1414 = arith.index_cast %get3A_1413 : i32 to index
    %get3A_1415 = arith.constant 80 : index
    %get3A_1416 = tpu.vector_load %arg10[%get3A_1414, %get3A_1415] {strides = array<i32>} : memref<8x128xf32, #tpu.memory_space<vmem>>, vector<1x16xf32>,
    %get3A_1417 = vector.shape_cast %get3A_1416 : vector<1x16xf32> to vector<16xf32>
    %get3A_1418 = arith.constant 80 : index
    %get3A_1419 = tpu.vector_load %arg11[%get3A_1418] {strides = array<i32>} : memref<128xf32, #tpu.memory_space<vmem>>, vector<16xf32>,
    %get3A_1420 = vector.shape_cast %get3A_1419 : vector<16xf32> to vector<16xf32>
    %add3A_1421 = arith.addf %get3A_1417, %get3A_1420 : vector<16xf32>
    %swap3A_1422 = arith.constant 2 : i32
    %swap3A_1423 = arith.index_cast %swap3A_1422 : i32 to index
    %swap3A_1424 = arith.constant 80 : index
    %swap3A_1425 = tpu.vector_load %arg10[%swap3A_1423, %swap3A_1424] {strides = array<i32>} : memref<8x128xf32, #tpu.memory_space<vmem>>, vector<1x16xf32>,
    %swap3A_1426 = vector.shape_cast %swap3A_1425 : vector<1x16xf32> to vector<16xf32>
    %swap3A_1427 = vector.shape_cast %add3A_1421 : vector<16xf32> to vector<1x16xf32>
    tpu.vector_store %arg10[%swap3A_1423, %swap3A_1424], %swap3A_1427 {strides = array<i32>} : memref<8x128xf32, #tpu.memory_space<vmem>>, vector<1x16xf32>,
    %get3A_1428 = arith.constant 2 : i32
    %get3A_1429 = arith.index_cast %get3A_1428 : i32 to index
    %get3A_1430 = arith.constant 96 : index
    %get3A_1431 = tpu.vector_load %arg10[%get3A_1429, %get3A_1430] {strides = array<i32>} : memref<8x128xf32, #tpu.memory_space<vmem>>, vector<1x16xf32>,
    %get3A_1432 = vector.shape_cast %get3A_1431 : vector<1x16xf32> to vector<16xf32>
    %get3A_1433 = arith.constant 96 : index
    %get3A_1434 = tpu.vector_load %arg11[%get3A_1433] {strides = array<i32>} : memref<128xf32, #tpu.memory_space<vmem>>, vector<16xf32>,
    %get3A_1435 = vector.shape_cast %get3A_1434 : vector<16xf32> to vector<16xf32>
    %add3A_1436 = arith.addf %get3A_1432, %get3A_1435 : vector<16xf32>
    %swap3A_1437 = arith.constant 2 : i32
    %swap3A_1438 = arith.index_cast %swap3A_1437 : i32 to index
    %swap3A_1439 = arith.constant 96 : index
    %swap3A_1440 = tpu.vector_load %arg10[%swap3A_1438, %swap3A_1439] {strides = array<i32>} : memref<8x128xf32, #tpu.memory_space<vmem>>, vector<1x16xf32>,
    %swap3A_1441 = vector.shape_cast %swap3A_1440 : vector<1x16xf32> to vector<16xf32>
    %swap3A_1442 = vector.shape_cast %add3A_1436 : vector<16xf32> to vector<1x16xf32>
    tpu.vector_store %arg10[%swap3A_1438, %swap3A_1439], %swap3A_1442 {strides = array<i32>} : memref<8x128xf32, #tpu.memory_space<vmem>>, vector<1x16xf32>,
    %get3A_1443 = arith.constant 2 : i32
    %get3A_1444 = arith.index_cast %get3A_1443 : i32 to index
    %get3A_1445 = arith.constant 112 : index
    %get3A_1446 = tpu.vector_load %arg10[%get3A_1444, %get3A_1445] {strides = array<i32>} : memref<8x128xf32, #tpu.memory_space<vmem>>, vector<1x16xf32>,
    %get3A_1447 = vector.shape_cast %get3A_1446 : vector<1x16xf32> to vector<16xf32>
    %get3A_1448 = arith.constant 112 : index
    %get3A_1449 = tpu.vector_load %arg11[%get3A_1448] {strides = array<i32>} : memref<128xf32, #tpu.memory_space<vmem>>, vector<16xf32>,
    %get3A_1450 = vector.shape_cast %get3A_1449 : vector<16xf32> to vector<16xf32>
    %add3A_1451 = arith.addf %get3A_1447, %get3A_1450 : vector<16xf32>
    %swap3A_1452 = arith.constant 2 : i32
    %swap3A_1453 = arith.index_cast %swap3A_1452 : i32 to index
    %swap3A_1454 = arith.constant 112 : index
    %swap3A_1455 = tpu.vector_load %arg10[%swap3A_1453, %swap3A_1454] {strides = array<i32>} : memref<8x128xf32, #tpu.memory_space<vmem>>, vector<1x16xf32>,
    %swap3A_1456 = vector.shape_cast %swap3A_1455 : vector<1x16xf32> to vector<16xf32>
    %swap3A_1457 = vector.shape_cast %add3A_1451 : vector<16xf32> to vector<1x16xf32>
    tpu.vector_store %arg10[%swap3A_1453, %swap3A_1454], %swap3A_1457 {strides = array<i32>} : memref<8x128xf32, #tpu.memory_space<vmem>>, vector<1x16xf32>,
    %get3A_1458 = arith.constant 3 : i32
    %get3A_1459 = arith.index_cast %get3A_1458 : i32 to index
    %get3A_1460 = arith.constant 0 : index
    %get3A_1461 = tpu.vector_load %arg10[%get3A_1459, %get3A_1460] {strides = array<i32>} : memref<8x128xf32, #tpu.memory_space<vmem>>, vector<1x16xf32>,
    %get3A_1462 = vector.shape_cast %get3A_1461 : vector<1x16xf32> to vector<16xf32>
    %get3A_1463 = arith.constant 0 : index
    %get3A_1464 = tpu.vector_load %arg11[%get3A_1463] {strides = array<i32>} : memref<128xf32, #tpu.memory_space<vmem>>, vector<16xf32>,
    %get3A_1465 = vector.shape_cast %get3A_1464 : vector<16xf32> to vector<16xf32>
    %add3A_1466 = arith.addf %get3A_1462, %get3A_1465 : vector<16xf32>
    %swap3A_1467 = arith.constant 3 : i32
    %swap3A_1468 = arith.index_cast %swap3A_1467 : i32 to index
    %swap3A_1469 = arith.constant 0 : index
    %swap3A_1470 = tpu.vector_load %arg10[%swap3A_1468, %swap3A_1469] {strides = array<i32>} : memref<8x128xf32, #tpu.memory_space<vmem>>, vector<1x16xf32>,
    %swap3A_1471 = vector.shape_cast %swap3A_1470 : vector<1x16xf32> to vector<16xf32>
    %swap3A_1472 = vector.shape_cast %add3A_1466 : vector<16xf32> to vector<1x16xf32>
    tpu.vector_store %arg10[%swap3A_1468, %swap3A_1469], %swap3A_1472 {strides = array<i32>} : memref<8x128xf32, #tpu.memory_space<vmem>>, vector<1x16xf32>,
    %get3A_1473 = arith.constant 3 : i32
    %get3A_1474 = arith.index_cast %get3A_1473 : i32 to index
    %get3A_1475 = arith.constant 16 : index
    %get3A_1476 = tpu.vector_load %arg10[%get3A_1474, %get3A_1475] {strides = array<i32>} : memref<8x128xf32, #tpu.memory_space<vmem>>, vector<1x16xf32>,
    %get3A_1477 = vector.shape_cast %get3A_1476 : vector<1x16xf32> to vector<16xf32>
    %get3A_1478 = arith.constant 16 : index
    %get3A_1479 = tpu.vector_load %arg11[%get3A_1478] {strides = array<i32>} : memref<128xf32, #tpu.memory_space<vmem>>, vector<16xf32>,
    %get3A_1480 = vector.shape_cast %get3A_1479 : vector<16xf32> to vector<16xf32>
    %add3A_1481 = arith.addf %get3A_1477, %get3A_1480 : vector<16xf32>
    %swap3A_1482 = arith.constant 3 : i32
    %swap3A_1483 = arith.index_cast %swap3A_1482 : i32 to index
    %swap3A_1484 = arith.constant 16 : index
    %swap3A_1485 = tpu.vector_load %arg10[%swap3A_1483, %swap3A_1484] {strides = array<i32>} : memref<8x128xf32, #tpu.memory_space<vmem>>, vector<1x16xf32>,
    %swap3A_1486 = vector.shape_cast %swap3A_1485 : vector<1x16xf32> to vector<16xf32>
    %swap3A_1487 = vector.shape_cast %add3A_1481 : vector<16xf32> to vector<1x16xf32>
    tpu.vector_store %arg10[%swap3A_1483, %swap3A_1484], %swap3A_1487 {strides = array<i32>} : memref<8x128xf32, #tpu.memory_space<vmem>>, vector<1x16xf32>,
    %get3A_1488 = arith.constant 3 : i32
    %get3A_1489 = arith.index_cast %get3A_1488 : i32 to index
    %get3A_1490 = arith.constant 32 : index
    %get3A_1491 = tpu.vector_load %arg10[%get3A_1489, %get3A_1490] {strides = array<i32>} : memref<8x128xf32, #tpu.memory_space<vmem>>, vector<1x16xf32>,
    %get3A_1492 = vector.shape_cast %get3A_1491 : vector<1x16xf32> to vector<16xf32>
    %get3A_1493 = arith.constant 32 : index
    %get3A_1494 = tpu.vector_load %arg11[%get3A_1493] {strides = array<i32>} : memref<128xf32, #tpu.memory_space<vmem>>, vector<16xf32>,
    %get3A_1495 = vector.shape_cast %get3A_1494 : vector<16xf32> to vector<16xf32>
    %add3A_1496 = arith.addf %get3A_1492, %get3A_1495 : vector<16xf32>
    %swap3A_1497 = arith.constant 3 : i32
    %swap3A_1498 = arith.index_cast %swap3A_1497 : i32 to index
    %swap3A_1499 = arith.constant 32 : index
    %swap3A_1500 = tpu.vector_load %arg10[%swap3A_1498, %swap3A_1499] {strides = array<i32>} : memref<8x128xf32, #tpu.memory_space<vmem>>, vector<1x16xf32>,
    %swap3A_1501 = vector.shape_cast %swap3A_1500 : vector<1x16xf32> to vector<16xf32>
    %swap3A_1502 = vector.shape_cast %add3A_1496 : vector<16xf32> to vector<1x16xf32>
    tpu.vector_store %arg10[%swap3A_1498, %swap3A_1499], %swap3A_1502 {strides = array<i32>} : memref<8x128xf32, #tpu.memory_space<vmem>>, vector<1x16xf32>,
    %get3A_1503 = arith.constant 3 : i32
    %get3A_1504 = arith.index_cast %get3A_1503 : i32 to index
    %get3A_1505 = arith.constant 48 : index
    %get3A_1506 = tpu.vector_load %arg10[%get3A_1504, %get3A_1505] {strides = array<i32>} : memref<8x128xf32, #tpu.memory_space<vmem>>, vector<1x16xf32>,
    %get3A_1507 = vector.shape_cast %get3A_1506 : vector<1x16xf32> to vector<16xf32>
    %get3A_1508 = arith.constant 48 : index
    %get3A_1509 = tpu.vector_load %arg11[%get3A_1508] {strides = array<i32>} : memref<128xf32, #tpu.memory_space<vmem>>, vector<16xf32>,
    %get3A_1510 = vector.shape_cast %get3A_1509 : vector<16xf32> to vector<16xf32>
    %add3A_1511 = arith.addf %get3A_1507, %get3A_1510 : vector<16xf32>
    %swap3A_1512 = arith.constant 3 : i32
    %swap3A_1513 = arith.index_cast %swap3A_1512 : i32 to index
    %swap3A_1514 = arith.constant 48 : index
    %swap3A_1515 = tpu.vector_load %arg10[%swap3A_1513, %swap3A_1514] {strides = array<i32>} : memref<8x128xf32, #tpu.memory_space<vmem>>, vector<1x16xf32>,
    %swap3A_1516 = vector.shape_cast %swap3A_1515 : vector<1x16xf32> to vector<16xf32>
    %swap3A_1517 = vector.shape_cast %add3A_1511 : vector<16xf32> to vector<1x16xf32>
    tpu.vector_store %arg10[%swap3A_1513, %swap3A_1514], %swap3A_1517 {strides = array<i32>} : memref<8x128xf32, #tpu.memory_space<vmem>>, vector<1x16xf32>,
    %get3A_1518 = arith.constant 3 : i32
    %get3A_1519 = arith.index_cast %get3A_1518 : i32 to index
    %get3A_1520 = arith.constant 64 : index
    %get3A_1521 = tpu.vector_load %arg10[%get3A_1519, %get3A_1520] {strides = array<i32>} : memref<8x128xf32, #tpu.memory_space<vmem>>, vector<1x16xf32>,
    %get3A_1522 = vector.shape_cast %get3A_1521 : vector<1x16xf32> to vector<16xf32>
    %get3A_1523 = arith.constant 64 : index
    %get3A_1524 = tpu.vector_load %arg11[%get3A_1523] {strides = array<i32>} : memref<128xf32, #tpu.memory_space<vmem>>, vector<16xf32>,
    %get3A_1525 = vector.shape_cast %get3A_1524 : vector<16xf32> to vector<16xf32>
    %add3A_1526 = arith.addf %get3A_1522, %get3A_1525 : vector<16xf32>
    %swap3A_1527 = arith.constant 3 : i32
    %swap3A_1528 = arith.index_cast %swap3A_1527 : i32 to index
    %swap3A_1529 = arith.constant 64 : index
    %swap3A_1530 = tpu.vector_load %arg10[%swap3A_1528, %swap3A_1529] {strides = array<i32>} : memref<8x128xf32, #tpu.memory_space<vmem>>, vector<1x16xf32>,
    %swap3A_1531 = vector.shape_cast %swap3A_1530 : vector<1x16xf32> to vector<16xf32>
    %swap3A_1532 = vector.shape_cast %add3A_1526 : vector<16xf32> to vector<1x16xf32>
    tpu.vector_store %arg10[%swap3A_1528, %swap3A_1529], %swap3A_1532 {strides = array<i32>} : memref<8x128xf32, #tpu.memory_space<vmem>>, vector<1x16xf32>,
    %get3A_1533 = arith.constant 3 : i32
    %get3A_1534 = arith.index_cast %get3A_1533 : i32 to index
    %get3A_1535 = arith.constant 80 : index
    %get3A_1536 = tpu.vector_load %arg10[%get3A_1534, %get3A_1535] {strides = array<i32>} : memref<8x128xf32, #tpu.memory_space<vmem>>, vector<1x16xf32>,
    %get3A_1537 = vector.shape_cast %get3A_1536 : vector<1x16xf32> to vector<16xf32>
    %get3A_1538 = arith.constant 80 : index
    %get3A_1539 = tpu.vector_load %arg11[%get3A_1538] {strides = array<i32>} : memref<128xf32, #tpu.memory_space<vmem>>, vector<16xf32>,
    %get3A_1540 = vector.shape_cast %get3A_1539 : vector<16xf32> to vector<16xf32>
    %add3A_1541 = arith.addf %get3A_1537, %get3A_1540 : vector<16xf32>
    %swap3A_1542 = arith.constant 3 : i32
    %swap3A_1543 = arith.index_cast %swap3A_1542 : i32 to index
    %swap3A_1544 = arith.constant 80 : index
    %swap3A_1545 = tpu.vector_load %arg10[%swap3A_1543, %swap3A_1544] {strides = array<i32>} : memref<8x128xf32, #tpu.memory_space<vmem>>, vector<1x16xf32>,
    %swap3A_1546 = vector.shape_cast %swap3A_1545 : vector<1x16xf32> to vector<16xf32>
    %swap3A_1547 = vector.shape_cast %add3A_1541 : vector<16xf32> to vector<1x16xf32>
    tpu.vector_store %arg10[%swap3A_1543, %swap3A_1544], %swap3A_1547 {strides = array<i32>} : memref<8x128xf32, #tpu.memory_space<vmem>>, vector<1x16xf32>,
    %get3A_1548 = arith.constant 3 : i32
    %get3A_1549 = arith.index_cast %get3A_1548 : i32 to index
    %get3A_1550 = arith.constant 96 : index
    %get3A_1551 = tpu.vector_load %arg10[%get3A_1549, %get3A_1550] {strides = array<i32>} : memref<8x128xf32, #tpu.memory_space<vmem>>, vector<1x16xf32>,
    %get3A_1552 = vector.shape_cast %get3A_1551 : vector<1x16xf32> to vector<16xf32>
    %get3A_1553 = arith.constant 96 : index
    %get3A_1554 = tpu.vector_load %arg11[%get3A_1553] {strides = array<i32>} : memref<128xf32, #tpu.memory_space<vmem>>, vector<16xf32>,
    %get3A_1555 = vector.shape_cast %get3A_1554 : vector<16xf32> to vector<16xf32>
    %add3A_1556 = arith.addf %get3A_1552, %get3A_1555 : vector<16xf32>
    %swap3A_1557 = arith.constant 3 : i32
    %swap3A_1558 = arith.index_cast %swap3A_1557 : i32 to index
    %swap3A_1559 = arith.constant 96 : index
    %swap3A_1560 = tpu.vector_load %arg10[%swap3A_1558, %swap3A_1559] {strides = array<i32>} : memref<8x128xf32, #tpu.memory_space<vmem>>, vector<1x16xf32>,
    %swap3A_1561 = vector.shape_cast %swap3A_1560 : vector<1x16xf32> to vector<16xf32>
    %swap3A_1562 = vector.shape_cast %add3A_1556 : vector<16xf32> to vector<1x16xf32>
    tpu.vector_store %arg10[%swap3A_1558, %swap3A_1559], %swap3A_1562 {strides = array<i32>} : memref<8x128xf32, #tpu.memory_space<vmem>>, vector<1x16xf32>,
    %get3A_1563 = arith.constant 3 : i32
    %get3A_1564 = arith.index_cast %get3A_1563 : i32 to index
    %get3A_1565 = arith.constant 112 : index
    %get3A_1566 = tpu.vector_load %arg10[%get3A_1564, %get3A_1565] {strides = array<i32>} : memref<8x128xf32, #tpu.memory_space<vmem>>, vector<1x16xf32>,
    %get3A_1567 = vector.shape_cast %get3A_1566 : vector<1x16xf32> to vector<16xf32>
    %get3A_1568 = arith.constant 112 : index
    %get3A_1569 = tpu.vector_load %arg11[%get3A_1568] {strides = array<i32>} : memref<128xf32, #tpu.memory_space<vmem>>, vector<16xf32>,
    %get3A_1570 = vector.shape_cast %get3A_1569 : vector<16xf32> to vector<16xf32>
    %add3A_1571 = arith.addf %get3A_1567, %get3A_1570 : vector<16xf32>
    %swap3A_1572 = arith.constant 3 : i32
    %swap3A_1573 = arith.index_cast %swap3A_1572 : i32 to index
    %swap3A_1574 = arith.constant 112 : index
    %swap3A_1575 = tpu.vector_load %arg10[%swap3A_1573, %swap3A_1574] {strides = array<i32>} : memref<8x128xf32, #tpu.memory_space<vmem>>, vector<1x16xf32>,
    %swap3A_1576 = vector.shape_cast %swap3A_1575 : vector<1x16xf32> to vector<16xf32>
    %swap3A_1577 = vector.shape_cast %add3A_1571 : vector<16xf32> to vector<1x16xf32>
    tpu.vector_store %arg10[%swap3A_1573, %swap3A_1574], %swap3A_1577 {strides = array<i32>} : memref<8x128xf32, #tpu.memory_space<vmem>>, vector<1x16xf32>,
    %get3A_1578 = arith.constant 4 : i32
    %get3A_1579 = arith.index_cast %get3A_1578 : i32 to index
    %get3A_1580 = arith.constant 0 : index
    %get3A_1581 = tpu.vector_load %arg10[%get3A_1579, %get3A_1580] {strides = array<i32>} : memref<8x128xf32, #tpu.memory_space<vmem>>, vector<1x16xf32>,
    %get3A_1582 = vector.shape_cast %get3A_1581 : vector<1x16xf32> to vector<16xf32>
    %get3A_1583 = arith.constant 0 : index
    %get3A_1584 = tpu.vector_load %arg11[%get3A_1583] {strides = array<i32>} : memref<128xf32, #tpu.memory_space<vmem>>, vector<16xf32>,
    %get3A_1585 = vector.shape_cast %get3A_1584 : vector<16xf32> to vector<16xf32>
    %add3A_1586 = arith.addf %get3A_1582, %get3A_1585 : vector<16xf32>
    %swap3A_1587 = arith.constant 4 : i32
    %swap3A_1588 = arith.index_cast %swap3A_1587 : i32 to index
    %swap3A_1589 = arith.constant 0 : index
    %swap3A_1590 = tpu.vector_load %arg10[%swap3A_1588, %swap3A_1589] {strides = array<i32>} : memref<8x128xf32, #tpu.memory_space<vmem>>, vector<1x16xf32>,
    %swap3A_1591 = vector.shape_cast %swap3A_1590 : vector<1x16xf32> to vector<16xf32>
    %swap3A_1592 = vector.shape_cast %add3A_1586 : vector<16xf32> to vector<1x16xf32>
    tpu.vector_store %arg10[%swap3A_1588, %swap3A_1589], %swap3A_1592 {strides = array<i32>} : memref<8x128xf32, #tpu.memory_space<vmem>>, vector<1x16xf32>,
    %get3A_1593 = arith.constant 4 : i32
    %get3A_1594 = arith.index_cast %get3A_1593 : i32 to index
    %get3A_1595 = arith.constant 16 : index
    %get3A_1596 = tpu.vector_load %arg10[%get3A_1594, %get3A_1595] {strides = array<i32>} : memref<8x128xf32, #tpu.memory_space<vmem>>, vector<1x16xf32>,
    %get3A_1597 = vector.shape_cast %get3A_1596 : vector<1x16xf32> to vector<16xf32>
    %get3A_1598 = arith.constant 16 : index
    %get3A_1599 = tpu.vector_load %arg11[%get3A_1598] {strides = array<i32>} : memref<128xf32, #tpu.memory_space<vmem>>, vector<16xf32>,
    %get3A_1600 = vector.shape_cast %get3A_1599 : vector<16xf32> to vector<16xf32>
    %add3A_1601 = arith.addf %get3A_1597, %get3A_1600 : vector<16xf32>
    %swap3A_1602 = arith.constant 4 : i32
    %swap3A_1603 = arith.index_cast %swap3A_1602 : i32 to index
    %swap3A_1604 = arith.constant 16 : index
    %swap3A_1605 = tpu.vector_load %arg10[%swap3A_1603, %swap3A_1604] {strides = array<i32>} : memref<8x128xf32, #tpu.memory_space<vmem>>, vector<1x16xf32>,
    %swap3A_1606 = vector.shape_cast %swap3A_1605 : vector<1x16xf32> to vector<16xf32>
    %swap3A_1607 = vector.shape_cast %add3A_1601 : vector<16xf32> to vector<1x16xf32>
    tpu.vector_store %arg10[%swap3A_1603, %swap3A_1604], %swap3A_1607 {strides = array<i32>} : memref<8x128xf32, #tpu.memory_space<vmem>>, vector<1x16xf32>,
    %get3A_1608 = arith.constant 4 : i32
    %get3A_1609 = arith.index_cast %get3A_1608 : i32 to index
    %get3A_1610 = arith.constant 32 : index
    %get3A_1611 = tpu.vector_load %arg10[%get3A_1609, %get3A_1610] {strides = array<i32>} : memref<8x128xf32, #tpu.memory_space<vmem>>, vector<1x16xf32>,
    %get3A_1612 = vector.shape_cast %get3A_1611 : vector<1x16xf32> to vector<16xf32>
    %get3A_1613 = arith.constant 32 : index
    %get3A_1614 = tpu.vector_load %arg11[%get3A_1613] {strides = array<i32>} : memref<128xf32, #tpu.memory_space<vmem>>, vector<16xf32>,
    %get3A_1615 = vector.shape_cast %get3A_1614 : vector<16xf32> to vector<16xf32>
    %add3A_1616 = arith.addf %get3A_1612, %get3A_1615 : vector<16xf32>
    %swap3A_1617 = arith.constant 4 : i32
    %swap3A_1618 = arith.index_cast %swap3A_1617 : i32 to index
    %swap3A_1619 = arith.constant 32 : index
    %swap3A_1620 = tpu.vector_load %arg10[%swap3A_1618, %swap3A_1619] {strides = array<i32>} : memref<8x128xf32, #tpu.memory_space<vmem>>, vector<1x16xf32>,
    %swap3A_1621 = vector.shape_cast %swap3A_1620 : vector<1x16xf32> to vector<16xf32>
    %swap3A_1622 = vector.shape_cast %add3A_1616 : vector<16xf32> to vector<1x16xf32>
    tpu.vector_store %arg10[%swap3A_1618, %swap3A_1619], %swap3A_1622 {strides = array<i32>} : memref<8x128xf32, #tpu.memory_space<vmem>>, vector<1x16xf32>,
    %get3A_1623 = arith.constant 4 : i32
    %get3A_1624 = arith.index_cast %get3A_1623 : i32 to index
    %get3A_1625 = arith.constant 48 : index
    %get3A_1626 = tpu.vector_load %arg10[%get3A_1624, %get3A_1625] {strides = array<i32>} : memref<8x128xf32, #tpu.memory_space<vmem>>, vector<1x16xf32>,
    %get3A_1627 = vector.shape_cast %get3A_1626 : vector<1x16xf32> to vector<16xf32>
    %get3A_1628 = arith.constant 48 : index
    %get3A_1629 = tpu.vector_load %arg11[%get3A_1628] {strides = array<i32>} : memref<128xf32, #tpu.memory_space<vmem>>, vector<16xf32>,
    %get3A_1630 = vector.shape_cast %get3A_1629 : vector<16xf32> to vector<16xf32>
    %add3A_1631 = arith.addf %get3A_1627, %get3A_1630 : vector<16xf32>
    %swap3A_1632 = arith.constant 4 : i32
    %swap3A_1633 = arith.index_cast %swap3A_1632 : i32 to index
    %swap3A_1634 = arith.constant 48 : index
    %swap3A_1635 = tpu.vector_load %arg10[%swap3A_1633, %swap3A_1634] {strides = array<i32>} : memref<8x128xf32, #tpu.memory_space<vmem>>, vector<1x16xf32>,
    %swap3A_1636 = vector.shape_cast %swap3A_1635 : vector<1x16xf32> to vector<16xf32>
    %swap3A_1637 = vector.shape_cast %add3A_1631 : vector<16xf32> to vector<1x16xf32>
    tpu.vector_store %arg10[%swap3A_1633, %swap3A_1634], %swap3A_1637 {strides = array<i32>} : memref<8x128xf32, #tpu.memory_space<vmem>>, vector<1x16xf32>,
    %get3A_1638 = arith.constant 4 : i32
    %get3A_1639 = arith.index_cast %get3A_1638 : i32 to index
    %get3A_1640 = arith.constant 64 : index
    %get3A_1641 = tpu.vector_load %arg10[%get3A_1639, %get3A_1640] {strides = array<i32>} : memref<8x128xf32, #tpu.memory_space<vmem>>, vector<1x16xf32>,
    %get3A_1642 = vector.shape_cast %get3A_1641 : vector<1x16xf32> to vector<16xf32>
    %get3A_1643 = arith.constant 64 : index
    %get3A_1644 = tpu.vector_load %arg11[%get3A_1643] {strides = array<i32>} : memref<128xf32, #tpu.memory_space<vmem>>, vector<16xf32>,
    %get3A_1645 = vector.shape_cast %get3A_1644 : vector<16xf32> to vector<16xf32>
    %add3A_1646 = arith.addf %get3A_1642, %get3A_1645 : vector<16xf32>
    %swap3A_1647 = arith.constant 4 : i32
    %swap3A_1648 = arith.index_cast %swap3A_1647 : i32 to index
    %swap3A_1649 = arith.constant 64 : index
    %swap3A_1650 = tpu.vector_load %arg10[%swap3A_1648, %swap3A_1649] {strides = array<i32>} : memref<8x128xf32, #tpu.memory_space<vmem>>, vector<1x16xf32>,
    %swap3A_1651 = vector.shape_cast %swap3A_1650 : vector<1x16xf32> to vector<16xf32>
    %swap3A_1652 = vector.shape_cast %add3A_1646 : vector<16xf32> to vector<1x16xf32>
    tpu.vector_store %arg10[%swap3A_1648, %swap3A_1649], %swap3A_1652 {strides = array<i32>} : memref<8x128xf32, #tpu.memory_space<vmem>>, vector<1x16xf32>,
    %get3A_1653 = arith.constant 4 : i32
    %get3A_1654 = arith.index_cast %get3A_1653 : i32 to index
    %get3A_1655 = arith.constant 80 : index
    %get3A_1656 = tpu.vector_load %arg10[%get3A_1654, %get3A_1655] {strides = array<i32>} : memref<8x128xf32, #tpu.memory_space<vmem>>, vector<1x16xf32>,
    %get3A_1657 = vector.shape_cast %get3A_1656 : vector<1x16xf32> to vector<16xf32>
    %get3A_1658 = arith.constant 80 : index
    %get3A_1659 = tpu.vector_load %arg11[%get3A_1658] {strides = array<i32>} : memref<128xf32, #tpu.memory_space<vmem>>, vector<16xf32>,
    %get3A_1660 = vector.shape_cast %get3A_1659 : vector<16xf32> to vector<16xf32>
    %add3A_1661 = arith.addf %get3A_1657, %get3A_1660 : vector<16xf32>
    %swap3A_1662 = arith.constant 4 : i32
    %swap3A_1663 = arith.index_cast %swap3A_1662 : i32 to index
    %swap3A_1664 = arith.constant 80 : index
    %swap3A_1665 = tpu.vector_load %arg10[%swap3A_1663, %swap3A_1664] {strides = array<i32>} : memref<8x128xf32, #tpu.memory_space<vmem>>, vector<1x16xf32>,
    %swap3A_1666 = vector.shape_cast %swap3A_1665 : vector<1x16xf32> to vector<16xf32>
    %swap3A_1667 = vector.shape_cast %add3A_1661 : vector<16xf32> to vector<1x16xf32>
    tpu.vector_store %arg10[%swap3A_1663, %swap3A_1664], %swap3A_1667 {strides = array<i32>} : memref<8x128xf32, #tpu.memory_space<vmem>>, vector<1x16xf32>,
    %get3A_1668 = arith.constant 4 : i32
    %get3A_1669 = arith.index_cast %get3A_1668 : i32 to index
    %get3A_1670 = arith.constant 96 : index
    %get3A_1671 = tpu.vector_load %arg10[%get3A_1669, %get3A_1670] {strides = array<i32>} : memref<8x128xf32, #tpu.memory_space<vmem>>, vector<1x16xf32>,
    %get3A_1672 = vector.shape_cast %get3A_1671 : vector<1x16xf32> to vector<16xf32>
    %get3A_1673 = arith.constant 96 : index
    %get3A_1674 = tpu.vector_load %arg11[%get3A_1673] {strides = array<i32>} : memref<128xf32, #tpu.memory_space<vmem>>, vector<16xf32>,
    %get3A_1675 = vector.shape_cast %get3A_1674 : vector<16xf32> to vector<16xf32>
    %add3A_1676 = arith.addf %get3A_1672, %get3A_1675 : vector<16xf32>
    %swap3A_1677 = arith.constant 4 : i32
    %swap3A_1678 = arith.index_cast %swap3A_1677 : i32 to index
    %swap3A_1679 = arith.constant 96 : index
    %swap3A_1680 = tpu.vector_load %arg10[%swap3A_1678, %swap3A_1679] {strides = array<i32>} : memref<8x128xf32, #tpu.memory_space<vmem>>, vector<1x16xf32>,
    %swap3A_1681 = vector.shape_cast %swap3A_1680 : vector<1x16xf32> to vector<16xf32>
    %swap3A_1682 = vector.shape_cast %add3A_1676 : vector<16xf32> to vector<1x16xf32>
    tpu.vector_store %arg10[%swap3A_1678, %swap3A_1679], %swap3A_1682 {strides = array<i32>} : memref<8x128xf32, #tpu.memory_space<vmem>>, vector<1x16xf32>,
    %get3A_1683 = arith.constant 4 : i32
    %get3A_1684 = arith.index_cast %get3A_1683 : i32 to index
    %get3A_1685 = arith.constant 112 : index
    %get3A_1686 = tpu.vector_load %arg10[%get3A_1684, %get3A_1685] {strides = array<i32>} : memref<8x128xf32, #tpu.memory_space<vmem>>, vector<1x16xf32>,
    %get3A_1687 = vector.shape_cast %get3A_1686 : vector<1x16xf32> to vector<16xf32>
    %get3A_1688 = arith.constant 112 : index
    %get3A_1689 = tpu.vector_load %arg11[%get3A_1688] {strides = array<i32>} : memref<128xf32, #tpu.memory_space<vmem>>, vector<16xf32>,
    %get3A_1690 = vector.shape_cast %get3A_1689 : vector<16xf32> to vector<16xf32>
    %add3A_1691 = arith.addf %get3A_1687, %get3A_1690 : vector<16xf32>
    %swap3A_1692 = arith.constant 4 : i32
    %swap3A_1693 = arith.index_cast %swap3A_1692 : i32 to index
    %swap3A_1694 = arith.constant 112 : index
    %swap3A_1695 = tpu.vector_load %arg10[%swap3A_1693, %swap3A_1694] {strides = array<i32>} : memref<8x128xf32, #tpu.memory_space<vmem>>, vector<1x16xf32>,
    %swap3A_1696 = vector.shape_cast %swap3A_1695 : vector<1x16xf32> to vector<16xf32>
    %swap3A_1697 = vector.shape_cast %add3A_1691 : vector<16xf32> to vector<1x16xf32>
    tpu.vector_store %arg10[%swap3A_1693, %swap3A_1694], %swap3A_1697 {strides = array<i32>} : memref<8x128xf32, #tpu.memory_space<vmem>>, vector<1x16xf32>,
    %get3A_1698 = arith.constant 5 : i32
    %get3A_1699 = arith.index_cast %get3A_1698 : i32 to index
    %get3A_1700 = arith.constant 0 : index
    %get3A_1701 = tpu.vector_load %arg10[%get3A_1699, %get3A_1700] {strides = array<i32>} : memref<8x128xf32, #tpu.memory_space<vmem>>, vector<1x16xf32>,
    %get3A_1702 = vector.shape_cast %get3A_1701 : vector<1x16xf32> to vector<16xf32>
    %get3A_1703 = arith.constant 0 : index
    %get3A_1704 = tpu.vector_load %arg11[%get3A_1703] {strides = array<i32>} : memref<128xf32, #tpu.memory_space<vmem>>, vector<16xf32>,
    %get3A_1705 = vector.shape_cast %get3A_1704 : vector<16xf32> to vector<16xf32>
    %add3A_1706 = arith.addf %get3A_1702, %get3A_1705 : vector<16xf32>
    %swap3A_1707 = arith.constant 5 : i32
    %swap3A_1708 = arith.index_cast %swap3A_1707 : i32 to index
    %swap3A_1709 = arith.constant 0 : index
    %swap3A_1710 = tpu.vector_load %arg10[%swap3A_1708, %swap3A_1709] {strides = array<i32>} : memref<8x128xf32, #tpu.memory_space<vmem>>, vector<1x16xf32>,
    %swap3A_1711 = vector.shape_cast %swap3A_1710 : vector<1x16xf32> to vector<16xf32>
    %swap3A_1712 = vector.shape_cast %add3A_1706 : vector<16xf32> to vector<1x16xf32>
    tpu.vector_store %arg10[%swap3A_1708, %swap3A_1709], %swap3A_1712 {strides = array<i32>} : memref<8x128xf32, #tpu.memory_space<vmem>>, vector<1x16xf32>,
    %get3A_1713 = arith.constant 5 : i32
    %get3A_1714 = arith.index_cast %get3A_1713 : i32 to index
    %get3A_1715 = arith.constant 16 : index
    %get3A_1716 = tpu.vector_load %arg10[%get3A_1714, %get3A_1715] {strides = array<i32>} : memref<8x128xf32, #tpu.memory_space<vmem>>, vector<1x16xf32>,
    %get3A_1717 = vector.shape_cast %get3A_1716 : vector<1x16xf32> to vector<16xf32>
    %get3A_1718 = arith.constant 16 : index
    %get3A_1719 = tpu.vector_load %arg11[%get3A_1718] {strides = array<i32>} : memref<128xf32, #tpu.memory_space<vmem>>, vector<16xf32>,
    %get3A_1720 = vector.shape_cast %get3A_1719 : vector<16xf32> to vector<16xf32>
    %add3A_1721 = arith.addf %get3A_1717, %get3A_1720 : vector<16xf32>
    %swap3A_1722 = arith.constant 5 : i32
    %swap3A_1723 = arith.index_cast %swap3A_1722 : i32 to index
    %swap3A_1724 = arith.constant 16 : index
    %swap3A_1725 = tpu.vector_load %arg10[%swap3A_1723, %swap3A_1724] {strides = array<i32>} : memref<8x128xf32, #tpu.memory_space<vmem>>, vector<1x16xf32>,
    %swap3A_1726 = vector.shape_cast %swap3A_1725 : vector<1x16xf32> to vector<16xf32>
    %swap3A_1727 = vector.shape_cast %add3A_1721 : vector<16xf32> to vector<1x16xf32>
    tpu.vector_store %arg10[%swap3A_1723, %swap3A_1724], %swap3A_1727 {strides = array<i32>} : memref<8x128xf32, #tpu.memory_space<vmem>>, vector<1x16xf32>,
    %get3A_1728 = arith.constant 5 : i32
    %get3A_1729 = arith.index_cast %get3A_1728 : i32 to index
    %get3A_1730 = arith.constant 32 : index
    %get3A_1731 = tpu.vector_load %arg10[%get3A_1729, %get3A_1730] {strides = array<i32>} : memref<8x128xf32, #tpu.memory_space<vmem>>, vector<1x16xf32>,
    %get3A_1732 = vector.shape_cast %get3A_1731 : vector<1x16xf32> to vector<16xf32>
    %get3A_1733 = arith.constant 32 : index
    %get3A_1734 = tpu.vector_load %arg11[%get3A_1733] {strides = array<i32>} : memref<128xf32, #tpu.memory_space<vmem>>, vector<16xf32>,
    %get3A_1735 = vector.shape_cast %get3A_1734 : vector<16xf32> to vector<16xf32>
    %add3A_1736 = arith.addf %get3A_1732, %get3A_1735 : vector<16xf32>
    %swap3A_1737 = arith.constant 5 : i32
    %swap3A_1738 = arith.index_cast %swap3A_1737 : i32 to index
    %swap3A_1739 = arith.constant 32 : index
    %swap3A_1740 = tpu.vector_load %arg10[%swap3A_1738, %swap3A_1739] {strides = array<i32>} : memref<8x128xf32, #tpu.memory_space<vmem>>, vector<1x16xf32>,
    %swap3A_1741 = vector.shape_cast %swap3A_1740 : vector<1x16xf32> to vector<16xf32>
    %swap3A_1742 = vector.shape_cast %add3A_1736 : vector<16xf32> to vector<1x16xf32>
    tpu.vector_store %arg10[%swap3A_1738, %swap3A_1739], %swap3A_1742 {strides = array<i32>} : memref<8x128xf32, #tpu.memory_space<vmem>>, vector<1x16xf32>,
    %get3A_1743 = arith.constant 5 : i32
    %get3A_1744 = arith.index_cast %get3A_1743 : i32 to index
    %get3A_1745 = arith.constant 48 : index
    %get3A_1746 = tpu.vector_load %arg10[%get3A_1744, %get3A_1745] {strides = array<i32>} : memref<8x128xf32, #tpu.memory_space<vmem>>, vector<1x16xf32>,
    %get3A_1747 = vector.shape_cast %get3A_1746 : vector<1x16xf32> to vector<16xf32>
    %get3A_1748 = arith.constant 48 : index
    %get3A_1749 = tpu.vector_load %arg11[%get3A_1748] {strides = array<i32>} : memref<128xf32, #tpu.memory_space<vmem>>, vector<16xf32>,
    %get3A_1750 = vector.shape_cast %get3A_1749 : vector<16xf32> to vector<16xf32>
    %add3A_1751 = arith.addf %get3A_1747, %get3A_1750 : vector<16xf32>
    %swap3A_1752 = arith.constant 5 : i32
    %swap3A_1753 = arith.index_cast %swap3A_1752 : i32 to index
    %swap3A_1754 = arith.constant 48 : index
    %swap3A_1755 = tpu.vector_load %arg10[%swap3A_1753, %swap3A_1754] {strides = array<i32>} : memref<8x128xf32, #tpu.memory_space<vmem>>, vector<1x16xf32>,
    %swap3A_1756 = vector.shape_cast %swap3A_1755 : vector<1x16xf32> to vector<16xf32>
    %swap3A_1757 = vector.shape_cast %add3A_1751 : vector<16xf32> to vector<1x16xf32>
    tpu.vector_store %arg10[%swap3A_1753, %swap3A_1754], %swap3A_1757 {strides = array<i32>} : memref<8x128xf32, #tpu.memory_space<vmem>>, vector<1x16xf32>,
    %get3A_1758 = arith.constant 5 : i32
    %get3A_1759 = arith.index_cast %get3A_1758 : i32 to index
    %get3A_1760 = arith.constant 64 : index
    %get3A_1761 = tpu.vector_load %arg10[%get3A_1759, %get3A_1760] {strides = array<i32>} : memref<8x128xf32, #tpu.memory_space<vmem>>, vector<1x16xf32>,
    %get3A_1762 = vector.shape_cast %get3A_1761 : vector<1x16xf32> to vector<16xf32>
    %get3A_1763 = arith.constant 64 : index
    %get3A_1764 = tpu.vector_load %arg11[%get3A_1763] {strides = array<i32>} : memref<128xf32, #tpu.memory_space<vmem>>, vector<16xf32>,
    %get3A_1765 = vector.shape_cast %get3A_1764 : vector<16xf32> to vector<16xf32>
    %add3A_1766 = arith.addf %get3A_1762, %get3A_1765 : vector<16xf32>
    %swap3A_1767 = arith.constant 5 : i32
    %swap3A_1768 = arith.index_cast %swap3A_1767 : i32 to index
    %swap3A_1769 = arith.constant 64 : index
    %swap3A_1770 = tpu.vector_load %arg10[%swap3A_1768, %swap3A_1769] {strides = array<i32>} : memref<8x128xf32, #tpu.memory_space<vmem>>, vector<1x16xf32>,
    %swap3A_1771 = vector.shape_cast %swap3A_1770 : vector<1x16xf32> to vector<16xf32>
    %swap3A_1772 = vector.shape_cast %add3A_1766 : vector<16xf32> to vector<1x16xf32>
    tpu.vector_store %arg10[%swap3A_1768, %swap3A_1769], %swap3A_1772 {strides = array<i32>} : memref<8x128xf32, #tpu.memory_space<vmem>>, vector<1x16xf32>,
    %get3A_1773 = arith.constant 5 : i32
    %get3A_1774 = arith.index_cast %get3A_1773 : i32 to index
    %get3A_1775 = arith.constant 80 : index
    %get3A_1776 = tpu.vector_load %arg10[%get3A_1774, %get3A_1775] {strides = array<i32>} : memref<8x128xf32, #tpu.memory_space<vmem>>, vector<1x16xf32>,
    %get3A_1777 = vector.shape_cast %get3A_1776 : vector<1x16xf32> to vector<16xf32>
    %get3A_1778 = arith.constant 80 : index
    %get3A_1779 = tpu.vector_load %arg11[%get3A_1778] {strides = array<i32>} : memref<128xf32, #tpu.memory_space<vmem>>, vector<16xf32>,
    %get3A_1780 = vector.shape_cast %get3A_1779 : vector<16xf32> to vector<16xf32>
    %add3A_1781 = arith.addf %get3A_1777, %get3A_1780 : vector<16xf32>
    %swap3A_1782 = arith.constant 5 : i32
    %swap3A_1783 = arith.index_cast %swap3A_1782 : i32 to index
    %swap3A_1784 = arith.constant 80 : index
    %swap3A_1785 = tpu.vector_load %arg10[%swap3A_1783, %swap3A_1784] {strides = array<i32>} : memref<8x128xf32, #tpu.memory_space<vmem>>, vector<1x16xf32>,
    %swap3A_1786 = vector.shape_cast %swap3A_1785 : vector<1x16xf32> to vector<16xf32>
    %swap3A_1787 = vector.shape_cast %add3A_1781 : vector<16xf32> to vector<1x16xf32>
    tpu.vector_store %arg10[%swap3A_1783, %swap3A_1784], %swap3A_1787 {strides = array<i32>} : memref<8x128xf32, #tpu.memory_space<vmem>>, vector<1x16xf32>,
    %get3A_1788 = arith.constant 5 : i32
    %get3A_1789 = arith.index_cast %get3A_1788 : i32 to index
    %get3A_1790 = arith.constant 96 : index
    %get3A_1791 = tpu.vector_load %arg10[%get3A_1789, %get3A_1790] {strides = array<i32>} : memref<8x128xf32, #tpu.memory_space<vmem>>, vector<1x16xf32>,
    %get3A_1792 = vector.shape_cast %get3A_1791 : vector<1x16xf32> to vector<16xf32>
    %get3A_1793 = arith.constant 96 : index
    %get3A_1794 = tpu.vector_load %arg11[%get3A_1793] {strides = array<i32>} : memref<128xf32, #tpu.memory_space<vmem>>, vector<16xf32>,
    %get3A_1795 = vector.shape_cast %get3A_1794 : vector<16xf32> to vector<16xf32>
    %add3A_1796 = arith.addf %get3A_1792, %get3A_1795 : vector<16xf32>
    %swap3A_1797 = arith.constant 5 : i32
    %swap3A_1798 = arith.index_cast %swap3A_1797 : i32 to index
    %swap3A_1799 = arith.constant 96 : index
    %swap3A_1800 = tpu.vector_load %arg10[%swap3A_1798, %swap3A_1799] {strides = array<i32>} : memref<8x128xf32, #tpu.memory_space<vmem>>, vector<1x16xf32>,
    %swap3A_1801 = vector.shape_cast %swap3A_1800 : vector<1x16xf32> to vector<16xf32>
    %swap3A_1802 = vector.shape_cast %add3A_1796 : vector<16xf32> to vector<1x16xf32>
    tpu.vector_store %arg10[%swap3A_1798, %swap3A_1799], %swap3A_1802 {strides = array<i32>} : memref<8x128xf32, #tpu.memory_space<vmem>>, vector<1x16xf32>,
    %get3A_1803 = arith.constant 5 : i32
    %get3A_1804 = arith.index_cast %get3A_1803 : i32 to index
    %get3A_1805 = arith.constant 112 : index
    %get3A_1806 = tpu.vector_load %arg10[%get3A_1804, %get3A_1805] {strides = array<i32>} : memref<8x128xf32, #tpu.memory_space<vmem>>, vector<1x16xf32>,
    %get3A_1807 = vector.shape_cast %get3A_1806 : vector<1x16xf32> to vector<16xf32>
    %get3A_1808 = arith.constant 112 : index
    %get3A_1809 = tpu.vector_load %arg11[%get3A_1808] {strides = array<i32>} : memref<128xf32, #tpu.memory_space<vmem>>, vector<16xf32>,
    %get3A_1810 = vector.shape_cast %get3A_1809 : vector<16xf32> to vector<16xf32>
    %add3A_1811 = arith.addf %get3A_1807, %get3A_1810 : vector<16xf32>
    %swap3A_1812 = arith.constant 5 : i32
    %swap3A_1813 = arith.index_cast %swap3A_1812 : i32 to index
    %swap3A_1814 = arith.constant 112 : index
    %swap3A_1815 = tpu.vector_load %arg10[%swap3A_1813, %swap3A_1814] {strides = array<i32>} : memref<8x128xf32, #tpu.memory_space<vmem>>, vector<1x16xf32>,
    %swap3A_1816 = vector.shape_cast %swap3A_1815 : vector<1x16xf32> to vector<16xf32>
    %swap3A_1817 = vector.shape_cast %add3A_1811 : vector<16xf32> to vector<1x16xf32>
    tpu.vector_store %arg10[%swap3A_1813, %swap3A_1814], %swap3A_1817 {strides = array<i32>} : memref<8x128xf32, #tpu.memory_space<vmem>>, vector<1x16xf32>,
    %get3A_1818 = arith.constant 6 : i32
    %get3A_1819 = arith.index_cast %get3A_1818 : i32 to index
    %get3A_1820 = arith.constant 0 : index
    %get3A_1821 = tpu.vector_load %arg10[%get3A_1819, %get3A_1820] {strides = array<i32>} : memref<8x128xf32, #tpu.memory_space<vmem>>, vector<1x16xf32>,
    %get3A_1822 = vector.shape_cast %get3A_1821 : vector<1x16xf32> to vector<16xf32>
    %get3A_1823 = arith.constant 0 : index
    %get3A_1824 = tpu.vector_load %arg11[%get3A_1823] {strides = array<i32>} : memref<128xf32, #tpu.memory_space<vmem>>, vector<16xf32>,
    %get3A_1825 = vector.shape_cast %get3A_1824 : vector<16xf32> to vector<16xf32>
    %add3A_1826 = arith.addf %get3A_1822, %get3A_1825 : vector<16xf32>
    %swap3A_1827 = arith.constant 6 : i32
    %swap3A_1828 = arith.index_cast %swap3A_1827 : i32 to index
    %swap3A_1829 = arith.constant 0 : index
    %swap3A_1830 = tpu.vector_load %arg10[%swap3A_1828, %swap3A_1829] {strides = array<i32>} : memref<8x128xf32, #tpu.memory_space<vmem>>, vector<1x16xf32>,
    %swap3A_1831 = vector.shape_cast %swap3A_1830 : vector<1x16xf32> to vector<16xf32>
    %swap3A_1832 = vector.shape_cast %add3A_1826 : vector<16xf32> to vector<1x16xf32>
    tpu.vector_store %arg10[%swap3A_1828, %swap3A_1829], %swap3A_1832 {strides = array<i32>} : memref<8x128xf32, #tpu.memory_space<vmem>>, vector<1x16xf32>,
    %get3A_1833 = arith.constant 6 : i32
    %get3A_1834 = arith.index_cast %get3A_1833 : i32 to index
    %get3A_1835 = arith.constant 16 : index
    %get3A_1836 = tpu.vector_load %arg10[%get3A_1834, %get3A_1835] {strides = array<i32>} : memref<8x128xf32, #tpu.memory_space<vmem>>, vector<1x16xf32>,
    %get3A_1837 = vector.shape_cast %get3A_1836 : vector<1x16xf32> to vector<16xf32>
    %get3A_1838 = arith.constant 16 : index
    %get3A_1839 = tpu.vector_load %arg11[%get3A_1838] {strides = array<i32>} : memref<128xf32, #tpu.memory_space<vmem>>, vector<16xf32>,
    %get3A_1840 = vector.shape_cast %get3A_1839 : vector<16xf32> to vector<16xf32>
    %add3A_1841 = arith.addf %get3A_1837, %get3A_1840 : vector<16xf32>
    %swap3A_1842 = arith.constant 6 : i32
    %swap3A_1843 = arith.index_cast %swap3A_1842 : i32 to index
    %swap3A_1844 = arith.constant 16 : index
    %swap3A_1845 = tpu.vector_load %arg10[%swap3A_1843, %swap3A_1844] {strides = array<i32>} : memref<8x128xf32, #tpu.memory_space<vmem>>, vector<1x16xf32>,
    %swap3A_1846 = vector.shape_cast %swap3A_1845 : vector<1x16xf32> to vector<16xf32>
    %swap3A_1847 = vector.shape_cast %add3A_1841 : vector<16xf32> to vector<1x16xf32>
    tpu.vector_store %arg10[%swap3A_1843, %swap3A_1844], %swap3A_1847 {strides = array<i32>} : memref<8x128xf32, #tpu.memory_space<vmem>>, vector<1x16xf32>,
    %get3A_1848 = arith.constant 6 : i32
    %get3A_1849 = arith.index_cast %get3A_1848 : i32 to index
    %get3A_1850 = arith.constant 32 : index
    %get3A_1851 = tpu.vector_load %arg10[%get3A_1849, %get3A_1850] {strides = array<i32>} : memref<8x128xf32, #tpu.memory_space<vmem>>, vector<1x16xf32>,
    %get3A_1852 = vector.shape_cast %get3A_1851 : vector<1x16xf32> to vector<16xf32>
    %get3A_1853 = arith.constant 32 : index
    %get3A_1854 = tpu.vector_load %arg11[%get3A_1853] {strides = array<i32>} : memref<128xf32, #tpu.memory_space<vmem>>, vector<16xf32>,
    %get3A_1855 = vector.shape_cast %get3A_1854 : vector<16xf32> to vector<16xf32>
    %add3A_1856 = arith.addf %get3A_1852, %get3A_1855 : vector<16xf32>
    %swap3A_1857 = arith.constant 6 : i32
    %swap3A_1858 = arith.index_cast %swap3A_1857 : i32 to index
    %swap3A_1859 = arith.constant 32 : index
    %swap3A_1860 = tpu.vector_load %arg10[%swap3A_1858, %swap3A_1859] {strides = array<i32>} : memref<8x128xf32, #tpu.memory_space<vmem>>, vector<1x16xf32>,
    %swap3A_1861 = vector.shape_cast %swap3A_1860 : vector<1x16xf32> to vector<16xf32>
    %swap3A_1862 = vector.shape_cast %add3A_1856 : vector<16xf32> to vector<1x16xf32>
    tpu.vector_store %arg10[%swap3A_1858, %swap3A_1859], %swap3A_1862 {strides = array<i32>} : memref<8x128xf32, #tpu.memory_space<vmem>>, vector<1x16xf32>,
    %get3A_1863 = arith.constant 6 : i32
    %get3A_1864 = arith.index_cast %get3A_1863 : i32 to index
    %get3A_1865 = arith.constant 48 : index
    %get3A_1866 = tpu.vector_load %arg10[%get3A_1864, %get3A_1865] {strides = array<i32>} : memref<8x128xf32, #tpu.memory_space<vmem>>, vector<1x16xf32>,
    %get3A_1867 = vector.shape_cast %get3A_1866 : vector<1x16xf32> to vector<16xf32>
    %get3A_1868 = arith.constant 48 : index
    %get3A_1869 = tpu.vector_load %arg11[%get3A_1868] {strides = array<i32>} : memref<128xf32, #tpu.memory_space<vmem>>, vector<16xf32>,
    %get3A_1870 = vector.shape_cast %get3A_1869 : vector<16xf32> to vector<16xf32>
    %add3A_1871 = arith.addf %get3A_1867, %get3A_1870 : vector<16xf32>
    %swap3A_1872 = arith.constant 6 : i32
    %swap3A_1873 = arith.index_cast %swap3A_1872 : i32 to index
    %swap3A_1874 = arith.constant 48 : index
    %swap3A_1875 = tpu.vector_load %arg10[%swap3A_1873, %swap3A_1874] {strides = array<i32>} : memref<8x128xf32, #tpu.memory_space<vmem>>, vector<1x16xf32>,
    %swap3A_1876 = vector.shape_cast %swap3A_1875 : vector<1x16xf32> to vector<16xf32>
    %swap3A_1877 = vector.shape_cast %add3A_1871 : vector<16xf32> to vector<1x16xf32>
    tpu.vector_store %arg10[%swap3A_1873, %swap3A_1874], %swap3A_1877 {strides = array<i32>} : memref<8x128xf32, #tpu.memory_space<vmem>>, vector<1x16xf32>,
    %get3A_1878 = arith.constant 6 : i32
    %get3A_1879 = arith.index_cast %get3A_1878 : i32 to index
    %get3A_1880 = arith.constant 64 : index
    %get3A_1881 = tpu.vector_load %arg10[%get3A_1879, %get3A_1880] {strides = array<i32>} : memref<8x128xf32, #tpu.memory_space<vmem>>, vector<1x16xf32>,
    %get3A_1882 = vector.shape_cast %get3A_1881 : vector<1x16xf32> to vector<16xf32>
    %get3A_1883 = arith.constant 64 : index
    %get3A_1884 = tpu.vector_load %arg11[%get3A_1883] {strides = array<i32>} : memref<128xf32, #tpu.memory_space<vmem>>, vector<16xf32>,
    %get3A_1885 = vector.shape_cast %get3A_1884 : vector<16xf32> to vector<16xf32>
    %add3A_1886 = arith.addf %get3A_1882, %get3A_1885 : vector<16xf32>
    %swap3A_1887 = arith.constant 6 : i32
    %swap3A_1888 = arith.index_cast %swap3A_1887 : i32 to index
    %swap3A_1889 = arith.constant 64 : index
    %swap3A_1890 = tpu.vector_load %arg10[%swap3A_1888, %swap3A_1889] {strides = array<i32>} : memref<8x128xf32, #tpu.memory_space<vmem>>, vector<1x16xf32>,
    %swap3A_1891 = vector.shape_cast %swap3A_1890 : vector<1x16xf32> to vector<16xf32>
    %swap3A_1892 = vector.shape_cast %add3A_1886 : vector<16xf32> to vector<1x16xf32>
    tpu.vector_store %arg10[%swap3A_1888, %swap3A_1889], %swap3A_1892 {strides = array<i32>} : memref<8x128xf32, #tpu.memory_space<vmem>>, vector<1x16xf32>,
    %get3A_1893 = arith.constant 6 : i32
    %get3A_1894 = arith.index_cast %get3A_1893 : i32 to index
    %get3A_1895 = arith.constant 80 : index
    %get3A_1896 = tpu.vector_load %arg10[%get3A_1894, %get3A_1895] {strides = array<i32>} : memref<8x128xf32, #tpu.memory_space<vmem>>, vector<1x16xf32>,
    %get3A_1897 = vector.shape_cast %get3A_1896 : vector<1x16xf32> to vector<16xf32>
    %get3A_1898 = arith.constant 80 : index
    %get3A_1899 = tpu.vector_load %arg11[%get3A_1898] {strides = array<i32>} : memref<128xf32, #tpu.memory_space<vmem>>, vector<16xf32>,
    %get3A_1900 = vector.shape_cast %get3A_1899 : vector<16xf32> to vector<16xf32>
    %add3A_1901 = arith.addf %get3A_1897, %get3A_1900 : vector<16xf32>
    %swap3A_1902 = arith.constant 6 : i32
    %swap3A_1903 = arith.index_cast %swap3A_1902 : i32 to index
    %swap3A_1904 = arith.constant 80 : index
    %swap3A_1905 = tpu.vector_load %arg10[%swap3A_1903, %swap3A_1904] {strides = array<i32>} : memref<8x128xf32, #tpu.memory_space<vmem>>, vector<1x16xf32>,
    %swap3A_1906 = vector.shape_cast %swap3A_1905 : vector<1x16xf32> to vector<16xf32>
    %swap3A_1907 = vector.shape_cast %add3A_1901 : vector<16xf32> to vector<1x16xf32>
    tpu.vector_store %arg10[%swap3A_1903, %swap3A_1904], %swap3A_1907 {strides = array<i32>} : memref<8x128xf32, #tpu.memory_space<vmem>>, vector<1x16xf32>,
    %get3A_1908 = arith.constant 6 : i32
    %get3A_1909 = arith.index_cast %get3A_1908 : i32 to index
    %get3A_1910 = arith.constant 96 : index
    %get3A_1911 = tpu.vector_load %arg10[%get3A_1909, %get3A_1910] {strides = array<i32>} : memref<8x128xf32, #tpu.memory_space<vmem>>, vector<1x16xf32>,
    %get3A_1912 = vector.shape_cast %get3A_1911 : vector<1x16xf32> to vector<16xf32>
    %get3A_1913 = arith.constant 96 : index
    %get3A_1914 = tpu.vector_load %arg11[%get3A_1913] {strides = array<i32>} : memref<128xf32, #tpu.memory_space<vmem>>, vector<16xf32>,
    %get3A_1915 = vector.shape_cast %get3A_1914 : vector<16xf32> to vector<16xf32>
    %add3A_1916 = arith.addf %get3A_1912, %get3A_1915 : vector<16xf32>
    %swap3A_1917 = arith.constant 6 : i32
    %swap3A_1918 = arith.index_cast %swap3A_1917 : i32 to index
    %swap3A_1919 = arith.constant 96 : index
    %swap3A_1920 = tpu.vector_load %arg10[%swap3A_1918, %swap3A_1919] {strides = array<i32>} : memref<8x128xf32, #tpu.memory_space<vmem>>, vector<1x16xf32>,
    %swap3A_1921 = vector.shape_cast %swap3A_1920 : vector<1x16xf32> to vector<16xf32>
    %swap3A_1922 = vector.shape_cast %add3A_1916 : vector<16xf32> to vector<1x16xf32>
    tpu.vector_store %arg10[%swap3A_1918, %swap3A_1919], %swap3A_1922 {strides = array<i32>} : memref<8x128xf32, #tpu.memory_space<vmem>>, vector<1x16xf32>,
    %get3A_1923 = arith.constant 6 : i32
    %get3A_1924 = arith.index_cast %get3A_1923 : i32 to index
    %get3A_1925 = arith.constant 112 : index
    %get3A_1926 = tpu.vector_load %arg10[%get3A_1924, %get3A_1925] {strides = array<i32>} : memref<8x128xf32, #tpu.memory_space<vmem>>, vector<1x16xf32>,
    %get3A_1927 = vector.shape_cast %get3A_1926 : vector<1x16xf32> to vector<16xf32>
    %get3A_1928 = arith.constant 112 : index
    %get3A_1929 = tpu.vector_load %arg11[%get3A_1928] {strides = array<i32>} : memref<128xf32, #tpu.memory_space<vmem>>, vector<16xf32>,
    %get3A_1930 = vector.shape_cast %get3A_1929 : vector<16xf32> to vector<16xf32>
    %add3A_1931 = arith.addf %get3A_1927, %get3A_1930 : vector<16xf32>
    %swap3A_1932 = arith.constant 6 : i32
    %swap3A_1933 = arith.index_cast %swap3A_1932 : i32 to index
    %swap3A_1934 = arith.constant 112 : index
    %swap3A_1935 = tpu.vector_load %arg10[%swap3A_1933, %swap3A_1934] {strides = array<i32>} : memref<8x128xf32, #tpu.memory_space<vmem>>, vector<1x16xf32>,
    %swap3A_1936 = vector.shape_cast %swap3A_1935 : vector<1x16xf32> to vector<16xf32>
    %swap3A_1937 = vector.shape_cast %add3A_1931 : vector<16xf32> to vector<1x16xf32>
    tpu.vector_store %arg10[%swap3A_1933, %swap3A_1934], %swap3A_1937 {strides = array<i32>} : memref<8x128xf32, #tpu.memory_space<vmem>>, vector<1x16xf32>,
    %get3A_1938 = arith.constant 7 : i32
    %get3A_1939 = arith.index_cast %get3A_1938 : i32 to index
    %get3A_1940 = arith.constant 0 : index
    %get3A_1941 = tpu.vector_load %arg10[%get3A_1939, %get3A_1940] {strides = array<i32>} : memref<8x128xf32, #tpu.memory_space<vmem>>, vector<1x16xf32>,
    %get3A_1942 = vector.shape_cast %get3A_1941 : vector<1x16xf32> to vector<16xf32>
    %get3A_1943 = arith.constant 0 : index
    %get3A_1944 = tpu.vector_load %arg11[%get3A_1943] {strides = array<i32>} : memref<128xf32, #tpu.memory_space<vmem>>, vector<16xf32>,
    %get3A_1945 = vector.shape_cast %get3A_1944 : vector<16xf32> to vector<16xf32>
    %add3A_1946 = arith.addf %get3A_1942, %get3A_1945 : vector<16xf32>
    %swap3A_1947 = arith.constant 7 : i32
    %swap3A_1948 = arith.index_cast %swap3A_1947 : i32 to index
    %swap3A_1949 = arith.constant 0 : index
    %swap3A_1950 = tpu.vector_load %arg10[%swap3A_1948, %swap3A_1949] {strides = array<i32>} : memref<8x128xf32, #tpu.memory_space<vmem>>, vector<1x16xf32>,
    %swap3A_1951 = vector.shape_cast %swap3A_1950 : vector<1x16xf32> to vector<16xf32>
    %swap3A_1952 = vector.shape_cast %add3A_1946 : vector<16xf32> to vector<1x16xf32>
    tpu.vector_store %arg10[%swap3A_1948, %swap3A_1949], %swap3A_1952 {strides = array<i32>} : memref<8x128xf32, #tpu.memory_space<vmem>>, vector<1x16xf32>,
    %get3A_1953 = arith.constant 7 : i32
    %get3A_1954 = arith.index_cast %get3A_1953 : i32 to index
    %get3A_1955 = arith.constant 16 : index
    %get3A_1956 = tpu.vector_load %arg10[%get3A_1954, %get3A_1955] {strides = array<i32>} : memref<8x128xf32, #tpu.memory_space<vmem>>, vector<1x16xf32>,
    %get3A_1957 = vector.shape_cast %get3A_1956 : vector<1x16xf32> to vector<16xf32>
    %get3A_1958 = arith.constant 16 : index
    %get3A_1959 = tpu.vector_load %arg11[%get3A_1958] {strides = array<i32>} : memref<128xf32, #tpu.memory_space<vmem>>, vector<16xf32>,
    %get3A_1960 = vector.shape_cast %get3A_1959 : vector<16xf32> to vector<16xf32>
    %add3A_1961 = arith.addf %get3A_1957, %get3A_1960 : vector<16xf32>
    %swap3A_1962 = arith.constant 7 : i32
    %swap3A_1963 = arith.index_cast %swap3A_1962 : i32 to index
    %swap3A_1964 = arith.constant 16 : index
    %swap3A_1965 = tpu.vector_load %arg10[%swap3A_1963, %swap3A_1964] {strides = array<i32>} : memref<8x128xf32, #tpu.memory_space<vmem>>, vector<1x16xf32>,
    %swap3A_1966 = vector.shape_cast %swap3A_1965 : vector<1x16xf32> to vector<16xf32>
    %swap3A_1967 = vector.shape_cast %add3A_1961 : vector<16xf32> to vector<1x16xf32>
    tpu.vector_store %arg10[%swap3A_1963, %swap3A_1964], %swap3A_1967 {strides = array<i32>} : memref<8x128xf32, #tpu.memory_space<vmem>>, vector<1x16xf32>,
    %get3A_1968 = arith.constant 7 : i32
    %get3A_1969 = arith.index_cast %get3A_1968 : i32 to index
    %get3A_1970 = arith.constant 32 : index
    %get3A_1971 = tpu.vector_load %arg10[%get3A_1969, %get3A_1970] {strides = array<i32>} : memref<8x128xf32, #tpu.memory_space<vmem>>, vector<1x16xf32>,
    %get3A_1972 = vector.shape_cast %get3A_1971 : vector<1x16xf32> to vector<16xf32>
    %get3A_1973 = arith.constant 32 : index
    %get3A_1974 = tpu.vector_load %arg11[%get3A_1973] {strides = array<i32>} : memref<128xf32, #tpu.memory_space<vmem>>, vector<16xf32>,
    %get3A_1975 = vector.shape_cast %get3A_1974 : vector<16xf32> to vector<16xf32>
    %add3A_1976 = arith.addf %get3A_1972, %get3A_1975 : vector<16xf32>
    %swap3A_1977 = arith.constant 7 : i32
    %swap3A_1978 = arith.index_cast %swap3A_1977 : i32 to index
    %swap3A_1979 = arith.constant 32 : index
    %swap3A_1980 = tpu.vector_load %arg10[%swap3A_1978, %swap3A_1979] {strides = array<i32>} : memref<8x128xf32, #tpu.memory_space<vmem>>, vector<1x16xf32>,
    %swap3A_1981 = vector.shape_cast %swap3A_1980 : vector<1x16xf32> to vector<16xf32>
    %swap3A_1982 = vector.shape_cast %add3A_1976 : vector<16xf32> to vector<1x16xf32>
    tpu.vector_store %arg10[%swap3A_1978, %swap3A_1979], %swap3A_1982 {strides = array<i32>} : memref<8x128xf32, #tpu.memory_space<vmem>>, vector<1x16xf32>,
    %get3A_1983 = arith.constant 7 : i32
    %get3A_1984 = arith.index_cast %get3A_1983 : i32 to index
    %get3A_1985 = arith.constant 48 : index
    %get3A_1986 = tpu.vector_load %arg10[%get3A_1984, %get3A_1985] {strides = array<i32>} : memref<8x128xf32, #tpu.memory_space<vmem>>, vector<1x16xf32>,
    %get3A_1987 = vector.shape_cast %get3A_1986 : vector<1x16xf32> to vector<16xf32>
    %get3A_1988 = arith.constant 48 : index
    %get3A_1989 = tpu.vector_load %arg11[%get3A_1988] {strides = array<i32>} : memref<128xf32, #tpu.memory_space<vmem>>, vector<16xf32>,
    %get3A_1990 = vector.shape_cast %get3A_1989 : vector<16xf32> to vector<16xf32>
    %add3A_1991 = arith.addf %get3A_1987, %get3A_1990 : vector<16xf32>
    %swap3A_1992 = arith.constant 7 : i32
    %swap3A_1993 = arith.index_cast %swap3A_1992 : i32 to index
    %swap3A_1994 = arith.constant 48 : index
    %swap3A_1995 = tpu.vector_load %arg10[%swap3A_1993, %swap3A_1994] {strides = array<i32>} : memref<8x128xf32, #tpu.memory_space<vmem>>, vector<1x16xf32>,
    %swap3A_1996 = vector.shape_cast %swap3A_1995 : vector<1x16xf32> to vector<16xf32>
    %swap3A_1997 = vector.shape_cast %add3A_1991 : vector<16xf32> to vector<1x16xf32>
    tpu.vector_store %arg10[%swap3A_1993, %swap3A_1994], %swap3A_1997 {strides = array<i32>} : memref<8x128xf32, #tpu.memory_space<vmem>>, vector<1x16xf32>,
    %get3A_1998 = arith.constant 7 : i32
    %get3A_1999 = arith.index_cast %get3A_1998 : i32 to index
    %get3A_2000 = arith.constant 64 : index
    %get3A_2001 = tpu.vector_load %arg10[%get3A_1999, %get3A_2000] {strides = array<i32>} : memref<8x128xf32, #tpu.memory_space<vmem>>, vector<1x16xf32>,
    %get3A_2002 = vector.shape_cast %get3A_2001 : vector<1x16xf32> to vector<16xf32>
    %get3A_2003 = arith.constant 64 : index
    %get3A_2004 = tpu.vector_load %arg11[%get3A_2003] {strides = array<i32>} : memref<128xf32, #tpu.memory_space<vmem>>, vector<16xf32>,
    %get3A_2005 = vector.shape_cast %get3A_2004 : vector<16xf32> to vector<16xf32>
    %add3A_2006 = arith.addf %get3A_2002, %get3A_2005 : vector<16xf32>
    %swap3A_2007 = arith.constant 7 : i32
    %swap3A_2008 = arith.index_cast %swap3A_2007 : i32 to index
    %swap3A_2009 = arith.constant 64 : index
    %swap3A_2010 = tpu.vector_load %arg10[%swap3A_2008, %swap3A_2009] {strides = array<i32>} : memref<8x128xf32, #tpu.memory_space<vmem>>, vector<1x16xf32>,
    %swap3A_2011 = vector.shape_cast %swap3A_2010 : vector<1x16xf32> to vector<16xf32>
    %swap3A_2012 = vector.shape_cast %add3A_2006 : vector<16xf32> to vector<1x16xf32>
    tpu.vector_store %arg10[%swap3A_2008, %swap3A_2009], %swap3A_2012 {strides = array<i32>} : memref<8x128xf32, #tpu.memory_space<vmem>>, vector<1x16xf32>,
    %get3A_2013 = arith.constant 7 : i32
    %get3A_2014 = arith.index_cast %get3A_2013 : i32 to index
    %get3A_2015 = arith.constant 80 : index
    %get3A_2016 = tpu.vector_load %arg10[%get3A_2014, %get3A_2015] {strides = array<i32>} : memref<8x128xf32, #tpu.memory_space<vmem>>, vector<1x16xf32>,
    %get3A_2017 = vector.shape_cast %get3A_2016 : vector<1x16xf32> to vector<16xf32>
    %get3A_2018 = arith.constant 80 : index
    %get3A_2019 = tpu.vector_load %arg11[%get3A_2018] {strides = array<i32>} : memref<128xf32, #tpu.memory_space<vmem>>, vector<16xf32>,
    %get3A_2020 = vector.shape_cast %get3A_2019 : vector<16xf32> to vector<16xf32>
    %add3A_2021 = arith.addf %get3A_2017, %get3A_2020 : vector<16xf32>
    %swap3A_2022 = arith.constant 7 : i32
    %swap3A_2023 = arith.index_cast %swap3A_2022 : i32 to index
    %swap3A_2024 = arith.constant 80 : index
    %swap3A_2025 = tpu.vector_load %arg10[%swap3A_2023, %swap3A_2024] {strides = array<i32>} : memref<8x128xf32, #tpu.memory_space<vmem>>, vector<1x16xf32>,
    %swap3A_2026 = vector.shape_cast %swap3A_2025 : vector<1x16xf32> to vector<16xf32>
    %swap3A_2027 = vector.shape_cast %add3A_2021 : vector<16xf32> to vector<1x16xf32>
    tpu.vector_store %arg10[%swap3A_2023, %swap3A_2024], %swap3A_2027 {strides = array<i32>} : memref<8x128xf32, #tpu.memory_space<vmem>>, vector<1x16xf32>,
    %get3A_2028 = arith.constant 7 : i32
    %get3A_2029 = arith.index_cast %get3A_2028 : i32 to index
    %get3A_2030 = arith.constant 96 : index
    %get3A_2031 = tpu.vector_load %arg10[%get3A_2029, %get3A_2030] {strides = array<i32>} : memref<8x128xf32, #tpu.memory_space<vmem>>, vector<1x16xf32>,
    %get3A_2032 = vector.shape_cast %get3A_2031 : vector<1x16xf32> to vector<16xf32>
    %get3A_2033 = arith.constant 96 : index
    %get3A_2034 = tpu.vector_load %arg11[%get3A_2033] {strides = array<i32>} : memref<128xf32, #tpu.memory_space<vmem>>, vector<16xf32>,
    %get3A_2035 = vector.shape_cast %get3A_2034 : vector<16xf32> to vector<16xf32>
    %add3A_2036 = arith.addf %get3A_2032, %get3A_2035 : vector<16xf32>
    %swap3A_2037 = arith.constant 7 : i32
    %swap3A_2038 = arith.index_cast %swap3A_2037 : i32 to index
    %swap3A_2039 = arith.constant 96 : index
    %swap3A_2040 = tpu.vector_load %arg10[%swap3A_2038, %swap3A_2039] {strides = array<i32>} : memref<8x128xf32, #tpu.memory_space<vmem>>, vector<1x16xf32>,
    %swap3A_2041 = vector.shape_cast %swap3A_2040 : vector<1x16xf32> to vector<16xf32>
    %swap3A_2042 = vector.shape_cast %add3A_2036 : vector<16xf32> to vector<1x16xf32>
    tpu.vector_store %arg10[%swap3A_2038, %swap3A_2039], %swap3A_2042 {strides = array<i32>} : memref<8x128xf32, #tpu.memory_space<vmem>>, vector<1x16xf32>,
    %get3A_2043 = arith.constant 7 : i32
    %get3A_2044 = arith.index_cast %get3A_2043 : i32 to index
    %get3A_2045 = arith.constant 112 : index
    %get3A_2046 = tpu.vector_load %arg10[%get3A_2044, %get3A_2045] {strides = array<i32>} : memref<8x128xf32, #tpu.memory_space<vmem>>, vector<1x16xf32>,
    %get3A_2047 = vector.shape_cast %get3A_2046 : vector<1x16xf32> to vector<16xf32>
    %get3A_2048 = arith.constant 112 : index
    %get3A_2049 = tpu.vector_load %arg11[%get3A_2048] {strides = array<i32>} : memref<128xf32, #tpu.memory_space<vmem>>, vector<16xf32>,
    %get3A_2050 = vector.shape_cast %get3A_2049 : vector<16xf32> to vector<16xf32>
    %add3A_2051 = arith.addf %get3A_2047, %get3A_2050 : vector<16xf32>
    %swap3A_2052 = arith.constant 7 : i32
    %swap3A_2053 = arith.index_cast %swap3A_2052 : i32 to index
    %swap3A_2054 = arith.constant 112 : index
    %swap3A_2055 = tpu.vector_load %arg10[%swap3A_2053, %swap3A_2054] {strides = array<i32>} : memref<8x128xf32, #tpu.memory_space<vmem>>, vector<1x16xf32>,
    %swap3A_2056 = vector.shape_cast %swap3A_2055 : vector<1x16xf32> to vector<16xf32>
    %swap3A_2057 = vector.shape_cast %add3A_2051 : vector<16xf32> to vector<1x16xf32>
    tpu.vector_store %arg10[%swap3A_2053, %swap3A_2054], %swap3A_2057 {strides = array<i32>} : memref<8x128xf32, #tpu.memory_space<vmem>>, vector<1x16xf32>,
    %mul3A_2058 = arith.constant 8 : i32
    %mul3A_2059 = arith.muli %arg1, %mul3A_2058 : i32
    "tpu.region"() ({
      %run_scoped3A = tpu.sem_alloc : memref<!tpu.dma_semaphore, #tpu.memory_space<semaphore_mem>>
      %dma_start3A_2069 = arith.constant 0 : i32
      %dma_start3A_2070 = tpu.memref_slice %arg12[%mul3A_2059, %dma_start3A_2069] : memref<128x128xf32, #tpu.memory_space<vmem_shared>> -> memref<8x128xf32, #tpu.memory_space<vmem_shared>>
      %dma_start3A_2071 = arith.constant 0 : i32
      %dma_start3A_2072 = tpu.memref_slice %arg12[%mul3A_2059, %dma_start3A_2071] : memref<128x128xf32, #tpu.memory_space<vmem_shared>> -> memref<8x128xf32, #tpu.memory_space<vmem_shared>>
      tpu.enqueue_dma source(%arg10 : memref<8x128xf32, #tpu.memory_space<vmem>>) target(%dma_start3A_2072 : memref<8x128xf32, #tpu.memory_space<vmem_shared>>) target_semaphore(%run_scoped3A : memref<!tpu.dma_semaphore, #tpu.memory_space<semaphore_mem>>)
      %dma_wait3A_2073 = arith.constant 0 : i32
      %dma_wait3A_2074 = tpu.memref_slice %arg12[%mul3A_2059, %dma_wait3A_2073] : memref<128x128xf32, #tpu.memory_space<vmem_shared>> -> memref<8x128xf32, #tpu.memory_space<vmem_shared>>
      %dma_wait3A_2075 = arith.constant 0 : i32
      %dma_wait3A_2076 = tpu.memref_slice %arg12[%mul3A_2059, %dma_wait3A_2075] : memref<128x128xf32, #tpu.memory_space<vmem_shared>> -> memref<8x128xf32, #tpu.memory_space<vmem_shared>>
      tpu.wait_dma2 semaphore(%run_scoped3A : memref<!tpu.dma_semaphore, #tpu.memory_space<semaphore_mem>>) src(%arg10 : memref<8x128xf32, #tpu.memory_space<vmem>>) dst(%dma_wait3A_2076 : memref<8x128xf32, #tpu.memory_space<vmem_shared>>)
      tpu.yield
    }) : () -> ()
    %barrier3A = arith.constant 0 : index
    tpu.barrier barrier_id(%barrier3A)
    %gt3A = arith.constant 0 : i32
    %gt3A_2060 = arith.cmpi sgt, %select_n3A, %gt3A : i32
    %convert_element_type3A_2061 = arith.extui %gt3A_2060 : i1 to i32
    %cond3A_2062 = arith.constant 0 : i32
    %cond3A_2063 = arith.cmpi ne, %convert_element_type3A_2061, %cond3A_2062 : i32
    scf.if %cond3A_2063 {
      %dma_start3A_2069 = arith.constant 0 : i32
      %dma_start3A_2070 = arith.constant 0 : i32
      %dma_start3A_2071 = tpu.memref_slice %arg7[%dma_start3A_2069, %dma_start3A_2070] : memref<400x128xf32, #tpu.memory_space<vmem>> -> memref<128x128xf32, #tpu.memory_space<vmem>>
      %dma_start3A_2072 = arith.constant 0 : i32
      %dma_start3A_2073 = tpu.memref_slice %arg6[%dma_start3A_2072] : memref<3200xi32, #tpu.memory_space<vmem>> -> memref<128xi32, #tpu.memory_space<vmem>>
      %dma_start3A_2074 = arith.constant 0 : i32
      %dma_start3A_2075 = arith.constant 0 : i32
      %dma_start3A_2076 = tpu.memref_slice %arg12[%dma_start3A_2074, %dma_start3A_2075] : memref<128x128xf32, #tpu.memory_space<vmem_shared>> -> memref<128x128xf32, #tpu.memory_space<vmem_shared>>
      tpu.enqueue_indirect_dma source(%dma_start3A_2076 : memref<128x128xf32, #tpu.memory_space<vmem_shared>>) target(%dma_start3A_2071 : memref<128x128xf32, #tpu.memory_space<vmem>>) offsets(%dma_start3A_2073 : memref<128xi32, #tpu.memory_space<vmem>>) semaphore(%arg13 : memref<!tpu.dma_semaphore, #tpu.memory_space<semaphore_mem>>)
      %dma_start3A_2077 = arith.constant 128 : i32
      %dma_start3A_2078 = arith.constant 0 : i32
      %dma_start3A_2079 = tpu.memref_slice %arg7[%dma_start3A_2077, %dma_start3A_2078] : memref<400x128xf32, #tpu.memory_space<vmem>> -> memref<128x128xf32, #tpu.memory_space<vmem>>
      %dma_start3A_2080 = arith.constant 128 : i32
      %dma_start3A_2081 = tpu.memref_slice %arg6[%dma_start3A_2080] : memref<3200xi32, #tpu.memory_space<vmem>> -> memref<128xi32, #tpu.memory_space<vmem>>
      %dma_start3A_2082 = arith.constant 0 : i32
      %dma_start3A_2083 = arith.constant 0 : i32
      %dma_start3A_2084 = tpu.memref_slice %arg12[%dma_start3A_2082, %dma_start3A_2083] : memref<128x128xf32, #tpu.memory_space<vmem_shared>> -> memref<128x128xf32, #tpu.memory_space<vmem_shared>>
      tpu.enqueue_indirect_dma source(%dma_start3A_2084 : memref<128x128xf32, #tpu.memory_space<vmem_shared>>) target(%dma_start3A_2079 : memref<128x128xf32, #tpu.memory_space<vmem>>) offsets(%dma_start3A_2081 : memref<128xi32, #tpu.memory_space<vmem>>) semaphore(%arg13 : memref<!tpu.dma_semaphore, #tpu.memory_space<semaphore_mem>>)
      %dma_start3A_2085 = arith.constant 256 : i32
      %dma_start3A_2086 = arith.constant 0 : i32
      %dma_start3A_2087 = tpu.memref_slice %arg7[%dma_start3A_2085, %dma_start3A_2086] : memref<400x128xf32, #tpu.memory_space<vmem>> -> memref<128x128xf32, #tpu.memory_space<vmem>>
      %dma_start3A_2088 = arith.constant 256 : i32
      %dma_start3A_2089 = tpu.memref_slice %arg6[%dma_start3A_2088] : memref<3200xi32, #tpu.memory_space<vmem>> -> memref<128xi32, #tpu.memory_space<vmem>>
      %dma_start3A_2090 = arith.constant 0 : i32
      %dma_start3A_2091 = arith.constant 0 : i32
      %dma_start3A_2092 = tpu.memref_slice %arg12[%dma_start3A_2090, %dma_start3A_2091] : memref<128x128xf32, #tpu.memory_space<vmem_shared>> -> memref<128x128xf32, #tpu.memory_space<vmem_shared>>
      tpu.enqueue_indirect_dma source(%dma_start3A_2092 : memref<128x128xf32, #tpu.memory_space<vmem_shared>>) target(%dma_start3A_2087 : memref<128x128xf32, #tpu.memory_space<vmem>>) offsets(%dma_start3A_2089 : memref<128xi32, #tpu.memory_space<vmem>>) semaphore(%arg13 : memref<!tpu.dma_semaphore, #tpu.memory_space<semaphore_mem>>)
      %dma_start3A_2093 = arith.constant 384 : i32
      %dma_start3A_2094 = arith.constant 0 : i32
      %dma_start3A_2095 = tpu.memref_slice %arg7[%dma_start3A_2093, %dma_start3A_2094] : memref<400x128xf32, #tpu.memory_space<vmem>> -> memref<16x128xf32, #tpu.memory_space<vmem>>
      %dma_start3A_2096 = arith.constant 384 : i32
      %dma_start3A_2097 = tpu.memref_slice %arg6[%dma_start3A_2096] : memref<3200xi32, #tpu.memory_space<vmem>> -> memref<16xi32, #tpu.memory_space<vmem>>
      %dma_start3A_2098 = arith.constant 0 : i32
      %dma_start3A_2099 = arith.constant 0 : i32
      %dma_start3A_2100 = tpu.memref_slice %arg12[%dma_start3A_2098, %dma_start3A_2099] : memref<128x128xf32, #tpu.memory_space<vmem_shared>> -> memref<128x128xf32, #tpu.memory_space<vmem_shared>>
      tpu.enqueue_indirect_dma source(%dma_start3A_2100 : memref<128x128xf32, #tpu.memory_space<vmem_shared>>) target(%dma_start3A_2095 : memref<16x128xf32, #tpu.memory_space<vmem>>) offsets(%dma_start3A_2097 : memref<16xi32, #tpu.memory_space<vmem>>) semaphore(%arg13 : memref<!tpu.dma_semaphore, #tpu.memory_space<semaphore_mem>>)
    } else {
    }
    %scan3A = arith.constant 0 : i32
    %scan3A_2064 = arith.constant 0 : i32
    %scan3A_2065 = arith.constant 4 : i32
    %scan3A_2066 = arith.addi %scan3A_2064, %scan3A_2065 : i32
    %scan3A_2067 = arith.constant 1 : i32
    scf.for %scan3A_2069 = %scan3A_2064 to %scan3A_2066 step %scan3A_2067  : i32 {
      %mul3A_2070 = arith.constant 2 : i32
      %mul3A_2071 = arith.muli %mul3A_2070, %scan3A_2069 : i32
      %add3A_2072 = arith.constant 1 : i32
      %add3A_2073 = arith.addi %mul3A_2071, %add3A_2072 : i32
      %lt3A_2074 = arith.cmpi slt, %add3A_2073, %select_n3A : i32
      %convert_element_type3A_2075 = arith.extui %lt3A_2074 : i1 to i32
      %cond3A_2076 = arith.constant 0 : i32
      %cond3A_2077 = arith.cmpi ne, %convert_element_type3A_2075, %cond3A_2076 : i32
      scf.if %cond3A_2077 {
        %mul3A_2096 = arith.constant 400 : i32
        %mul3A_2097 = arith.muli %add3A_2073, %mul3A_2096 : i32
        %add3A_2098 = arith.constant 0 : i32
        %add3A_2099 = arith.addi %mul3A_2097, %add3A_2098 : i32
        %mul3A_2100 = arith.constant 1 : i32
        %mul3A_2101 = arith.muli %add3A_2099, %mul3A_2100 : i32
        %dma_start3A_2102 = arith.constant 0 : i32
        %dma_start3A_2103 = arith.constant 0 : i32
        %dma_start3A_2104 = tpu.memref_slice %arg8[%dma_start3A_2102, %dma_start3A_2103] : memref<400x128xf32, #tpu.memory_space<vmem>> -> memref<128x128xf32, #tpu.memory_space<vmem>>
        %dma_start3A_2105 = tpu.memref_slice %arg6[%mul3A_2101] : memref<3200xi32, #tpu.memory_space<vmem>> -> memref<128xi32, #tpu.memory_space<vmem>>
        %dma_start3A_2106 = arith.constant 0 : i32
        %dma_start3A_2107 = arith.constant 0 : i32
        %dma_start3A_2108 = tpu.memref_slice %arg12[%dma_start3A_2106, %dma_start3A_2107] : memref<128x128xf32, #tpu.memory_space<vmem_shared>> -> memref<128x128xf32, #tpu.memory_space<vmem_shared>>
        tpu.enqueue_indirect_dma source(%dma_start3A_2108 : memref<128x128xf32, #tpu.memory_space<vmem_shared>>) target(%dma_start3A_2104 : memref<128x128xf32, #tpu.memory_space<vmem>>) offsets(%dma_start3A_2105 : memref<128xi32, #tpu.memory_space<vmem>>) semaphore(%arg14 : memref<!tpu.dma_semaphore, #tpu.memory_space<semaphore_mem>>)
        %mul3A_2109 = arith.constant 400 : i32
        %mul3A_2110 = arith.muli %add3A_2073, %mul3A_2109 : i32
        %add3A_2111 = arith.constant 128 : i32
        %add3A_2112 = arith.addi %mul3A_2110, %add3A_2111 : i32
        %mul3A_2113 = arith.constant 1 : i32
        %mul3A_2114 = arith.muli %add3A_2112, %mul3A_2113 : i32
        %dma_start3A_2115 = arith.constant 128 : i32
        %dma_start3A_2116 = arith.constant 0 : i32
        %dma_start3A_2117 = tpu.memref_slice %arg8[%dma_start3A_2115, %dma_start3A_2116] : memref<400x128xf32, #tpu.memory_space<vmem>> -> memref<128x128xf32, #tpu.memory_space<vmem>>
        %dma_start3A_2118 = tpu.memref_slice %arg6[%mul3A_2114] : memref<3200xi32, #tpu.memory_space<vmem>> -> memref<128xi32, #tpu.memory_space<vmem>>
        %dma_start3A_2119 = arith.constant 0 : i32
        %dma_start3A_2120 = arith.constant 0 : i32
        %dma_start3A_2121 = tpu.memref_slice %arg12[%dma_start3A_2119, %dma_start3A_2120] : memref<128x128xf32, #tpu.memory_space<vmem_shared>> -> memref<128x128xf32, #tpu.memory_space<vmem_shared>>
        tpu.enqueue_indirect_dma source(%dma_start3A_2121 : memref<128x128xf32, #tpu.memory_space<vmem_shared>>) target(%dma_start3A_2117 : memref<128x128xf32, #tpu.memory_space<vmem>>) offsets(%dma_start3A_2118 : memref<128xi32, #tpu.memory_space<vmem>>) semaphore(%arg14 : memref<!tpu.dma_semaphore, #tpu.memory_space<semaphore_mem>>)
        %mul3A_2122 = arith.constant 400 : i32
        %mul3A_2123 = arith.muli %add3A_2073, %mul3A_2122 : i32
        %add3A_2124 = arith.constant 256 : i32
        %add3A_2125 = arith.addi %mul3A_2123, %add3A_2124 : i32
        %mul3A_2126 = arith.constant 1 : i32
        %mul3A_2127 = arith.muli %add3A_2125, %mul3A_2126 : i32
        %dma_start3A_2128 = arith.constant 256 : i32
        %dma_start3A_2129 = arith.constant 0 : i32
        %dma_start3A_2130 = tpu.memref_slice %arg8[%dma_start3A_2128, %dma_start3A_2129] : memref<400x128xf32, #tpu.memory_space<vmem>> -> memref<128x128xf32, #tpu.memory_space<vmem>>
        %dma_start3A_2131 = tpu.memref_slice %arg6[%mul3A_2127] : memref<3200xi32, #tpu.memory_space<vmem>> -> memref<128xi32, #tpu.memory_space<vmem>>
        %dma_start3A_2132 = arith.constant 0 : i32
        %dma_start3A_2133 = arith.constant 0 : i32
        %dma_start3A_2134 = tpu.memref_slice %arg12[%dma_start3A_2132, %dma_start3A_2133] : memref<128x128xf32, #tpu.memory_space<vmem_shared>> -> memref<128x128xf32, #tpu.memory_space<vmem_shared>>
        tpu.enqueue_indirect_dma source(%dma_start3A_2134 : memref<128x128xf32, #tpu.memory_space<vmem_shared>>) target(%dma_start3A_2130 : memref<128x128xf32, #tpu.memory_space<vmem>>) offsets(%dma_start3A_2131 : memref<128xi32, #tpu.memory_space<vmem>>) semaphore(%arg14 : memref<!tpu.dma_semaphore, #tpu.memory_space<semaphore_mem>>)
        %mul3A_2135 = arith.constant 400 : i32
        %mul3A_2136 = arith.muli %add3A_2073, %mul3A_2135 : i32
        %add3A_2137 = arith.constant 384 : i32
        %add3A_2138 = arith.addi %mul3A_2136, %add3A_2137 : i32
        %mul3A_2139 = arith.constant 1 : i32
        %mul3A_2140 = arith.muli %add3A_2138, %mul3A_2139 : i32
        %dma_start3A_2141 = arith.constant 384 : i32
        %dma_start3A_2142 = arith.constant 0 : i32
        %dma_start3A_2143 = tpu.memref_slice %arg8[%dma_start3A_2141, %dma_start3A_2142] : memref<400x128xf32, #tpu.memory_space<vmem>> -> memref<16x128xf32, #tpu.memory_space<vmem>>
        %dma_start3A_2144 = tpu.memref_slice %arg6[%mul3A_2140] : memref<3200xi32, #tpu.memory_space<vmem>> -> memref<16xi32, #tpu.memory_space<vmem>>
        %dma_start3A_2145 = arith.constant 0 : i32
        %dma_start3A_2146 = arith.constant 0 : i32
        %dma_start3A_2147 = tpu.memref_slice %arg12[%dma_start3A_2145, %dma_start3A_2146] : memref<128x128xf32, #tpu.memory_space<vmem_shared>> -> memref<128x128xf32, #tpu.memory_space<vmem_shared>>
        tpu.enqueue_indirect_dma source(%dma_start3A_2147 : memref<128x128xf32, #tpu.memory_space<vmem_shared>>) target(%dma_start3A_2143 : memref<16x128xf32, #tpu.memory_space<vmem>>) offsets(%dma_start3A_2144 : memref<16xi32, #tpu.memory_space<vmem>>) semaphore(%arg14 : memref<!tpu.dma_semaphore, #tpu.memory_space<semaphore_mem>>)
      } else {
      }
      %add3A_2078 = arith.addi %add3A_4, %mul3A_2071 : i32
      %lt3A_2079 = arith.cmpi slt, %mul3A_2071, %select_n3A : i32
      %convert_element_type3A_2080 = arith.extui %lt3A_2079 : i1 to i32
      %cond3A_2081 = arith.constant 0 : i32
      %cond3A_2082 = arith.cmpi ne, %convert_element_type3A_2080, %cond3A_2081 : i32
      scf.if %cond3A_2082 {
        %mul3A_2096 = arith.constant 400 : i32
        %mul3A_2097 = arith.muli %add3A_2078, %mul3A_2096 : i32
        %dma_wait3A_2098 = arith.constant 0 : i32
        %dma_wait3A_2099 = tpu.memref_slice %arg5[%mul3A_2097, %dma_wait3A_2098] : memref<100000x128xf32, #tpu.memory_space<hbm>> -> memref<400x128xf32, #tpu.memory_space<hbm>>
        %dma_wait3A_2100 = arith.constant 0 : i32
        %dma_wait3A_2101 = tpu.memref_slice %arg5[%mul3A_2097, %dma_wait3A_2100] : memref<100000x128xf32, #tpu.memory_space<hbm>> -> memref<400x128xf32, #tpu.memory_space<hbm>>
        tpu.wait_dma2 semaphore(%arg13 : memref<!tpu.dma_semaphore, #tpu.memory_space<semaphore_mem>>) src(%dma_wait3A_2101 : memref<400x128xf32, #tpu.memory_space<hbm>>) dst(%arg7 : memref<400x128xf32, #tpu.memory_space<vmem>>)
      } else {
      }
      %add3A_2083 = arith.constant 2 : i32
      %add3A_2084 = arith.addi %mul3A_2071, %add3A_2083 : i32
      %lt3A_2085 = arith.cmpi slt, %add3A_2084, %select_n3A : i32
      %convert_element_type3A_2086 = arith.extui %lt3A_2085 : i1 to i32
      %cond3A_2087 = arith.constant 0 : i32
      %cond3A_2088 = arith.cmpi ne, %convert_element_type3A_2086, %cond3A_2087 : i32
      scf.if %cond3A_2088 {
        %mul3A_2096 = arith.constant 400 : i32
        %mul3A_2097 = arith.muli %add3A_2084, %mul3A_2096 : i32
        %add3A_2098 = arith.constant 0 : i32
        %add3A_2099 = arith.addi %mul3A_2097, %add3A_2098 : i32
        %mul3A_2100 = arith.constant 1 : i32
        %mul3A_2101 = arith.muli %add3A_2099, %mul3A_2100 : i32
        %dma_start3A_2102 = arith.constant 0 : i32
        %dma_start3A_2103 = arith.constant 0 : i32
        %dma_start3A_2104 = tpu.memref_slice %arg7[%dma_start3A_2102, %dma_start3A_2103] : memref<400x128xf32, #tpu.memory_space<vmem>> -> memref<128x128xf32, #tpu.memory_space<vmem>>
        %dma_start3A_2105 = tpu.memref_slice %arg6[%mul3A_2101] : memref<3200xi32, #tpu.memory_space<vmem>> -> memref<128xi32, #tpu.memory_space<vmem>>
        %dma_start3A_2106 = arith.constant 0 : i32
        %dma_start3A_2107 = arith.constant 0 : i32
        %dma_start3A_2108 = tpu.memref_slice %arg12[%dma_start3A_2106, %dma_start3A_2107] : memref<128x128xf32, #tpu.memory_space<vmem_shared>> -> memref<128x128xf32, #tpu.memory_space<vmem_shared>>
        tpu.enqueue_indirect_dma source(%dma_start3A_2108 : memref<128x128xf32, #tpu.memory_space<vmem_shared>>) target(%dma_start3A_2104 : memref<128x128xf32, #tpu.memory_space<vmem>>) offsets(%dma_start3A_2105 : memref<128xi32, #tpu.memory_space<vmem>>) semaphore(%arg13 : memref<!tpu.dma_semaphore, #tpu.memory_space<semaphore_mem>>)
        %mul3A_2109 = arith.constant 400 : i32
        %mul3A_2110 = arith.muli %add3A_2084, %mul3A_2109 : i32
        %add3A_2111 = arith.constant 128 : i32
        %add3A_2112 = arith.addi %mul3A_2110, %add3A_2111 : i32
        %mul3A_2113 = arith.constant 1 : i32
        %mul3A_2114 = arith.muli %add3A_2112, %mul3A_2113 : i32
        %dma_start3A_2115 = arith.constant 128 : i32
        %dma_start3A_2116 = arith.constant 0 : i32
        %dma_start3A_2117 = tpu.memref_slice %arg7[%dma_start3A_2115, %dma_start3A_2116] : memref<400x128xf32, #tpu.memory_space<vmem>> -> memref<128x128xf32, #tpu.memory_space<vmem>>
        %dma_start3A_2118 = tpu.memref_slice %arg6[%mul3A_2114] : memref<3200xi32, #tpu.memory_space<vmem>> -> memref<128xi32, #tpu.memory_space<vmem>>
        %dma_start3A_2119 = arith.constant 0 : i32
        %dma_start3A_2120 = arith.constant 0 : i32
        %dma_start3A_2121 = tpu.memref_slice %arg12[%dma_start3A_2119, %dma_start3A_2120] : memref<128x128xf32, #tpu.memory_space<vmem_shared>> -> memref<128x128xf32, #tpu.memory_space<vmem_shared>>
        tpu.enqueue_indirect_dma source(%dma_start3A_2121 : memref<128x128xf32, #tpu.memory_space<vmem_shared>>) target(%dma_start3A_2117 : memref<128x128xf32, #tpu.memory_space<vmem>>) offsets(%dma_start3A_2118 : memref<128xi32, #tpu.memory_space<vmem>>) semaphore(%arg13 : memref<!tpu.dma_semaphore, #tpu.memory_space<semaphore_mem>>)
        %mul3A_2122 = arith.constant 400 : i32
        %mul3A_2123 = arith.muli %add3A_2084, %mul3A_2122 : i32
        %add3A_2124 = arith.constant 256 : i32
        %add3A_2125 = arith.addi %mul3A_2123, %add3A_2124 : i32
        %mul3A_2126 = arith.constant 1 : i32
        %mul3A_2127 = arith.muli %add3A_2125, %mul3A_2126 : i32
        %dma_start3A_2128 = arith.constant 256 : i32
        %dma_start3A_2129 = arith.constant 0 : i32
        %dma_start3A_2130 = tpu.memref_slice %arg7[%dma_start3A_2128, %dma_start3A_2129] : memref<400x128xf32, #tpu.memory_space<vmem>> -> memref<128x128xf32, #tpu.memory_space<vmem>>
        %dma_start3A_2131 = tpu.memref_slice %arg6[%mul3A_2127] : memref<3200xi32, #tpu.memory_space<vmem>> -> memref<128xi32, #tpu.memory_space<vmem>>
        %dma_start3A_2132 = arith.constant 0 : i32
        %dma_start3A_2133 = arith.constant 0 : i32
        %dma_start3A_2134 = tpu.memref_slice %arg12[%dma_start3A_2132, %dma_start3A_2133] : memref<128x128xf32, #tpu.memory_space<vmem_shared>> -> memref<128x128xf32, #tpu.memory_space<vmem_shared>>
        tpu.enqueue_indirect_dma source(%dma_start3A_2134 : memref<128x128xf32, #tpu.memory_space<vmem_shared>>) target(%dma_start3A_2130 : memref<128x128xf32, #tpu.memory_space<vmem>>) offsets(%dma_start3A_2131 : memref<128xi32, #tpu.memory_space<vmem>>) semaphore(%arg13 : memref<!tpu.dma_semaphore, #tpu.memory_space<semaphore_mem>>)
        %mul3A_2135 = arith.constant 400 : i32
        %mul3A_2136 = arith.muli %add3A_2084, %mul3A_2135 : i32
        %add3A_2137 = arith.constant 384 : i32
        %add3A_2138 = arith.addi %mul3A_2136, %add3A_2137 : i32
        %mul3A_2139 = arith.constant 1 : i32
        %mul3A_2140 = arith.muli %add3A_2138, %mul3A_2139 : i32
        %dma_start3A_2141 = arith.constant 384 : i32
        %dma_start3A_2142 = arith.constant 0 : i32
        %dma_start3A_2143 = tpu.memref_slice %arg7[%dma_start3A_2141, %dma_start3A_2142] : memref<400x128xf32, #tpu.memory_space<vmem>> -> memref<16x128xf32, #tpu.memory_space<vmem>>
        %dma_start3A_2144 = tpu.memref_slice %arg6[%mul3A_2140] : memref<3200xi32, #tpu.memory_space<vmem>> -> memref<16xi32, #tpu.memory_space<vmem>>
        %dma_start3A_2145 = arith.constant 0 : i32
        %dma_start3A_2146 = arith.constant 0 : i32
        %dma_start3A_2147 = tpu.memref_slice %arg12[%dma_start3A_2145, %dma_start3A_2146] : memref<128x128xf32, #tpu.memory_space<vmem_shared>> -> memref<128x128xf32, #tpu.memory_space<vmem_shared>>
        tpu.enqueue_indirect_dma source(%dma_start3A_2147 : memref<128x128xf32, #tpu.memory_space<vmem_shared>>) target(%dma_start3A_2143 : memref<16x128xf32, #tpu.memory_space<vmem>>) offsets(%dma_start3A_2144 : memref<16xi32, #tpu.memory_space<vmem>>) semaphore(%arg13 : memref<!tpu.dma_semaphore, #tpu.memory_space<semaphore_mem>>)
      } else {
      }
      %add3A_2089 = arith.constant 1 : i32
      %add3A_2090 = arith.addi %mul3A_2071, %add3A_2089 : i32
      %add3A_2091 = arith.addi %add3A_4, %add3A_2090 : i32
      %lt3A_2092 = arith.cmpi slt, %add3A_2090, %select_n3A : i32
      %convert_element_type3A_2093 = arith.extui %lt3A_2092 : i1 to i32
      %cond3A_2094 = arith.constant 0 : i32
      %cond3A_2095 = arith.cmpi ne, %convert_element_type3A_2093, %cond3A_2094 : i32
      scf.if %cond3A_2095 {
        %mul3A_2096 = arith.constant 400 : i32
        %mul3A_2097 = arith.muli %add3A_2091, %mul3A_2096 : i32
        %dma_wait3A_2098 = arith.constant 0 : i32
        %dma_wait3A_2099 = tpu.memref_slice %arg5[%mul3A_2097, %dma_wait3A_2098] : memref<100000x128xf32, #tpu.memory_space<hbm>> -> memref<400x128xf32, #tpu.memory_space<hbm>>
        %dma_wait3A_2100 = arith.constant 0 : i32
        %dma_wait3A_2101 = tpu.memref_slice %arg5[%mul3A_2097, %dma_wait3A_2100] : memref<100000x128xf32, #tpu.memory_space<hbm>> -> memref<400x128xf32, #tpu.memory_space<hbm>>
        tpu.wait_dma2 semaphore(%arg14 : memref<!tpu.dma_semaphore, #tpu.memory_space<semaphore_mem>>) src(%dma_wait3A_2101 : memref<400x128xf32, #tpu.memory_space<hbm>>) dst(%arg8 : memref<400x128xf32, #tpu.memory_space<vmem>>)
      } else {
      }
    }
    %scan3A_2068 = arith.constant 4 : i32
    return
  }
}

</mosaic_0001>

<sc_bundles>
// kernel: kernel.3.cloned.1.call-start
scs
__scs_entry_jumppad:
0x0: {  	(pc) =	sbr.rel $0x88, $3  }
0x1: {  	(tag) =	ssettag $0x0;
	lr =	simm.s32 $0x1  }
0x2: {  	[smem:$0x3F9E] =	sst lr;
	_ =	strace $0xD0000000  }
0x3: {  	_ = 	snop  }
0x4: {  	_ = 	snop  }
0x5: {  	_ = 	snop  }
0x6: {  	_ = 	snop  }
0x7: {  	_ = 	snop  }
__scs_overlays_trampoline_lowered:
0x8: {  	[smem:$0x3FAD] =	sst s0  }
0x9: {  	[smem:$0x3FAE] =	sst s1  }
0xa: {  	[smem:$0x3FAF] =	sst s2  }
0xb: {  	[smem:$0x3FB0] =	sst s3  }
0xc: {  	[smem:$0x3FB1] =	sst s4  }
0xd: {  	[smem:$0x3FB2] =	sst s5  }
0xe: {  	[smem:$0x3FB3] =	sst s6  }
0xf: {  	[smem:$0x3FB4] =	sst s7  }
0x10: {  	[smem:$0x3FB5] =	sst s8  }
0x11: {  	[smem:$0x3FB6] =	sst s9;
	s0 =	simm.s32 @!p0 $0x0  }
0x12: {  	s1 =	sld [smem:$0x3F9C];
	s0 =	simm.s32 @p0 $0x1  }
0x13: {  	[smem:$0x3FB7] =	sst s0;
	s0 =	simm.s32 @!p1 $0x0  }
0x14: {  	s2 =	sld [smem:$0x3F9B];
	s0 =	simm.s32 @p1 $0x1  }
0x15: {  	[smem:$0x3FB8] =	sst s0;
	s0 =	simm.s32 @!p2 $0x0  }
0x16: {  	s3 =	sld [smem:$0x3FDB];
	s0 =	simm.s32 @p2 $0x1  }
0x17: {  	s4 =	simm.s32 $0x1BF5;
	[smem:$0x3FBA] =	sst s0  }
0x18: {  	s0 =	sld [smem:$0x3F9D];
	_ =	swait.ge [sflag:s4], $0x0  }
0x19: {  	s7 =	sld [smem:$0x3F9E]  }
0x1a: {  	s8 =	sadd.s32 $0xFFFFE003, lr  }
0x1b: {  	s9 =	sadd.s32 $0xFFFFFEF7, lr;
	s5 =	simm.s32 $0xFFFFFFFF;
	p2 =	slt.u32 s8, $0xFFFFF086  }
0x1c: {  	p1 =	slt.u32 s9, $0xF7A;
	s5 =	simm.s32 @!p2 $0x0  }
0x1d: {  	s5 =	simm.s32 @p1 $0x1;
	p0 =	seq.s32 s7, s2  }
0x1e: {  	s7 =	smul.u32 @!p0 $0xF7A, s2;
	p2 =	seq.s32 @!p0 s5, $0x0  }
0x1f: {  	s9 =	smul.u32 $0xF7A, s1;
	s8 =	simm.s32 @!p0 $0x1BF5;
	p2 =	por !p2, p0  }
0x20: {  	[sflag:s8] =	ssyncset.s32 @!p0 $0xFFFFF086;
	s6 =	sadd.s32 @!p0 s3, s7;
	s7 =	simm.s32 @!p0 $0x108  }
0x21: {  	s3 =	sadd.s32 s3, s9;
	s6 =	sadd.s32 @!p0 $0x88, s6;
	s7 =	simm.s32 @p2 $0x1082  }
0x22: {  	[simem:s7], [sflag:s8] =	dma.local @!p0 [hbm:s6], $0xF7A  }
0x23: {  	s9 =	sor.u32 $0xD0000000, s2;
	s6 =	simm.s32 $0x108;
	_ =	swait.ge @!p0 [sflag:s8], $0x0  }
0x24: {  	s3 =	sadd.s32 $0x88, s3;
	s6 =	simm.s32 @!p1 $0x1082;
	[sflag:s4] =	ssyncset.s32 $0xFFFFF086  }
0x25: {  	[simem:s6], [sflag:s4] =	dma.local [hbm:s3], $0xF7A  }
0x26: {  	[smem:$0x3F9E] =	sst s1;
	(tag) =	ssettag s2;
	_ =	strace s9  }
0x27: {  	s1 =	sld [smem:$0x3FAE]  }
0x28: {  	s2 =	sld [smem:$0x3FAF]  }
0x29: {  	s4 =	sld [smem:$0x3FB1]  }
0x2a: {  	p0 =	seq.s32 s5, $0x0;
	s5 =	sld [smem:$0x3FB2]  }
0x2b: {  	s6 =	sld [smem:$0x3FB3]  }
0x2c: {  	s7 =	sld [smem:$0x3FB4]  }
0x2d: {  	s3 =	simm.s32 $0x108;
	s8 =	sld [smem:$0x3FB5]  }
0x2e: {  	s3 =	simm.s32 @!p0 $0x1082;
	s9 =	sld [smem:$0x3FB6]  }
0x2f: {  	lr =	sadd.s32 s0, s3;
	s0 =	sld [smem:$0x3FAD]  }
0x30: {  	s3 =	sld [smem:$0x3FB0]  }
0x31: {  	[smem:$0x3FB9] =	sst s10  }
0x32: {  	s10 =	sld [smem:$0x3FB7];
	_ =	sdelay $0x3  }
0x33: {  	p0 =	seq.s32 s10, $0x1;
	s10 =	sld [smem:$0x3FB9];
	_ =	sdelay $0x3  }
0x34: {  	[smem:$0x3FB9] =	sst s10  }
0x35: {  	s10 =	sld [smem:$0x3FB8];
	_ =	sdelay $0x3  }
0x36: {  	p1 =	seq.s32 s10, $0x1;
	s10 =	sld [smem:$0x3FB9];
	_ =	sdelay $0x3  }
0x37: {  	[smem:$0x3FB9] =	sst s10  }
0x38: {  	s10 =	sld [smem:$0x3FBA]  }
0x39: {  	_ = 	snop;
	(pc) =	sbr.ind lr, $3  }
0x3a: {  	_ = 	snop  }
0x3b: {  	_ = 	snop  }
0x3c: {  	p2 =	seq.s32 s10, $0x1;
	s10 =	sld [smem:$0x3FB9]  }
0x3d: {  	_ =	shalt  }
0x3e: {  	_ =	shalt  }
0x3f: {  	_ =	shalt  }
0x40: {  	_ =	shalt  }
0x41: {  	_ =	shalt  }
0x42: {  	_ =	shalt  }
0x43: {  	_ =	shalt  }
0x44: {  	_ =	shalt  }
0x45: {  	_ =	shalt  }
0x46: {  	_ =	shalt  }
0x47: {  	_ =	shalt  }
0x48: {  	_ =	shalt  }
0x49: {  	_ =	shalt  }
0x4a: {  	_ =	shalt  }
0x4b: {  	_ =	shalt  }
0x4c: {  	_ =	shalt  }
0x4d: {  	_ =	shalt  }
0x4e: {  	_ =	shalt  }
0x4f: {  	_ =	shalt  }
0x50: {  	_ =	shalt  }
0x51: {  	_ =	shalt  }
0x52: {  	_ =	shalt  }
0x53: {  	_ =	shalt  }
0x54: {  	_ =	shalt  }
0x55: {  	_ =	shalt  }
0x56: {  	_ =	shalt  }
0x57: {  	_ =	shalt  }
0x58: {  	_ =	shalt  }
0x59: {  	_ =	shalt  }
0x5a: {  	_ =	shalt  }
0x5b: {  	_ =	shalt  }
0x5c: {  	_ =	shalt  }
0x5d: {  	_ =	shalt  }
0x5e: {  	_ =	shalt  }
0x5f: {  	_ =	shalt  }
0x60: {  	_ =	shalt  }
0x61: {  	_ =	shalt  }
0x62: {  	_ =	shalt  }
0x63: {  	_ =	shalt  }
0x64: {  	_ =	shalt  }
0x65: {  	_ =	shalt  }
0x66: {  	_ =	shalt  }
0x67: {  	_ =	shalt  }
0x68: {  	_ =	shalt  }
0x69: {  	_ =	shalt  }
0x6a: {  	_ =	shalt  }
0x6b: {  	_ =	shalt  }
0x6c: {  	_ =	shalt  }
0x6d: {  	_ =	shalt  }
0x6e: {  	_ =	shalt  }
0x6f: {  	_ =	shalt  }
0x70: {  	_ =	shalt  }
0x71: {  	_ =	shalt  }
0x72: {  	_ =	shalt  }
0x73: {  	_ =	shalt  }
0x74: {  	_ =	shalt  }
0x75: {  	_ =	shalt  }
0x76: {  	_ =	shalt  }
0x77: {  	_ =	shalt  }
0x78: {  	_ =	shalt  }
0x79: {  	_ =	shalt  }
0x7a: {  	_ =	shalt  }
0x7b: {  	_ =	shalt  }
0x7c: {  	_ =	shalt  }
0x7d: {  	_ =	shalt  }
0x7e: {  	_ =	shalt  }
0x7f: {  	_ =	shalt  }
0x80: {  	_ =	shalt  }
0x81: {  	_ =	shalt  }
0x82: {  	_ =	shalt  }
0x83: {  	_ =	shalt  }
0x84: {  	_ =	shalt  }
0x85: {  	_ =	shalt  }
0x86: {  	_ =	shalt  }
0x87: {  	_ =	shalt  }
.Lfunc_end0:
.L_simem_size_0:
called_computation_lowered:
.L_overlay_start_0:
0x88: {  	s2 =	sld [smem:$0x3FD9]  }
0x89: {  	s3 =	sld [smem:$0x3FFE];
	_ =	sdelay $0x1  }
0x8a: {  	s1 =	srdreg.scid  }
0x8b: {  	s0 =	sand.u32 $0x1, s1  }
0x8c: {  	s18 =	sshll.u32 s0, $0xA;
	s2 =	sadd.s32 s3, s2  }
0x8d: {  	s2 =	sadd.s32 s2, s18  }
0x8e: {  	[smem:$0x3FC5] =	sst s2  }
0x8f: {  	_ = 	snop  }
0x90: {  	s2 =	sld [smem:$0x3FC9]  }
0x91: {  	s19 =	sld [smem:$0x3FC8]  }
0x92: {  	s4 =	sld [smem:$0x3FC7];
	(tm) =	ssettm $0x1  }
0x93: {  	s5 =	sld [smem:$0x3FFB];
	_ =	sdelay $0x3  }
0x94: {  	_ =	strace s5  }
0x95: {  	s5 =	sld [smem:$0x3FFC];
	_ =	sdelay $0x3  }
0x96: {  	_ =	strace s5  }
0x97: {  	s5 =	sld [smem:$0x3FFD];
	_ =	sdelay $0x3  }
0x98: {  	_ =	strace s5  }
0x99: {  	_ =	strace $0x8FFFFFFF  }
0x9a: {  	s20 =	sld [smem:$0x3FDB];
	_ =	sdelay $0x1  }
0x9b: {  	s6 =	simm.s32 $_scs_section_size  }
0x9c: {  	s7 =	simm.s32 $_size__tile_overlayer_lowered;
	s8 =	simm.s32 $_tile_overlayer_lowered  }
0x9d: {  	s23 =	simm.s32 $0x1BFF;
	s22 =	sshll.u32 s8, $0x1;
	s5 =	sadd.s32 s6, s20  }
0x9e: {  	s9 =	simm.s32 $0x0;
	s21 =	sshll.u32 s7, $0x1;
	s7 =	sadd.s32 s22, s5  }
0x9f: {  	[timem:s9], [sflag:s23] =	dma.local [hbm:s7], s21  }
0xa0: {  	_ =	swait.ge [sflag:s23], s21  }
0xa1: {  	s6 =	ssub.s32 $0x0, s21;
	[sflag:s23] =	ssyncset.done $0x0  }
0xa2: {  	[sflag:s23] =	ssyncadd.s32 s6;
	_ =	sdelay $0x1  }
0xa3: {  	s24 =	simm.s32 $0x1B8B  }
0xa4: {  	_ =	swait.ge [sflag:s24], $0x1  }
0xa5: {  	[sflag:s24] =	ssyncset.done $0x0  }
0xa6: {  	s25 =	simm.s32 $0x1B8E;
	[sflag:s24] =	ssyncadd.s32 $0xFFFFFFFF  }
0xa7: {  	s26 =	simm.s32 $execute0_lowered;
	[smem:$0x3FD2] =	sst s25  }
0xa8: {  	s6 =	sshll.u32 s26, $0x1;
	_ =	strace $0x80000046;
	[dreg:$0x1] =	wrdreg $0xFFFFFFFF  }
0xa9: {  	s28 =	simm.s32 $_size_execute0_lowered;
	s5 =	sadd.s32 s5, s6;
	[dreg:$0x0] =	wrdreg $0x0  }
0xaa: {  	s6 =	sshll.u32 s28, $0x1;
	[dreg:$0x2] =	wrdreg s5  }
0xab: {  	[dreg:$0x3] =	wrdreg s6  }
0xac: {  	[dreg:$0x4] =	wrdreg $0xC0  }
0xad: {  	_ =	task [dreg:s9], $0x5FFFF  }
0xae: {  	[dreg:$0x1] =	wrdreg $0xFFFFFFFF  }
0xaf: {  	[dreg:$0x0] =	wrdreg $0x60  }
0xb0: {  	[dreg:$0x2] =	wrdreg s19  }
0xb1: {  	[dreg:$0x3] =	wrdreg s4  }
0xb2: {  	[dreg:$0x4] =	wrdreg s2  }
0xb3: {  	[dreg:$0x5] =	wrdreg $0x1A5000  }
0xb4: {  	[dreg:$0x6] =	wrdreg $0x9  }
0xb5: {  	_ =	task.clear_ibuf [dreg:s9], $0x7FFFF;
	_ =	strace $0x90000046  }
0xb6: {  	s29 =	simm.s32 $0x9;
	_ =	strace $0x80000048  }
0xb7: {  	_ =	swait.ge [sflag:s29], $0x1  }
0xb8: {  	[sflag:s29] =	ssyncadd.s32 $0xFFFFFFFF  }
0xb9: {  	_ =	strace $0x90000048  }
0xba: {  	_ =	sfence  }
0xbb: {  	s30 =	sld [smem:$0x0];
	_ =	sdelay $0x2  }
0xbc: {  	s31 =	sshll.u32 s1, $0xD;
	s1 =	sshrl.u32 s1, $0x2  }
0xbd: {  	s3 =	sand.u32 $0x4000, s31;
	s1 =	sadd.s32 s1, s30  }
0xbe: {  	s0 =	sor.u32 s3, s0;
	s1 =	sshll.u32 s1, $0x11  }
0xbf: {  	s0 =	sor.u32 s1, s0  }
0xc0: {  	s0 =	sadd.s32 $0x8F2B, s0  }
0xc1: {  	[sflag:s0] =	ssyncadd.remote.s32 $0x1  }
0xc2: {  	_ =	sfence.sel $0xFFFF  }
0xc3: {  	[dreg:$0x0] =	wrdreg $0xFFFFFFFF;
	(pc) =	sbr.abs _section_cstart, $3  }
0xc4: {  	[dreg:$0x1] =	wrdreg $0xFFFFFFFF  }
0xc5: {  	_ =	task.clear_ibuf [dreg:s9], $0x2FFFF;
	_ =	strace $0x9FFFFFFF  }
0xc6: {  	(tm) =	ssettm $0x7FFFFFFF  }
0xc7: {  	_ =	shalt  }
tec
execute0_lowered:
.L_overlay_start_1:
0x0: {  	(tag) =	ssettag $0x1  }
0x1: {  	s2 =	srdreg.scid  }
0x2: {  	s0 =	stileid.u32;
	s1 =	rddreg [dreg:$0x0]  }
0x3: {  	s3 =	rddreg [dreg:$0x1];
	s5 =	sand.u32 $0x1, s2;
	s30 =	sshll.u32 s0, $0x1  }
0x4: {  	s7 =	rddreg [dreg:$0x2];
	s6 =	sor.u32 s5, s30  }
0x5: {  	[dreg:$0x5] =	wrdreg s3;
	s2 =	smul.u32 $0x7, s6  }
0x6: {  	s3 =	rddreg [dreg:$0x3];
	s4 =	smin.u32 s6, $0x1A  }
0x7: {  	v0 =	vlaneseq.u32;
	s8 =	sadd.s32 s4, s2;
	s2 =	rddreg [dreg:$0x4];
	s4 =	simm.s32 $0x0  }
0x8: {  	s9 =	simm.s32 $0x1A480;
	v56 =	vmul.u32 $0x80, v0;
	[smem:$0x7FF] =	sst s4  }
0x9: {  	_ =	strace $0x80000047;
	[dreg:$0x9] =	wrdreg s9;
	s9 =	sshll.u32 s0, $0x3  }
0xa: {  	v57 =	vor.u32 $0x800, v56;
	v0 =	vor.u32 s9, v56  }
0xb: {  	v58 =	vor.u32 $0x1000, v56;
	v61 =	vor.u32 s9, v57;
	[tilespmem:$0x1FC00] =	vst v0  }
0xc: {  	v59 =	vor.u32 $0x1800, v56;
	v62 =	vor.u32 s9, v58;
	[tilespmem:$0x1FC10] =	vst v61  }
0xd: {  	s11 =	simm.s32 $0x19D00;
	v60 =	vor.u32 $0x2000, v56;
	v63 =	vor.u32 s9, v59;
	[tilespmem:$0x1FC20] =	vst v62  }
0xe: {  	[dreg:$0xb] =	wrdreg s11;
	s11 =	sor.u32 $0x2, s9;
	v4 =	vor.u32 s9, v60;
	[tilespmem:$0x1FC30] =	vst v63  }
0xf: {  	[tilespmem:$0x1FC40] =	vst v4;
	v16 =	vor.u32 s11, v56  }
0x10: {  	v17 =	vor.u32 s11, v57;
	[tilespmem:$0x1FD00] =	vst v16  }
0x11: {  	v18 =	vor.u32 s11, v58;
	[tilespmem:$0x1FD10] =	vst v17  }
0x12: {  	s12 =	simm.s32 $0x1A100;
	v19 =	vor.u32 s11, v59;
	[tilespmem:$0x1FD20] =	vst v18  }
0x13: {  	[dreg:$0xc] =	wrdreg s12;
	s12 =	sor.u32 $0x3, s9;
	v20 =	vor.u32 s11, v60;
	[tilespmem:$0x1FD30] =	vst v19  }
0x14: {  	v24 =	vor.u32 s12, v56;
	[tilespmem:$0x1FD40] =	vst v20  }
0x15: {  	v25 =	vor.u32 s12, v57;
	[tilespmem:$0x1FD80] =	vst v24  }
0x16: {  	v26 =	vor.u32 s12, v58;
	[tilespmem:$0x1FD90] =	vst v25  }
0x17: {  	s10 =	simm.s32 $0x19C80;
	v27 =	vor.u32 s12, v59;
	[tilespmem:$0x1FDA0] =	vst v26  }
0x18: {  	[dreg:$0xa] =	wrdreg s10;
	s10 =	sor.u32 $0x4, s9;
	v28 =	vor.u32 s12, v60;
	[tilespmem:$0x1FDB0] =	vst v27  }
0x19: {  	v32 =	vor.u32 s10, v56;
	[tilespmem:$0x1FDC0] =	vst v28  }
0x1a: {  	v33 =	vor.u32 s10, v57;
	[tilespmem:$0x1FE00] =	vst v32  }
0x1b: {  	v34 =	vor.u32 s10, v58;
	[tilespmem:$0x1FE10] =	vst v33  }
0x1c: {  	s13 =	simm.s32 $0x19D80;
	v35 =	vor.u32 s10, v59;
	[tilespmem:$0x1FE20] =	vst v34  }
0x1d: {  	[dreg:$0xd] =	wrdreg s13;
	s13 =	sor.u32 $0x5, s9;
	v36 =	vor.u32 s10, v60;
	[tilespmem:$0x1FE30] =	vst v35  }
0x1e: {  	v40 =	vor.u32 s13, v56;
	[tilespmem:$0x1FE40] =	vst v36  }
0x1f: {  	v41 =	vor.u32 s13, v57;
	[tilespmem:$0x1FE80] =	vst v40  }
0x20: {  	s16 =	simm.s32 $0x1A200;
	v42 =	vor.u32 s13, v58;
	[tilespmem:$0x1FE90] =	vst v41  }
0x21: {  	[dreg:$0x10] =	wrdreg s16;
	s16 =	simm.s32 $0x320;
	v43 =	vor.u32 s13, v59;
	[tilespmem:$0x1FEA0] =	vst v42  }
0x22: {  	s14 =	simm.s32 $0x1A180;
	[dreg:$0x1f] =	wrdreg s16;
	s16 =	sor.u32 $0x6, s9;
	v44 =	vor.u32 s13, v60;
	[tilespmem:$0x1FEB0] =	vst v43  }
0x23: {  	s15 =	simm.s32 $0x19E00;
	[dreg:$0xe] =	wrdreg s14;
	v48 =	vor.u32 s16, v56;
	[tilespmem:$0x1FEC0] =	vst v44  }
0x24: {  	s17 =	simm.s32 $0x19E80;
	[dreg:$0xf] =	wrdreg s15;
	v49 =	vor.u32 s16, v57;
	[tilespmem:$0x1FF00] =	vst v48  }
0x25: {  	s18 =	simm.s32 $0x1A280;
	[dreg:$0x11] =	wrdreg s17;
	v50 =	vor.u32 s16, v58;
	[tilespmem:$0x1FF10] =	vst v49  }
0x26: {  	s19 =	simm.s32 $0x19F00;
	[dreg:$0x12] =	wrdreg s18;
	v51 =	vor.u32 s16, v59;
	[tilespmem:$0x1FF20] =	vst v50  }
0x27: {  	s20 =	simm.s32 $0x1A300;
	s8 =	smul.u32 $0x32, s8;
	[dreg:$0x13] =	wrdreg s19;
	v61 =	vor.u32 $0x2800, v56;
	v52 =	vor.u32 s16, v60;
	[tilespmem:$0x1FF30] =	vst v51  }
0x28: {  	s21 =	simm.s32 $0x19F80;
	s22 =	simm.s32 $0x1A380;
	[dreg:$0x14] =	wrdreg s20;
	v62 =	vor.u32 $0x3000, v56;
	v5 =	vor.u32 s9, v61;
	[tilespmem:$0x1FF40] =	vst v52  }
0x29: {  	s31 =	sshll.u32 s0, $0xA;
	[dreg:$0x15] =	wrdreg s21;
	s8 =	sadd.s32 s7, s8;
	v63 =	vor.u32 $0x3800, v56;
	v6 =	vor.u32 s9, v62;
	[tilespmem:$0x1FC50] =	vst v5  }
0x2a: {  	[dreg:$0x6] =	wrdreg s8;
	s8 =	sadd.s32 s31, s3;
	s31 =	sor.u32 $0x1, s9;
	v7 =	vor.u32 s9, v63;
	[tilespmem:$0x1FC60] =	vst v6  }
0x2b: {  	s23 =	simm.s32 $0x1A000;
	[dreg:$0x16] =	wrdreg s22;
	v8 =	vor.u32 s31, v56;
	[tilespmem:$0x1FC70] =	vst v7  }
0x2c: {  	s24 =	simm.s32 $0x1A400;
	[dreg:$0x17] =	wrdreg s23;
	v9 =	vor.u32 s31, v57;
	[tilespmem:$0x1FC80] =	vst v8  }
0x2d: {  	s25 =	simm.s32 $0x100;
	[dreg:$0x18] =	wrdreg s24;
	v10 =	vor.u32 s31, v58;
	[tilespmem:$0x1FC90] =	vst v9  }
0x2e: {  	s28 =	simm.s32 $0x180;
	[dreg:$0x19] =	wrdreg s25;
	v11 =	vor.u32 s31, v59;
	[tilespmem:$0x1FCA0] =	vst v10  }
0x2f: {  	s29 =	simm.s32 $0x190;
	s5 =	ssub.s32 $0x2, s5;
	[dreg:$0x1a] =	wrdreg s28;
	v12 =	vor.u32 s31, v60;
	[tilespmem:$0x1FCB0] =	vst v11  }
0x30: {  	s30 =	simm.s32 $0x210;
	s26 =	sshrl.u32 s5, $0x1;
	[dreg:$0x1b] =	wrdreg s29;
	v13 =	vor.u32 s31, v61;
	[tilespmem:$0x1FCC0] =	vst v12  }
0x31: {  	s5 =	ssub.s32 s5, s26;
	s26 =	simm.s32 $0x740;
	[dreg:$0x1c] =	wrdreg s30;
	v14 =	vor.u32 s31, v62;
	[tilespmem:$0x1FCD0] =	vst v13  }
0x32: {  	s14 =	simm.s32 $0x290;
	[smem:$0x7F4] =	sst s26;
	v15 =	vor.u32 s31, v63;
	[tilespmem:$0x1FCE0] =	vst v14  }
0x33: {  	s15 =	simm.s32 $0x310;
	[dreg:$0x1d] =	wrdreg s14;
	v21 =	vor.u32 s11, v61;
	[tilespmem:$0x1FCF0] =	vst v15  }
0x34: {  	s17 =	simm.s32 $0x3A0;
	[dreg:$0x1e] =	wrdreg s15;
	v22 =	vor.u32 s11, v62;
	[tilespmem:$0x1FD50] =	vst v21  }
0x35: {  	s18 =	simm.s32 $0x420;
	[smem:$0x7EB] =	sst s17;
	v23 =	vor.u32 s11, v63;
	[tilespmem:$0x1FD60] =	vst v22  }
0x36: {  	s19 =	simm.s32 $0x4A0;
	[smem:$0x7EC] =	sst s18;
	v29 =	vor.u32 s12, v61;
	[tilespmem:$0x1FD70] =	vst v23  }
0x37: {  	s20 =	simm.s32 $0x4B0;
	[smem:$0x7ED] =	sst s19;
	v30 =	vor.u32 s12, v62;
	[tilespmem:$0x1FDD0] =	vst v29  }
0x38: {  	s21 =	simm.s32 $0x530;
	[smem:$0x7EE] =	sst s20;
	v31 =	vor.u32 s12, v63;
	[tilespmem:$0x1FDE0] =	vst v30  }
0x39: {  	s22 =	simm.s32 $0x5B0;
	[smem:$0x7EF] =	sst s21;
	v37 =	vor.u32 s10, v61;
	[tilespmem:$0x1FDF0] =	vst v31  }
0x3a: {  	s23 =	simm.s32 $0x630;
	[smem:$0x7F0] =	sst s22;
	v38 =	vor.u32 s10, v62;
	[tilespmem:$0x1FE50] =	vst v37  }
0x3b: {  	s24 =	simm.s32 $0x640;
	[smem:$0x7F1] =	sst s23;
	v39 =	vor.u32 s10, v63;
	[tilespmem:$0x1FE60] =	vst v38  }
0x3c: {  	s25 =	simm.s32 $0x6C0;
	[smem:$0x7F2] =	sst s24;
	v45 =	vor.u32 s13, v61;
	[tilespmem:$0x1FE70] =	vst v39  }
0x3d: {  	s28 =	simm.s32 $0x7C0;
	[smem:$0x7F3] =	sst s25;
	v46 =	vor.u32 s13, v62;
	[tilespmem:$0x1FED0] =	vst v45  }
0x3e: {  	s29 =	simm.s32 $0x7D0;
	[smem:$0x7F5] =	sst s28;
	v47 =	vor.u32 s13, v63;
	[tilespmem:$0x1FEE0] =	vst v46  }
0x3f: {  	p1 =	sgt.u32 s0, $0xC;
	s30 =	simm.s32 $0x8D0;
	[smem:$0x7F6] =	sst s29;
	v53 =	vor.u32 s16, v61;
	[tilespmem:$0x1FEF0] =	vst v47  }
0x40: {  	p0 =	seq.s32 s6, $0x1F;
	s7 =	sadd.s32 $0x2F76, s7;
	[smem:$0x7F8] =	sst s30;
	v54 =	vor.u32 s16, v62;
	[tilespmem:$0x1FF50] =	vst v53  }
0x41: {  	s18 =	sshllo.u32 s0, $0x3;
	s14 =	simm.s32 $0x850;
	[dreg:$0x7] =	wrdreg s7;
	v55 =	vor.u32 s16, v63;
	[tilespmem:$0x1FF60] =	vst v54  }
0x42: {  	s6 =	simm.s32 $0x3;
	s15 =	simm.s32 $0x950;
	[smem:$0x7F7] =	sst s14;
	v56 =	vor.u32 s18, v56;
	[tilespmem:$0x1FF70] =	vst v55  }
0x43: {  	s5 =	smax.u32 s5, $0x1;
	s17 =	simm.s32 $0x960;
	[smem:$0x7F9] =	sst s15;
	v57 =	vor.u32 s18, v57;
	[tilespmem:$0x1FF80] =	vst v56  }
0x44: {  	s19 =	simm.s32 $0xA60;
	s20 =	simm.s32 $0xAE0;
	[smem:$0x7FA] =	sst s17;
	v58 =	vor.u32 s18, v58;
	[tilespmem:$0x1FF90] =	vst v57  }
0x45: {  	s7 =	simm.s32 $0x80;
	s14 =	simm.s32 $0xCC80;
	[smem:$0x7FC] =	sst s19;
	v59 =	vor.u32 s18, v59;
	[tilespmem:$0x1FFA0] =	vst v58  }
0x46: {  	s15 =	simm.s32 $0xD480;
	s17 =	simm.s32 $0x15480;
	[smem:$0x7FD] =	sst s20;
	v60 =	vor.u32 s18, v60;
	[tilespmem:$0x1FFB0] =	vst v59  }
0x47: {  	s19 =	simm.s32 $0x2;
	[dreg:$0x8] =	wrdreg s8;
	s8 =	simm.s32 $0x1A080;
	v61 =	vor.u32 s18, v61;
	[tilespmem:$0x1FFC0] =	vst v60  }
0x48: {  	s9 =	simm.s32 $0x1;
	s10 =	simm.s32 $0xC80;
	s11 =	simm.s32 $0x4C80;
	v62 =	vor.u32 s18, v62;
	[tilespmem:$0x1FFD0] =	vst v61  }
0x49: {  	s12 =	simm.s32 $0x8C80;
	s13 =	simm.s32 $0x10;
	s31 =	simm.s32 $0x9E0;
	v63 =	vor.u32 s18, v63;
	[tilespmem:$0x1FFE0] =	vst v62  }
0x4a: {  	s16 =	simm.s32 $0x11480;
	s18 =	simm.s32 $0x19480;
	[smem:$0x7FB] =	sst s31;
	[tilespmem:$0x1FFF0] =	vst v63  }
.LBB2_1:
0x4b: {  	s20 =	rddreg [dreg:$0x7];
	s21 =	simm.s32 @p0 $0x0  }
0x4c: {  	[tilespmem:s21], [sflag:$0x3] =	stream.linear.gather @p0 [hbm4b:s20+s21], $0xAF0, $0x38;
	[tilespmem:$0x1A900] =	vst v63  }
0x4d: {  	s20 =	simm.s32 @p0 $0x3  }
0x4e: {  	_ =	swait.ge @p0 [sflag:s20], $0xAF0  }
0x4f: {  	[sflag:s20] =	ssyncset.done @p0 $0x0  }
0x50: {  	s21 =	rddreg [dreg:$0x6];
	[sflag:s20] =	ssyncadd.s32 @p0 $0xFFFFF510;
	s20 =	simm.s32 @!p0 $0x0  }
0x51: {  	[tilespmem:s20], [sflag:$0x3] =	stream.linear.gather @!p0 [hbm4b:s21+s20], $0xC80, $0x38;
	[tilespmem:$0x1A900] =	vst v63  }
0x52: {  	s20 =	simm.s32 @!p0 $0x3  }
0x53: {  	_ =	swait.ge @!p0 [sflag:s20], $0xC80  }
0x54: {  	s24 =	rddreg [dreg:$0x5];
	[sflag:s20] =	ssyncset.done @!p0 $0x0  }
0x55: {  	s22 =	rddreg [dreg:$0x9];
	[sflag:s20] =	ssyncadd.s32 @!p0 $0xFFFFF380  }
0x56: {  	[tilespmem:s22], [sflag:$0x3] =	stream.linear.gather [hbm4b:s24+s4], $0x80, $0x38;
	[tilespmem:$0x1A900] =	vst v63  }
0x57: {  	_ =	swait.ge [sflag:s6], $0x80  }
0x58: {  	v0 =	vld [tilespmem:$0x1FC00]  }
0x59: {  	v59 =	vld [tilespmem:$0x1FC10]  }
0x5a: {  	v60 =	vld [tilespmem:$0x1FC20]  }
0x5b: {  	[sflag:s6] =	ssyncset.done $0x0;
	v61 =	vld [tilespmem:$0x1FC30]  }
0x5c: {  	v62 =	vld [tilespmem:$0x1FC40];
	[sflag:s6] =	ssyncadd.s32 $0xFFFFFF80  }
0x5d: {  	v63 =	vld [tilespmem:$0x1FC50];
	[tilespmem:$0x19C80] =	vst v0  }
0x5e: {  	v4 =	vld [tilespmem:$0x1FC60];
	[tilespmem:$0x19C90] =	vst v59  }
0x5f: {  	v5 =	vld [tilespmem:$0x1FC70];
	[tilespmem:$0x19CA0] =	vst v60  }
0x60: {  	v6 =	vld [tilespmem:$0x1FC80];
	[tilespmem:$0x19CB0] =	vst v61  }
0x61: {  	v7 =	vld [tilespmem:$0x1FC90];
	[tilespmem:$0x19CC0] =	vst v62  }
0x62: {  	v8 =	vld [tilespmem:$0x1FCA0];
	[tilespmem:$0x19CD0] =	vst v63  }
0x63: {  	v9 =	vld [tilespmem:$0x1FCB0];
	[tilespmem:$0x19CE0] =	vst v4  }
0x64: {  	v10 =	vld [tilespmem:$0x1FCC0];
	[tilespmem:$0x19CF0] =	vst v5  }
0x65: {  	v11 =	vld [tilespmem:$0x1FCD0];
	[tilespmem:$0x19D00] =	vst v6  }
0x66: {  	v12 =	vld [tilespmem:$0x1FCE0];
	[tilespmem:$0x19D10] =	vst v7  }
0x67: {  	v13 =	vld [tilespmem:$0x1FCF0];
	[tilespmem:$0x19D20] =	vst v8  }
0x68: {  	v14 =	vld [tilespmem:$0x1FD00];
	[tilespmem:$0x19D30] =	vst v9  }
0x69: {  	v15 =	vld [tilespmem:$0x1FD10];
	[tilespmem:$0x19D40] =	vst v10  }
0x6a: {  	v16 =	vld [tilespmem:$0x1FD20];
	[tilespmem:$0x19D50] =	vst v11  }
0x6b: {  	v17 =	vld [tilespmem:$0x1FD30];
	[tilespmem:$0x19D60] =	vst v12  }
0x6c: {  	v18 =	vld [tilespmem:$0x1FD40];
	[tilespmem:$0x19D70] =	vst v13  }
0x6d: {  	v19 =	vld [tilespmem:$0x1FD50];
	[tilespmem:$0x19D80] =	vst v14  }
0x6e: {  	v20 =	vld [tilespmem:$0x1FD60];
	[tilespmem:$0x19D90] =	vst v15  }
0x6f: {  	v21 =	vld [tilespmem:$0x1FD70];
	[tilespmem:$0x19DA0] =	vst v16  }
0x70: {  	v22 =	vld [tilespmem:$0x1FD80];
	[tilespmem:$0x19DB0] =	vst v17  }
0x71: {  	v23 =	vld [tilespmem:$0x1FD90];
	[tilespmem:$0x19DC0] =	vst v18  }
0x72: {  	v24 =	vld [tilespmem:$0x1FDA0];
	[tilespmem:$0x19DD0] =	vst v19  }
0x73: {  	v25 =	vld [tilespmem:$0x1FDB0];
	[tilespmem:$0x19DE0] =	vst v20  }
0x74: {  	v26 =	vld [tilespmem:$0x1FDC0];
	[tilespmem:$0x19DF0] =	vst v21  }
0x75: {  	v27 =	vld [tilespmem:$0x1FDD0];
	[tilespmem:$0x19E00] =	vst v22  }
0x76: {  	v28 =	vld [tilespmem:$0x1FDE0];
	[tilespmem:$0x19E10] =	vst v23  }
0x77: {  	v29 =	vld [tilespmem:$0x1FDF0];
	[tilespmem:$0x19E20] =	vst v24  }
0x78: {  	v30 =	vld [tilespmem:$0x1FE00];
	[tilespmem:$0x19E30] =	vst v25  }
0x79: {  	v31 =	vld [tilespmem:$0x1FE10];
	[tilespmem:$0x19E40] =	vst v26  }
0x7a: {  	v32 =	vld [tilespmem:$0x1FE20];
	[tilespmem:$0x19E50] =	vst v27  }
0x7b: {  	v33 =	vld [tilespmem:$0x1FE30];
	[tilespmem:$0x19E60] =	vst v28  }
0x7c: {  	v34 =	vld [tilespmem:$0x1FE40];
	[tilespmem:$0x19E70] =	vst v29  }
0x7d: {  	v35 =	vld [tilespmem:$0x1FE50];
	[tilespmem:$0x19E80] =	vst v30  }
0x7e: {  	v36 =	vld [tilespmem:$0x1FE60];
	[tilespmem:$0x19E90] =	vst v31  }
0x7f: {  	v37 =	vld [tilespmem:$0x1FE70];
	[tilespmem:$0x19EA0] =	vst v32  }
0x80: {  	v38 =	vld [tilespmem:$0x1FE80];
	[tilespmem:$0x19EB0] =	vst v33  }
0x81: {  	v39 =	vld [tilespmem:$0x1FE90];
	[tilespmem:$0x19EC0] =	vst v34  }
0x82: {  	v40 =	vld [tilespmem:$0x1FEA0];
	[tilespmem:$0x19ED0] =	vst v35  }
0x83: {  	v41 =	vld [tilespmem:$0x1FEB0];
	[tilespmem:$0x19EE0] =	vst v36  }
0x84: {  	v42 =	vld [tilespmem:$0x1FEC0];
	[tilespmem:$0x19EF0] =	vst v37  }
0x85: {  	v43 =	vld [tilespmem:$0x1FED0];
	[tilespmem:$0x19F00] =	vst v38  }
0x86: {  	v44 =	vld [tilespmem:$0x1FEE0];
	[tilespmem:$0x19F10] =	vst v39  }
0x87: {  	v45 =	vld [tilespmem:$0x1FEF0];
	[tilespmem:$0x19F20] =	vst v40  }
0x88: {  	v46 =	vld [tilespmem:$0x1FF00];
	[tilespmem:$0x19F30] =	vst v41  }
0x89: {  	v47 =	vld [tilespmem:$0x1FF10];
	[tilespmem:$0x19F40] =	vst v42  }
0x8a: {  	v48 =	vld [tilespmem:$0x1FF20];
	[tilespmem:$0x19F50] =	vst v43  }
0x8b: {  	v49 =	vld [tilespmem:$0x1FF30];
	[tilespmem:$0x19F60] =	vst v44  }
0x8c: {  	v50 =	vld [tilespmem:$0x1FF40];
	[tilespmem:$0x19F70] =	vst v45  }
0x8d: {  	v51 =	vld [tilespmem:$0x1FF50];
	[tilespmem:$0x19F80] =	vst v46  }
0x8e: {  	v52 =	vld [tilespmem:$0x1FF60];
	[tilespmem:$0x19F90] =	vst v47  }
0x8f: {  	v53 =	vld [tilespmem:$0x1FF70];
	[tilespmem:$0x19FA0] =	vst v48  }
0x90: {  	v54 =	vld [tilespmem:$0x1FF80];
	[tilespmem:$0x19FB0] =	vst v49  }
0x91: {  	v55 =	vld [tilespmem:$0x1FF90];
	[tilespmem:$0x19FC0] =	vst v50  }
0x92: {  	v56 =	vld [tilespmem:$0x1FFA0];
	[tilespmem:$0x19FD0] =	vst v51  }
0x93: {  	v57 =	vld [tilespmem:$0x1FFB0];
	[tilespmem:$0x19FE0] =	vst v52  }
0x94: {  	v58 =	vld [tilespmem:$0x1FFC0];
	[tilespmem:$0x19FF0] =	vst v53  }
0x95: {  	s25 =	rddreg [dreg:$0xa];
	[tilespmem:$0x1A000] =	vst v54;
	v59 =	vld [tilespmem:$0x1FFD0]  }
0x96: {  	s26 =	rddreg [dreg:$0xb];
	[tilespmem:$0x1A010] =	vst v55;
	v60 =	vld [tilespmem:$0x1FFE0]  }
0x97: {  	s28 =	rddreg [dreg:$0xc];
	[tilespmem:$0x1A020] =	vst v56;
	v61 =	vld [tilespmem:$0x1FFF0]  }
0x98: {  	s29 =	rddreg [dreg:$0xd];
	[tilespmem:$0x1A030] =	vst v57  }
0x99: {  	s30 =	rddreg [dreg:$0xe];
	[tilespmem:$0x1A040] =	vst v58  }
0x9a: {  	s31 =	rddreg [dreg:$0xf];
	[tilespmem:$0x1A050] =	vst v59  }
0x9b: {  	s23 =	rddreg [dreg:$0x10];
	[tilespmem:$0x1A060] =	vst v60  }
0x9c: {  	s24 =	rddreg [dreg:$0x12];
	[tilespmem:$0x1A070] =	vst v61  }
0x9d: {  	[tilespmem:s8], [sflag:$0x1] =	stream.indirect.gather [hbm4b:s1+s7], $0x1, s25, s7, $0xb8;
	[tilespmem:$0x1A900] =	vst v63  }
0x9e: {  	s25 =	rddreg [dreg:$0x13]  }
0x9f: {  	[tilespmem:s28], [sflag:$0x1] =	stream.indirect.gather [hbm4b:s1+s7], $0x1, s26, s7, $0xb8;
	[tilespmem:$0x1A900] =	vst v63  }
0xa0: {  	s26 =	rddreg [dreg:$0x14]  }
0xa1: {  	[tilespmem:s30], [sflag:$0x1] =	stream.indirect.gather [hbm4b:s1+s7], $0x1, s29, s7, $0xb8;
	[tilespmem:$0x1A900] =	vst v63  }
0xa2: {  	s28 =	rddreg [dreg:$0x15]  }
0xa3: {  	[tilespmem:s23], [sflag:$0x1] =	stream.indirect.gather [hbm4b:s1+s7], $0x1, s31, s7, $0xb8;
	[tilespmem:$0x1A900] =	vst v63  }
0xa4: {  	s23 =	rddreg [dreg:$0x11]  }
0xa5: {  	[tilespmem:s24], [sflag:$0x1] =	stream.indirect.gather [hbm4b:s1+s7], $0x1, s23, s7, $0xb8;
	[tilespmem:$0x1A900] =	vst v63  }
0xa6: {  	s29 =	rddreg [dreg:$0x16]  }
0xa7: {  	[tilespmem:s26], [sflag:$0x1] =	stream.indirect.gather [hbm4b:s1+s7], $0x1, s25, s7, $0xb8;
	[tilespmem:$0x1A900] =	vst v63  }
0xa8: {  	s30 =	rddreg [dreg:$0x17]  }
0xa9: {  	[tilespmem:s29], [sflag:$0x1] =	stream.indirect.gather [hbm4b:s1+s7], $0x1, s28, s7, $0xb8;
	[tilespmem:$0x1A900] =	vst v63  }
0xaa: {  	s31 =	rddreg [dreg:$0x18]  }
0xab: {  	[tilespmem:s31], [sflag:$0x1] =	stream.indirect.gather [hbm4b:s1+s7], $0x1, s30, s7, $0xb8;
	[tilespmem:$0x1A900] =	vst v63  }
0xac: {  	_ =	swait.ge [sflag:s9], $0x80  }
0xad: {  	[sflag:s9] =	ssyncset.done $0x0  }
0xae: {  	[sflag:s9] =	ssyncadd.s32 $0xFFFFFF80  }
0xaf: {  	_ =	swait.ge [sflag:s9], $0x80  }
0xb0: {  	[sflag:s9] =	ssyncset.done $0x0  }
0xb1: {  	[sflag:s9] =	ssyncadd.s32 $0xFFFFFF80  }
0xb2: {  	_ =	swait.ge [sflag:s9], $0x80  }
0xb3: {  	[sflag:s9] =	ssyncset.done $0x0  }
0xb4: {  	[sflag:s9] =	ssyncadd.s32 $0xFFFFFF80  }
0xb5: {  	_ =	swait.ge [sflag:s9], $0x80  }
0xb6: {  	[sflag:s9] =	ssyncset.done $0x0  }
0xb7: {  	[sflag:s9] =	ssyncadd.s32 $0xFFFFFF80  }
0xb8: {  	_ =	swait.ge [sflag:s9], $0x80  }
0xb9: {  	[sflag:s9] =	ssyncset.done $0x0  }
0xba: {  	[sflag:s9] =	ssyncadd.s32 $0xFFFFFF80  }
0xbb: {  	_ =	swait.ge [sflag:s9], $0x80  }
0xbc: {  	[sflag:s9] =	ssyncset.done $0x0  }
0xbd: {  	[sflag:s9] =	ssyncadd.s32 $0xFFFFFF80  }
0xbe: {  	_ =	swait.ge [sflag:s9], $0x80  }
0xbf: {  	[sflag:s9] =	ssyncset.done $0x0  }
0xc0: {  	[sflag:s9] =	ssyncadd.s32 $0xFFFFFF80  }
0xc1: {  	_ =	swait.ge [sflag:s9], $0x80  }
0xc2: {  	[sflag:s9] =	ssyncset.done $0x0  }
0xc3: {  	[sflag:s9] =	ssyncadd.s32 $0xFFFFFF80  }
0xc4: {  	v0 =	vld [tilespmem:$0x1A080]  }
0xc5: {  	v1 =	vld [tilespmem:$0x1A480]  }
0xc6: {  	v2 =	vld [tilespmem:$0x1A090]  }
0xc7: {  	v3 =	vld [tilespmem:$0x1A490]  }
0xc8: {  	v4 =	vld [tilespmem:$0x1A0A0]  }
0xc9: {  	v5 =	vld [tilespmem:$0x1A4A0]  }
0xca: {  	v6 =	vld [tilespmem:$0x1A0B0]  }
0xcb: {  	v7 =	vld [tilespmem:$0x1A4B0]  }
0xcc: {  	v8 =	vld [tilespmem:$0x1A0C0]  }
0xcd: {  	v9 =	vld [tilespmem:$0x1A4C0]  }
0xce: {  	v10 =	vld [tilespmem:$0x1A0D0]  }
0xcf: {  	v11 =	vld [tilespmem:$0x1A4D0]  }
0xd0: {  	v12 =	vld [tilespmem:$0x1A0E0]  }
0xd1: {  	v13 =	vld [tilespmem:$0x1A4E0]  }
0xd2: {  	v14 =	vld [tilespmem:$0x1A0F0]  }
0xd3: {  	v15 =	vld [tilespmem:$0x1A4F0]  }
0xd4: {  	v16 =	vld [tilespmem:$0x1A100]  }
0xd5: {  	v17 =	vld [tilespmem:$0x1A480]  }
0xd6: {  	v18 =	vld [tilespmem:$0x1A110]  }
0xd7: {  	v19 =	vld [tilespmem:$0x1A490]  }
0xd8: {  	v20 =	vld [tilespmem:$0x1A120]  }
0xd9: {  	v21 =	vld [tilespmem:$0x1A4A0]  }
0xda: {  	v22 =	vld [tilespmem:$0x1A130]  }
0xdb: {  	v23 =	vld [tilespmem:$0x1A4B0]  }
0xdc: {  	v24 =	vld [tilespmem:$0x1A140]  }
0xdd: {  	v25 =	vld [tilespmem:$0x1A4C0]  }
0xde: {  	v26 =	vld [tilespmem:$0x1A150]  }
0xdf: {  	v27 =	vld [tilespmem:$0x1A4D0]  }
0xe0: {  	v28 =	vld [tilespmem:$0x1A160]  }
0xe1: {  	v29 =	vld [tilespmem:$0x1A4E0]  }
0xe2: {  	v30 =	vld [tilespmem:$0x1A170]  }
0xe3: {  	v31 =	vld [tilespmem:$0x1A4F0]  }
0xe4: {  	v32 =	vld [tilespmem:$0x1A180]  }
0xe5: {  	v33 =	vld [tilespmem:$0x1A480]  }
0xe6: {  	v34 =	vld [tilespmem:$0x1A190]  }
0xe7: {  	v35 =	vld [tilespmem:$0x1A490]  }
0xe8: {  	v36 =	vld [tilespmem:$0x1A1A0]  }
0xe9: {  	v37 =	vld [tilespmem:$0x1A4A0]  }
0xea: {  	v38 =	vld [tilespmem:$0x1A1B0]  }
0xeb: {  	v39 =	vld [tilespmem:$0x1A4B0]  }
0xec: {  	v40 =	vld [tilespmem:$0x1A1C0]  }
0xed: {  	v41 =	vld [tilespmem:$0x1A4C0]  }
0xee: {  	v42 =	vld [tilespmem:$0x1A1D0]  }
0xef: {  	v43 =	vld [tilespmem:$0x1A4D0]  }
0xf0: {  	v44 =	vld [tilespmem:$0x1A1E0]  }
0xf1: {  	v45 =	vld [tilespmem:$0x1A4E0]  }
0xf2: {  	v46 =	vld [tilespmem:$0x1A1F0]  }
0xf3: {  	v47 =	vld [tilespmem:$0x1A4F0]  }
0xf4: {  	v48 =	vld [tilespmem:$0x1A200]  }
0xf5: {  	v49 =	vld [tilespmem:$0x1A480]  }
0xf6: {  	v50 =	vld [tilespmem:$0x1A210]  }
0xf7: {  	v51 =	vld [tilespmem:$0x1A490]  }
0xf8: {  	v52 =	vld [tilespmem:$0x1A220]  }
0xf9: {  	v53 =	vld [tilespmem:$0x1A4A0]  }
0xfa: {  	v54 =	vld [tilespmem:$0x1A230]  }
0xfb: {  	v55 =	vld [tilespmem:$0x1A4B0]  }
0xfc: {  	v56 =	vld [tilespmem:$0x1A240]  }
0xfd: {  	v57 =	vld [tilespmem:$0x1A4C0]  }
0xfe: {  	v58 =	vld [tilespmem:$0x1A250]  }
0xff: {  	v62 =	vld [tilespmem:$0x1A270]  }
0x100: {  	v59 =	vld [tilespmem:$0x1A4D0]  }
0x101: {  	v60 =	vld [tilespmem:$0x1A260]  }
0x102: {  	v61 =	vld [tilespmem:$0x1A4E0]  }
0x103: {  	v63 =	vld [tilespmem:$0x1A4F0]  }
0x104: {  	[tilespmem:$0x1FBA0] =	vst v62;
	v62 =	vld [tilespmem:$0x1A280]  }
0x105: {  	v0 =	vadd.f32 v1, v0;
	v1 =	vld [tilespmem:$0x1A4A0]  }
0x106: {  	v2 =	vadd.f32 v3, v2;
	v3 =	vld [tilespmem:$0x1A2B0]  }
0x107: {  	v9 =	vadd.f32 v9, v8;
	v8 =	vld [tilespmem:$0x1A4D0]  }
0x108: {  	v13 =	vadd.f32 v13, v12;
	v12 =	vld [tilespmem:$0x1A4F0]  }
0x109: {  	v15 =	vadd.f32 v15, v14;
	v14 =	vld [tilespmem:$0x1A480]  }
0x10a: {  	v17 =	vadd.f32 v17, v16;
	v16 =	vld [tilespmem:$0x1A490]  }
0x10b: {  	v19 =	vadd.f32 v19, v18;
	v18 =	vld [tilespmem:$0x1A4A0]  }
0x10c: {  	v23 =	vadd.f32 v23, v22;
	v22 =	vld [tilespmem:$0x1A4C0];
	[tilespmem:$0x1A080] =	vst v0  }
0x10d: {  	v25 =	vadd.f32 v25, v24;
	v24 =	vld [tilespmem:$0x1A4D0];
	[tilespmem:$0x1A090] =	vst v2  }
0x10e: {  	v21 =	vadd.f32 v21, v20;
	v27 =	vadd.f32 v27, v26;
	v26 =	vld [tilespmem:$0x1A4E0];
	[tilespmem:$0x1A0C0] =	vst v9  }
0x10f: {  	v31 =	vadd.f32 v31, v30;
	v30 =	vadd.f32 v45, v44;
	v45 =	vld [tilespmem:$0x1A4B0];
	[tilespmem:$0x1A0E0] =	vst v13  }
0x110: {  	v33 =	vadd.f32 v33, v32;
	v32 =	vadd.f32 v49, v48;
	v49 =	vld [tilespmem:$0x1A4C0];
	[tilespmem:$0x1A0F0] =	vst v15  }
0x111: {  	v35 =	vadd.f32 v35, v34;
	v34 =	vadd.f32 v53, v52;
	v53 =	vld [tilespmem:$0x1A4D0];
	[tilespmem:$0x1A100] =	vst v17  }
0x112: {  	v37 =	vadd.f32 v37, v36;
	v36 =	vadd.f32 v57, v56;
	v57 =	vld [tilespmem:$0x1A4E0];
	[tilespmem:$0x1A110] =	vst v19  }
0x113: {  	v0 =	vadd.f32 v5, v4;
	v4 =	vld [tilespmem:$0x1A4B0];
	[tilespmem:$0x1A120] =	vst v21  }
0x114: {  	v5 =	vld [tilespmem:$0x1A2C0];
	[tilespmem:$0x1A130] =	vst v23  }
0x115: {  	v29 =	vadd.f32 v29, v28;
	v9 =	vld [tilespmem:$0x1A2E0];
	[tilespmem:$0x1A140] =	vst v25  }
0x116: {  	v13 =	vld [tilespmem:$0x1A300];
	[tilespmem:$0x1A150] =	vst v27  }
0x117: {  	v15 =	vld [tilespmem:$0x1A310];
	[tilespmem:$0x1A160] =	vst v29  }
0x118: {  	v17 =	vld [tilespmem:$0x1A320];
	[tilespmem:$0x1A170] =	vst v31  }
0x119: {  	v19 =	vld [tilespmem:$0x1A330];
	[tilespmem:$0x1A180] =	vst v33  }
0x11a: {  	v28 =	vadd.f32 v41, v40;
	[tilespmem:$0x1A190] =	vst v35;
	v21 =	vld [tilespmem:$0x1A340]  }
0x11b: {  	[tilespmem:$0x1A1A0] =	vst v37;
	v23 =	vld [tilespmem:$0x1A350]  }
0x11c: {  	[tilespmem:$0x1A1C0] =	vst v28;
	v25 =	vld [tilespmem:$0x1A360]  }
0x11d: {  	[tilespmem:$0x1A1E0] =	vst v30;
	v28 =	vld [tilespmem:$0x1A4F0]  }
0x11e: {  	[tilespmem:$0x1A200] =	vst v32;
	v30 =	vld [tilespmem:$0x1A480]  }
0x11f: {  	[tilespmem:$0x1A220] =	vst v34;
	v32 =	vld [tilespmem:$0x1A490]  }
0x120: {  	v27 =	vadd.f32 v39, v38;
	[tilespmem:$0x1A240] =	vst v36;
	v39 =	vld [tilespmem:$0x1FBA0]  }
0x121: {  	v34 =	vld [tilespmem:$0x1A4A0];
	[tilespmem:$0x1A0A0] =	vst v0  }
0x122: {  	v29 =	vadd.f32 v43, v42;
	v31 =	vadd.f32 v47, v46;
	v47 =	vld [tilespmem:$0x1A3C0];
	[tilespmem:$0x1A1B0] =	vst v27  }
0x123: {  	[tilespmem:$0x1FBB0] =	vst v62;
	v62 =	vld [tilespmem:$0x1A480]  }
0x124: {  	v33 =	vadd.f32 v51, v50;
	v51 =	vld [tilespmem:$0x1A3D0];
	[tilespmem:$0x1A1D0] =	vst v29  }
0x125: {  	v35 =	vadd.f32 v55, v54;
	v55 =	vld [tilespmem:$0x1A3E0];
	[tilespmem:$0x1A1F0] =	vst v31  }
0x126: {  	v37 =	vadd.f32 v59, v58;
	v59 =	vld [tilespmem:$0x1A3F0];
	[tilespmem:$0x1A210] =	vst v33  }
0x127: {  	v38 =	vadd.f32 v61, v60;
	v61 =	vld [tilespmem:$0x1A4F0];
	[tilespmem:$0x1A230] =	vst v35  }
0x128: {  	[tilespmem:$0x1FBC0] =	vst v62;
	v62 =	vld [tilespmem:$0x1A290]  }
0x129: {  	v27 =	vld [tilespmem:$0x1A370];
	[tilespmem:$0x1A250] =	vst v37;
	v2 =	vadd.f32 v63, v39  }
0x12a: {  	v29 =	vld [tilespmem:$0x1A380];
	[tilespmem:$0x1A260] =	vst v38;
	v46 =	vadd.f32 v4, v3  }
0x12b: {  	v31 =	vld [tilespmem:$0x1A390];
	[tilespmem:$0x1A270] =	vst v2  }
0x12c: {  	v33 =	vld [tilespmem:$0x1A3A0];
	v56 =	vadd.f32 v14, v13;
	[tilespmem:$0x1A2B0] =	vst v46  }
0x12d: {  	v58 =	vadd.f32 v16, v15;
	[tilespmem:$0x1FBD0] =	vst v62;
	v62 =	vld [tilespmem:$0x1A490]  }
0x12e: {  	v35 =	vld [tilespmem:$0x1A3B0];
	v60 =	vadd.f32 v18, v17;
	[tilespmem:$0x1A300] =	vst v56  }
0x12f: {  	v37 =	vld [tilespmem:$0x1A420];
	v21 =	vadd.f32 v22, v21;
	[tilespmem:$0x1A310] =	vst v58  }
0x130: {  	v40 =	vld [tilespmem:$0x1FBB0];
	[tilespmem:$0x1A320] =	vst v60  }
0x131: {  	v23 =	vadd.f32 v24, v23;
	[tilespmem:$0x1A340] =	vst v21;
	v41 =	vld [tilespmem:$0x1FBC0]  }
0x132: {  	v25 =	vadd.f32 v26, v25;
	[tilespmem:$0x1FBE0] =	vst v62;
	v62 =	vld [tilespmem:$0x1A2A0]  }
0x133: {  	[tilespmem:$0x1A350] =	vst v23;
	v36 =	vadd.f32 v28, v27;
	v42 =	vld [tilespmem:$0x1FBD0]  }
0x134: {  	[tilespmem:$0x1A360] =	vst v25;
	v38 =	vadd.f32 v30, v29;
	v43 =	vld [tilespmem:$0x1FBE0]  }
0x135: {  	v63 =	vld [tilespmem:$0x1A400];
	[tilespmem:$0x1A370] =	vst v36  }
0x136: {  	v22 =	vld [tilespmem:$0x1A480];
	[tilespmem:$0x1A380] =	vst v38;
	v0 =	vadd.f32 v41, v40  }
0x137: {  	v40 =	vadd.f32 v32, v31;
	[tilespmem:$0x1FBF0] =	vst v62;
	v62 =	vadd.f32 v7, v6;
	v6 =	vld [tilespmem:$0x1A4C0]  }
0x138: {  	[tilespmem:$0x1A280] =	vst v0;
	v7 =	vld [tilespmem:$0x1A2D0]  }
0x139: {  	[tilespmem:$0x1A390] =	vst v40;
	v2 =	vadd.f32 v43, v42;
	v44 =	vld [tilespmem:$0x1FBF0]  }
0x13a: {  	v24 =	vld [tilespmem:$0x1A410];
	v42 =	vadd.f32 v34, v33;
	[tilespmem:$0x1A0B0] =	vst v62  }
0x13b: {  	v26 =	vld [tilespmem:$0x1A490];
	v62 =	vadd.f32 v11, v10;
	[tilespmem:$0x1A290] =	vst v2  }
0x13c: {  	v39 =	vld [tilespmem:$0x1A4A0];
	[tilespmem:$0x1A3A0] =	vst v42;
	v48 =	vadd.f32 v6, v5  }
0x13d: {  	v46 =	vld [tilespmem:$0x1A4C0];
	[tilespmem:$0x1A0D0] =	vst v62;
	v50 =	vadd.f32 v8, v7  }
0x13e: {  	v56 =	vld [tilespmem:$0x1A470];
	v0 =	vadd.f32 v1, v44;
	[tilespmem:$0x1A2C0] =	vst v48  }
0x13f: {  	v58 =	vld [tilespmem:$0x1A4F0];
	v1 =	vadd.f32 v45, v35;
	[tilespmem:$0x1A2D0] =	vst v50  }
0x140: {  	v41 =	vld [tilespmem:$0x1A430];
	v45 =	vadd.f32 v49, v47;
	[tilespmem:$0x1A2A0] =	vst v0  }
0x141: {  	v10 =	vld [tilespmem:$0x1A4E0];
	v47 =	vadd.f32 v53, v51;
	[tilespmem:$0x1A3B0] =	vst v1  }
0x142: {  	v11 =	vld [tilespmem:$0x1A2F0];
	v49 =	vadd.f32 v57, v55;
	[tilespmem:$0x1A3C0] =	vst v45  }
0x143: {  	v43 =	vld [tilespmem:$0x1A4B0];
	v51 =	vadd.f32 v61, v59;
	[tilespmem:$0x1A3D0] =	vst v47  }
0x144: {  	v62 =	vld [tilespmem:$0x1A4B0];
	v53 =	vadd.f32 v22, v63;
	[tilespmem:$0x1A3E0] =	vst v49  }
0x145: {  	v44 =	vld [tilespmem:$0x1A440];
	v55 =	vadd.f32 v26, v24;
	[tilespmem:$0x1A3F0] =	vst v51  }
0x146: {  	v52 =	vadd.f32 v10, v9;
	v48 =	vld [tilespmem:$0x1A450];
	[tilespmem:$0x1A400] =	vst v53  }
0x147: {  	v54 =	vadd.f32 v12, v11;
	v50 =	vld [tilespmem:$0x1A4D0];
	[tilespmem:$0x1A410] =	vst v55  }
0x148: {  	v57 =	vadd.f32 v39, v37;
	[tilespmem:$0x1A2E0] =	vst v52;
	v52 =	vld [tilespmem:$0x1A460]  }
0x149: {  	v59 =	vadd.f32 v43, v41;
	[tilespmem:$0x1A2F0] =	vst v54;
	v54 =	vld [tilespmem:$0x1A4E0]  }
0x14a: {  	v63 =	vadd.f32 v58, v56;
	[tilespmem:$0x1A420] =	vst v57  }
0x14b: {  	[tilespmem:$0x1A430] =	vst v59;
	v62 =	vadd.f32 v62, v19  }
0x14c: {  	[tilespmem:$0x1A470] =	vst v63;
	v60 =	vadd.f32 v46, v44  }
0x14d: {  	[tilespmem:$0x1A330] =	vst v62;
	v61 =	vadd.f32 v50, v48  }
0x14e: {  	[tilespmem:$0x1A440] =	vst v60;
	v62 =	vadd.f32 v54, v52  }
0x14f: {  	[tilespmem:$0x1A450] =	vst v61  }
0x150: {  	s22 =	rddreg [dreg:$0x8];
	[tilespmem:$0x1A460] =	vst v62  }
0x151: {  	[spmem:s22] =	stream.linear.scatter [tilespmem:s8], [sflag:$0x3], $0x400, $0x38;
	[tilespmem:$0x1A900] =	vst v63  }
0x152: {  	_ =	swait.ge [sflag:s6], $0x400  }
0x153: {  	[sflag:s6] =	ssyncset.done $0x0  }
0x154: {  	[sflag:s6] =	ssyncadd.s32 $0xFFFFFC00  }
0x155: {  	[bflag:$0x0] =	sbarrier.arrive $0xFFFF  }
0x156: {  	[tilespmem:s10], [sflag:$0x1] =	stream.indirect.gather [spmem:s3], $0x80, s4, s7, $0xb8;
	[tilespmem:$0x1A900] =	vst v63  }
0x157: {  	_ = 	snop  }
0x158: {  	[tilespmem:s11], [sflag:$0x1] =	stream.indirect.gather [spmem:s3], $0x80, s7, s7, $0xb8;
	[tilespmem:$0x1A900] =	vst v63  }
0x159: {  	s23 =	rddreg [dreg:$0x19]  }
0x15a: {  	[tilespmem:s12], [sflag:$0x1] =	stream.indirect.gather [spmem:s3], $0x80, s23, s7, $0xb8;
	[tilespmem:$0x1A900] =	vst v63  }
0x15b: {  	s24 =	rddreg [dreg:$0x1a]  }
0x15c: {  	[tilespmem:s14], [sflag:$0x1] =	stream.indirect.gather [spmem:s3], $0x80, s24, s13, $0xb8;
	[tilespmem:$0x1A900] =	vst v63  }
0x15d: {  	s25 =	rddreg [dreg:$0x1b]  }
0x15e: {  	[tilespmem:s15], [sflag:$0x2] =	stream.indirect.gather [spmem:s3], $0x80, s25, s7, $0xb8;
	[tilespmem:$0x1A900] =	vst v63  }
0x15f: {  	s26 =	rddreg [dreg:$0x1c]  }
0x160: {  	[tilespmem:s16], [sflag:$0x2] =	stream.indirect.gather [spmem:s3], $0x80, s26, s7, $0xb8;
	[tilespmem:$0x1A900] =	vst v63  }
0x161: {  	s28 =	rddreg [dreg:$0x1d]  }
0x162: {  	[tilespmem:s17], [sflag:$0x2] =	stream.indirect.gather [spmem:s3], $0x80, s28, s7, $0xb8;
	[tilespmem:$0x1A900] =	vst v63  }
0x163: {  	s29 =	rddreg [dreg:$0x1e]  }
0x164: {  	[tilespmem:s18], [sflag:$0x2] =	stream.indirect.gather [spmem:s3], $0x80, s29, s13, $0xb8;
	[tilespmem:$0x1A900] =	vst v63  }
0x165: {  	_ =	swait.ge [sflag:s9], $0xC800  }
0x166: {  	s30 =	rddreg [dreg:$0x1f];
	[sflag:s9] =	ssyncset.done $0x0  }
0x167: {  	s31 =	sld [smem:$0x7EB];
	[sflag:s9] =	ssyncadd.s32 $0xFFFF3800  }
0x168: {  	[tilespmem:s10], [sflag:$0x1] =	stream.indirect.gather [spmem:s3], $0x80, s30, s7, $0xb8;
	[tilespmem:$0x1A900] =	vst v63  }
0x169: {  	s22 =	sld [smem:$0x7EC]  }
0x16a: {  	[tilespmem:s11], [sflag:$0x1] =	stream.indirect.gather [spmem:s3], $0x80, s31, s7, $0xb8;
	[tilespmem:$0x1A900] =	vst v63  }
0x16b: {  	s23 =	sld [smem:$0x7ED]  }
0x16c: {  	[tilespmem:s12], [sflag:$0x1] =	stream.indirect.gather [spmem:s3], $0x80, s22, s7, $0xb8;
	[tilespmem:$0x1A900] =	vst v63  }
0x16d: {  	_ = 	snop  }
0x16e: {  	[tilespmem:s14], [sflag:$0x1] =	stream.indirect.gather [spmem:s3], $0x80, s23, s13, $0xb8;
	[tilespmem:$0x1A900] =	vst v63  }
0x16f: {  	_ =	swait.ge [sflag:s19], $0xC800  }
0x170: {  	s24 =	sld [smem:$0x7EE]  }
0x171: {  	[sflag:s19] =	ssyncset.done $0x0  }
0x172: {  	s25 =	sld [smem:$0x7EF];
	[sflag:s19] =	ssyncadd.s32 $0xFFFF3800  }
0x173: {  	[tilespmem:s15], [sflag:$0x2] =	stream.indirect.gather [spmem:s3], $0x80, s24, s7, $0xb8;
	[tilespmem:$0x1A900] =	vst v63  }
0x174: {  	s26 =	sld [smem:$0x7F0]  }
0x175: {  	[tilespmem:s16], [sflag:$0x2] =	stream.indirect.gather [spmem:s3], $0x80, s25, s7, $0xb8;
	[tilespmem:$0x1A900] =	vst v63  }
0x176: {  	s28 =	sld [smem:$0x7F1]  }
0x177: {  	[tilespmem:s17], [sflag:$0x2] =	stream.indirect.gather [spmem:s3], $0x80, s26, s7, $0xb8;
	[tilespmem:$0x1A900] =	vst v63  }
0x178: {  	_ = 	snop  }
0x179: {  	[tilespmem:s18], [sflag:$0x2] =	stream.indirect.gather [spmem:s3], $0x80, s28, s13, $0xb8;
	[tilespmem:$0x1A900] =	vst v63  }
0x17a: {  	_ =	swait.ge [sflag:s9], $0xC800  }
0x17b: {  	s29 =	sld [smem:$0x7F2]  }
0x17c: {  	[sflag:s9] =	ssyncset.done $0x0  }
0x17d: {  	s30 =	sld [smem:$0x7F3];
	[sflag:s9] =	ssyncadd.s32 $0xFFFF3800  }
0x17e: {  	[tilespmem:s10], [sflag:$0x1] =	stream.indirect.gather [spmem:s3], $0x80, s29, s7, $0xb8;
	[tilespmem:$0x1A900] =	vst v63  }
0x17f: {  	s31 =	sld [smem:$0x7F4]  }
0x180: {  	[tilespmem:s11], [sflag:$0x1] =	stream.indirect.gather [spmem:s3], $0x80, s30, s7, $0xb8;
	[tilespmem:$0x1A900] =	vst v63  }
0x181: {  	s22 =	sld [smem:$0x7F5]  }
0x182: {  	[tilespmem:s12], [sflag:$0x1] =	stream.indirect.gather [spmem:s3], $0x80, s31, s7, $0xb8;
	[tilespmem:$0x1A900] =	vst v63  }
0x183: {  	_ = 	snop  }
0x184: {  	[tilespmem:s14], [sflag:$0x1] =	stream.indirect.gather [spmem:s3], $0x80, s22, s13, $0xb8;
	[tilespmem:$0x1A900] =	vst v63  }
0x185: {  	_ =	swait.ge [sflag:s19], $0xC800  }
0x186: {  	s23 =	sld [smem:$0x7F6]  }
0x187: {  	[sflag:s19] =	ssyncset.done $0x0  }
0x188: {  	s24 =	sld [smem:$0x7F7];
	[sflag:s19] =	ssyncadd.s32 $0xFFFF3800  }
0x189: {  	[tilespmem:s15], [sflag:$0x2] =	stream.indirect.gather [spmem:s3], $0x80, s23, s7, $0xb8;
	[tilespmem:$0x1A900] =	vst v63  }
0x18a: {  	s25 =	sld [smem:$0x7F8]  }
0x18b: {  	[tilespmem:s16], [sflag:$0x2] =	stream.indirect.gather [spmem:s3], $0x80, s24, s7, $0xb8;
	[tilespmem:$0x1A900] =	vst v63  }
0x18c: {  	s26 =	sld [smem:$0x7F9]  }
0x18d: {  	[tilespmem:s17], [sflag:$0x2] =	stream.indirect.gather [spmem:s3], $0x80, s25, s7, $0xb8;
	[tilespmem:$0x1A900] =	vst v63  }
0x18e: {  	_ = 	snop  }
0x18f: {  	[tilespmem:s18], [sflag:$0x2] =	stream.indirect.gather [spmem:s3], $0x80, s26, s13, $0xb8;
	[tilespmem:$0x1A900] =	vst v63  }
0x190: {  	_ =	swait.ge [sflag:s9], $0xC800  }
0x191: {  	s28 =	sld [smem:$0x7FA]  }
0x192: {  	[sflag:s9] =	ssyncset.done $0x0  }
0x193: {  	s29 =	sld [smem:$0x7FB];
	[sflag:s9] =	ssyncadd.s32 $0xFFFF3800  }
0x194: {  	[tilespmem:s10], [sflag:$0x1] =	stream.indirect.gather [spmem:s3], $0x80, s28, s7, $0xb8;
	[tilespmem:$0x1A900] =	vst v63  }
0x195: {  	s30 =	sld [smem:$0x7FC]  }
0x196: {  	[tilespmem:s11], [sflag:$0x1] =	stream.indirect.gather [spmem:s3], $0x80, s29, s7, $0xb8;
	[tilespmem:$0x1A900] =	vst v63  }
0x197: {  	s31 =	sld [smem:$0x7FD]  }
0x198: {  	[tilespmem:s12], [sflag:$0x1] =	stream.indirect.gather [spmem:s3], $0x80, s30, s7, $0xb8;
	[tilespmem:$0x1A900] =	vst v63  }
0x199: {  	_ = 	snop  }
0x19a: {  	[tilespmem:s14], [sflag:$0x1] =	stream.indirect.gather [spmem:s3], $0x80, s31, s13, $0xb8;
	[tilespmem:$0x1A900] =	vst v63  }
0x19b: {  	_ =	swait.ge [sflag:s19], $0xC800  }
0x19c: {  	s21 =	simm.s32 @!p1 $0xAF0;
	[sflag:s19] =	ssyncset.done $0x0  }
0x19d: {  	s20 =	simm.s32 @!p1 $0x80;
	s22 =	simm.s32 @!p1 $0xD480;
	[sflag:s19] =	ssyncadd.s32 $0xFFFF3800  }
0x19e: {  	[tilespmem:s22], [sflag:$0x2] =	stream.indirect.gather @!p1 [spmem:s3], $0x80, s21, s20, $0xb8;
	[tilespmem:$0x1A900] =	vst v63  }
0x19f: {  	s21 =	simm.s32 @!p1 $0xB70;
	s22 =	simm.s32 @!p1 $0x11480  }
0x1a0: {  	[tilespmem:s22], [sflag:$0x2] =	stream.indirect.gather @!p1 [spmem:s3], $0x80, s21, s20, $0xb8;
	[tilespmem:$0x1A900] =	vst v63  }
0x1a1: {  	s21 =	simm.s32 @!p1 $0xBF0;
	s22 =	simm.s32 @!p1 $0x15480  }
0x1a2: {  	[tilespmem:s22], [sflag:$0x2] =	stream.indirect.gather @!p1 [spmem:s3], $0x80, s21, s20, $0xb8;
	[tilespmem:$0x1A900] =	vst v63  }
0x1a3: {  	s20 =	simm.s32 @!p1 $0x10;
	s21 =	simm.s32 @!p1 $0xC70;
	s22 =	simm.s32 @!p1 $0x19480  }
0x1a4: {  	[tilespmem:s22], [sflag:$0x2] =	stream.indirect.gather @!p1 [spmem:s3], $0x80, s21, s20, $0xb8;
	[tilespmem:$0x1A900] =	vst v63  }
0x1a5: {  	s5 =	sadd.s32 $0xFFFFFFFF, s5;
	s20 =	simm.s32 @!p1 $0x1  }
0x1a6: {  	p2 =	sne.s32 s5, $0x0;
	_ =	swait.ge @!p1 [sflag:s20], $0xC800  }
.Ltmp0:
0x1a7: {  	s21 =	simm.s32 @!p1 $0x2;
	[sflag:s20] =	ssyncset.done @!p1 $0x0;
	(pc) =	sbr.rel @p2 .LBB2_1-.Ltmp0, $4  }
0x1a8: {  	s21 =	simm.s32 @p1 $0x1;
	[sflag:s20] =	ssyncadd.s32 @!p1 $0xFFFF3800  }
0x1a9: {  	_ =	swait.ge [sflag:s21], $0xC800  }
0x1aa: {  	[sflag:s21] =	ssyncset.done $0x0  }
0x1ab: {  	[sflag:s21] =	ssyncadd.s32 $0xFFFF3800  }
0x1ac: {  	_ =	sfence.sel $0x180000  }
0x1ad: {  	[bflag:$0x0] =	sbarrier.arrive $0xFFFF  }
0x1ae: {  	p0 =	sne.s32 s0, $0x0;
	_ =	strace $0x90000047  }
0x1af: {  	s0 =	sadd.s32 @!p0 $0x100000, s2;
	[bflag:$0x2] =	sbarrier.arrive $0xFFFF  }
0x1b0: {  	[sflag:s0] =	ssyncadd.tile.s32 @!p0 $0x1;
	_ =	shalt  }
.Lfunc_end2:
_tile_overlayer_lowered:
.L_overlay_start_2:
0x1b1: {  	(tag) =	ssettag $0x2  }
0x1b2: {  	s0 =	rddreg [dreg:$0x0];
	s2 =	stileid.u32  }
0x1b3: {  	s1 =	rddreg [dreg:$0x1];
	p0 =	sne.s32 s2, $0x0  }
0x1b4: {  	s3 =	rddreg [dreg:$0x2];
	[bflag:$0x3] =	sbarrier.arrive $0xFFFF;
	s2 =	simm.s32 @!p0 $0x1C03  }
0x1b5: {  	[timem:s3], [sflag:s2] =	dma.local @!p0 [hbm:s0], s1  }
0x1b6: {  	s0 =	simm.s32 @!p0 $0x3  }
0x1b7: {  	_ =	swait.ge @!p0 [sflag:s0], s1  }
0x1b8: {  	s1 =	ssub.s32 @!p0 $0x0, s1;
	[sflag:s0] =	ssyncset.done @!p0 $0x0  }
0x1b9: {  	[sflag:s0] =	ssyncadd.s32 @!p0 s1  }
0x1ba: {  	[bflag:$0x3] =	sbarrier.arrive $0xFFFF  }
0x1bb: {  	_ =	shalt  }

</sc_bundles>
